<compile_context>
chip_gen: v7x
topology: tpu7x:2x2x1
jax: 0.10.2.dev20260603
libtpu: 0.0.44.dev20260713+nightly
codegen_flags: <defaults>
</compile_context>

<pallas_src>
import functools

import jax
import jax.numpy as jnp
from jax import lax
from jax.experimental import pallas as pl
from jax.experimental.pallas import tpu as pltpu
from jax.experimental.pallas import tpu_sc as plsc

N = 10000
E = 320000
D = 128

NC = 2
NS = 16
NW = NC * NS

N_PAD = 10240
ROWS_PER_SUB = N_PAD // NS
K = 128
CHUNKS = 80
E_PAD = NW * CHUNKS * K
NBUF = 2

_mesh = plsc.VectorSubcoreMesh(core_axis_name="c", subcore_axis_name="s")


def _sc_degree_one(idx2d, zeros128, ones128):
    @functools.partial(
        pl.kernel,
        out_type=jax.ShapeDtypeStruct((NC, N_PAD, D), jnp.float32),
        mesh=_mesh,
        scratch_types=[
            pltpu.VMEM((CHUNKS, K), jnp.int32),
            pltpu.VMEM((K, D), jnp.float32),
            pltpu.VMEM_SHARED((N_PAD, D), jnp.float32),
            pltpu.SemaphoreType.DMA,
        ],
    )
    def k(idx_hbm, z_hbm, o_hbm, deg_hbm, idx_v, ones_v, acc_sh, sem):
        c = lax.axis_index("c")
        s = lax.axis_index("s")
        wid = s * NC + c
        row0 = s * ROWS_PER_SUB
        pltpu.sync_copy(z_hbm, acc_sh.at[pl.ds(row0, ROWS_PER_SUB)])
        pltpu.sync_copy(o_hbm, ones_v)
        pltpu.sync_copy(idx_hbm.at[wid], idx_v)
        plsc.subcore_barrier()

        @pl.loop(0, CHUNKS // 8)
        def _(r):
            for u in range(8):
                pltpu.async_copy(
                    ones_v, acc_sh.at[idx_v.at[r * 8 + u]], sem, add=True)
            for u in range(8):
                pltpu.make_async_copy(
                    ones_v, acc_sh.at[idx_v.at[r * 8 + u]], sem).wait()

        plsc.subcore_barrier()
        pltpu.sync_copy(acc_sh.at[pl.ds(row0, ROWS_PER_SUB)],
                        deg_hbm.at[c, pl.ds(row0, ROWS_PER_SUB)])

    return k(idx2d, zeros128, ones128)


KM = 80
E_PER_TILE = E // NW
CHUNKS_M = E_PER_TILE // KM


def _sc_msgpass(table, src, dst, zeros128):
    @functools.partial(
        pl.kernel,
        out_type=jax.ShapeDtypeStruct((NC, N_PAD, D), jnp.float32),
        mesh=_mesh,
        scratch_types=(
            [pltpu.VMEM((KM,), jnp.int32)] * 8
            + [pltpu.VMEM((KM, D), jnp.float32)] * 2
            + [pltpu.SemaphoreType.DMA] * 10
            + [pltpu.VMEM_SHARED((N_PAD, D), jnp.float32)]
        ),
    )
    def k(t_hbm, src_hbm, dst_hbm, z_hbm, out_hbm,
          sv0, sv1, sv2, sv3, dv0, dv1, dv2, dv3, rw0, rw1,
          fs0, fs1, fs2, fs3, fd0, fd1, fd2, fd3, sc0, sc1, acc_sh):
        srcs = [sv0, sv1, sv2, sv3]
        dsts = [dv0, dv1, dv2, dv3]
        fsem = [(fs0, fd0), (fs1, fd1), (fs2, fd2), (fs3, fd3)]
        rows = [rw0, rw1]
        ssem = [sc0, sc1]
        c = lax.axis_index("c")
        s = lax.axis_index("s")
        wid = s * NC + c
        row0 = s * ROWS_PER_SUB
        tile0 = wid * E_PER_TILE

        def fetch(j, base):
            pltpu.async_copy(src_hbm.at[pl.ds(base, KM)], srcs[j], fsem[j][0])
            pltpu.async_copy(dst_hbm.at[pl.ds(base, KM)], dsts[j], fsem[j][1])

        def wait_fetch(j, base):
            pltpu.make_async_copy(
                src_hbm.at[pl.ds(base, KM)], srcs[j], fsem[j][0]).wait()
            pltpu.make_async_copy(
                dst_hbm.at[pl.ds(base, KM)], dsts[j], fsem[j][1]).wait()

        def wait_scatter(b, j):
            pltpu.make_async_copy(
                rows[b], acc_sh.at[dsts[j]], ssem[b]).wait()

        for j in range(2):
            fetch(j, tile0 + j * KM)
        pltpu.sync_copy(z_hbm, acc_sh.at[pl.ds(row0, ROWS_PER_SUB)])
        plsc.subcore_barrier()

        @pl.loop(0, (CHUNKS_M - 1) // 4)
        def _(r):
            i0 = 4 * r
            for j in range(4):
                b = j % 2
                i = i0 + j
                wait_fetch(j, tile0 + i * KM)
                if j < 2:
                    @pl.when(r > 0)
                    def _():
                        wait_scatter(b, (j + 2) % 4)
                else:
                    wait_scatter(b, (j + 2) % 4)
                pltpu.sync_copy(t_hbm.at[srcs[j]], rows[b])
                pltpu.async_copy(rows[b], acc_sh.at[dsts[j]], ssem[b],
                                 add=True)
                nj = (j + 2) % 4
                if j == 3:
                    @pl.when(r < (CHUNKS_M - 1) // 4 - 1)
                    def _():
                        fetch(nj, tile0 + (i + 2) * KM)
                else:
                    fetch(nj, tile0 + (i + 2) * KM)

        last = CHUNKS_M - 1
        wait_fetch(0, tile0 + last * KM)
        wait_scatter(0, 2)
        pltpu.sync_copy(t_hbm.at[srcs[0]], rows[0])
        pltpu.sync_copy(rows[0], acc_sh.at[dsts[0]], add=True)
        wait_scatter(1, 3)

        plsc.subcore_barrier()
        pltpu.sync_copy(acc_sh.at[pl.ds(row0, ROWS_PER_SUB)],
                        out_hbm.at[c, pl.ds(row0, ROWS_PER_SUB)])

    return k(table, src, dst, zeros128)


BR = 2000
NBLK = N // BR


def _norm_from_deg(dref):
    d0 = (dref[0] + dref[1])[:, 0:1]
    return jnp.where(d0 > 0.0, lax.rsqrt(jnp.maximum(d0, 1.0)), 0.0)


def _tc_prescale_body(x_ref, dgo_ref, o_ref):
    ns = _norm_from_deg(dgo_ref[...])
    o_ref[...] = x_ref[...] * ns


def _tc_prescale(x, dgo):
    return pl.pallas_call(
        _tc_prescale_body,
        grid=(NBLK,),
        in_specs=[
            pl.BlockSpec((BR, D), lambda i: (i, 0)),
            pl.BlockSpec((NC, BR, D), lambda i: (0, i, 0)),
        ],
        out_specs=pl.BlockSpec((BR, D), lambda i: (i, 0)),
        out_shape=jax.ShapeDtypeStruct((N_PAD, D), jnp.float32),
    )(x, dgo)


def _tc_mid_body(p_ref, dgi_ref, dgo_ref, w_ref, b_ref, o_ref):
    nd = _norm_from_deg(dgi_ref[...])
    agg = (p_ref[0] + p_ref[1]) * nd
    y = jnp.dot(agg, w_ref[...], preferred_element_type=jnp.float32)
    h = jnp.maximum(y + b_ref[...], 0.0)
    ns = _norm_from_deg(dgo_ref[...])
    o_ref[...] = h * ns


def _tc_mid(p, dgi, dgo, w, b):
    return pl.pallas_call(
        _tc_mid_body,
        grid=(NBLK,),
        in_specs=[
            pl.BlockSpec((NC, BR, D), lambda i: (0, i, 0)),
            pl.BlockSpec((NC, BR, D), lambda i: (0, i, 0)),
            pl.BlockSpec((NC, BR, D), lambda i: (0, i, 0)),
            pl.BlockSpec((D, D), lambda i: (0, 0)),
            pl.BlockSpec((1, D), lambda i: (0, 0)),
        ],
        out_specs=pl.BlockSpec((BR, D), lambda i: (i, 0)),
        out_shape=jax.ShapeDtypeStruct((N_PAD, D), jnp.float32),
    )(p, dgi, dgo, w, b)


def _tc_final_body(p_ref, dgi_ref, w_ref, b_ref, o_ref):
    nd = _norm_from_deg(dgi_ref[...])
    agg = (p_ref[0] + p_ref[1]) * nd
    y = jnp.dot(agg, w_ref[...], preferred_element_type=jnp.float32)
    o_ref[...] = jnp.maximum(y + b_ref[...], 0.0)


def _tc_final(p, dgi, w, b):
    return pl.pallas_call(
        _tc_final_body,
        grid=(NBLK,),
        in_specs=[
            pl.BlockSpec((NC, BR, D), lambda i: (0, i, 0)),
            pl.BlockSpec((NC, BR, D), lambda i: (0, i, 0)),
            pl.BlockSpec((D, D), lambda i: (0, 0)),
            pl.BlockSpec((1, D), lambda i: (0, 0)),
        ],
        out_specs=pl.BlockSpec((BR, D), lambda i: (i, 0)),
        out_shape=jax.ShapeDtypeStruct((N, D), jnp.float32),
    )(p, dgi, w, b)


def kernel(x, edge_index, W1, b1, W2, b2):
    pad = jnp.full((E_PAD - E,), N, jnp.int32)
    src2d = jnp.concatenate([edge_index[0], pad]).reshape(NW, CHUNKS, K)
    dst2d = jnp.concatenate([edge_index[1], pad]).reshape(NW, CHUNKS, K)
    ones128 = jnp.ones((K, D), jnp.float32)
    zeros128 = jnp.zeros((ROWS_PER_SUB, D), jnp.float32)
    b1r = b1.reshape(1, D)
    b2r = b2.reshape(1, D)

    dgo = _sc_degree_one(src2d, zeros128, ones128)
    t0 = _tc_prescale(x, dgo)
    dgi = _sc_degree_one(dst2d, zeros128, ones128)
    p1 = _sc_msgpass(t0, edge_index[0], edge_index[1], zeros128)
    t1 = _tc_mid(p1, dgi, dgo, W1, b1r)
    p2 = _sc_msgpass(t1, edge_index[0], edge_index[1], zeros128)
    out = _tc_final(p2, dgi, W2, b2r)
    return out

# --- scband reference (transcript-rebuilt; emitter-appended) ---
"""Pipeline reference for scband-gnn-38920993636553 (READ-ONLY COPY).

The authoritative reference and input builder live on the scoring server;
editing this copy changes nothing except your own understanding.
"""

import jax, jax.numpy as jnp
import numpy as np

N = 10000
E = 320000
D = 128


def setup_inputs(seed: int = 0) -> dict:
    key = jax.random.key(seed)
    k1, k2, k3, k4, k5, k6 = jax.random.split(key, 6)
    x = jax.random.normal(k1, (N, D), dtype=jnp.float32)
    edge_index = jax.random.randint(k2, (2, E), 0, N, dtype=jnp.int32)
    W1 = jax.random.normal(k3, (D, D), dtype=jnp.float32) * 0.05
    b1 = jnp.zeros((D,), dtype=jnp.float32)
    W2 = jax.random.normal(k4, (D, D), dtype=jnp.float32) * 0.05
    b2 = jnp.zeros((D,), dtype=jnp.float32)
    return {"x": x, "edge_index": edge_index, "W1": W1, "b1": b1, "W2": W2, "b2": b2}


def _gcn_layer(h, W, b, src, dst, n_nodes):
    # DGL GraphConv with norm='both', allow_zero_in_degree=True:
    # h_out = D_dst^{-1/2} * A^T * (D_src^{-1/2} * h) @ W + b
    e = src.shape[0]
    ones = jnp.ones((e,), dtype=h.dtype)
    deg_out = jax.ops.segment_sum(ones, src, num_segments=n_nodes)
    deg_in = jax.ops.segment_sum(ones, dst, num_segments=n_nodes)
    norm_src = jnp.where(deg_out > 0, jnp.maximum(deg_out, 1.0) ** -0.5, 0.0)
    norm_dst = jnp.where(deg_in > 0, jnp.maximum(deg_in, 1.0) ** -0.5, 0.0)
    h = h * norm_src[:, None]
    msg = jnp.take(h, src, axis=0)
    agg = jax.ops.segment_sum(msg, dst, num_segments=n_nodes)
    agg = agg * norm_dst[:, None]
    return agg @ W + b


def reference(x, edge_index, W1, b1, W2, b2):
    src = edge_index[0]
    dst = edge_index[1]
    h = _gcn_layer(x, W1, b1, src, dst, N)
    h = jax.nn.relu(h)
    h = _gcn_layer(h, W2, b2, src, dst, N)
    h = jax.nn.relu(h)
    return h

if __name__ == "__main__":
    import jax
    _d = setup_inputs()
    print(jax.jit(kernel)(*tuple(_d.values())))

</pallas_src>

<mosaic_0001>
#map = affine_map<(d0, d1) -> (0, 0, 0)>
#map1 = affine_map<(d0, d1) -> (0, 0)>
module attributes {stable_mosaic.version = 14 : i64} {
  func.func @k(%arg0: i32, %arg1: i32, %arg2: memref<32x80x128xi32, #tpu.memory_space<hbm>>, %arg3: memref<640x128xf32, #tpu.memory_space<hbm>>, %arg4: memref<128x128xf32, #tpu.memory_space<hbm>>, %arg5: memref<2x10240x128xf32, #tpu.memory_space<hbm>>, %arg6: memref<80x128xi32, #tpu.memory_space<vmem>>, %arg7: memref<128x128xf32, #tpu.memory_space<vmem>>, %arg8: memref<10240x128xf32, #tpu.memory_space<vmem_shared>>, %arg9: memref<!tpu.dma_semaphore, #tpu.memory_space<semaphore_mem>>) attributes {dimension_semantics = [#tpu.dimension_semantics<core_parallel>, #tpu.dimension_semantics<subcore_parallel>], iteration_bounds = array<i64: 2, 16>, scalar_prefetch = 0 : i64, scratch_operands = 4 : i64, tpu.core_type = #tpu.core_type<sc_vector_subcore>, window_params = [{transform_indices = #map}, {transform_indices = #map1}, {transform_indices = #map1}, {transform_indices = #map}]} {
    %mul3A = arith.constant 2 : i32
    %mul3A_0 = arith.muli %arg1, %mul3A : i32
    %add3A = arith.addi %mul3A_0, %arg0 : i32
    %mul3A_1 = arith.constant 640 : i32
    %mul3A_2 = arith.muli %arg1, %mul3A_1 : i32
    "tpu.region"() ({
      %run_scoped3A = tpu.sem_alloc : memref<!tpu.dma_semaphore, #tpu.memory_space<semaphore_mem>>
      %dma_start3A = arith.constant 0 : i32
      %dma_start3A_8 = tpu.memref_slice %arg8[%mul3A_2, %dma_start3A] : memref<10240x128xf32, #tpu.memory_space<vmem_shared>> -> memref<640x128xf32, #tpu.memory_space<vmem_shared>>
      tpu.enqueue_dma source(%arg3 : memref<640x128xf32, #tpu.memory_space<hbm>>) target(%dma_start3A_8 : memref<640x128xf32, #tpu.memory_space<vmem_shared>>) target_semaphore(%run_scoped3A : memref<!tpu.dma_semaphore, #tpu.memory_space<semaphore_mem>>)
      %dma_wait3A = arith.constant 0 : i32
      %dma_wait3A_9 = tpu.memref_slice %arg8[%mul3A_2, %dma_wait3A] : memref<10240x128xf32, #tpu.memory_space<vmem_shared>> -> memref<640x128xf32, #tpu.memory_space<vmem_shared>>
      tpu.wait_dma2 semaphore(%run_scoped3A : memref<!tpu.dma_semaphore, #tpu.memory_space<semaphore_mem>>) src(%arg3 : memref<640x128xf32, #tpu.memory_space<hbm>>) dst(%dma_wait3A_9 : memref<640x128xf32, #tpu.memory_space<vmem_shared>>)
      tpu.yield
    }) : () -> ()
    "tpu.region"() ({
      %run_scoped3A = tpu.sem_alloc : memref<!tpu.dma_semaphore, #tpu.memory_space<semaphore_mem>>
      tpu.enqueue_dma source(%arg4 : memref<128x128xf32, #tpu.memory_space<hbm>>) target(%arg7 : memref<128x128xf32, #tpu.memory_space<vmem>>) target_semaphore(%run_scoped3A : memref<!tpu.dma_semaphore, #tpu.memory_space<semaphore_mem>>)
      tpu.wait_dma2 semaphore(%run_scoped3A : memref<!tpu.dma_semaphore, #tpu.memory_space<semaphore_mem>>) src(%arg4 : memref<128x128xf32, #tpu.memory_space<hbm>>) dst(%arg7 : memref<128x128xf32, #tpu.memory_space<vmem>>)
      tpu.yield
    }) : () -> ()
    "tpu.region"() ({
      %run_scoped3A = tpu.sem_alloc : memref<!tpu.dma_semaphore, #tpu.memory_space<semaphore_mem>>
      %dma_start3A = arith.constant 0 : i32
      %dma_start3A_8 = arith.constant 0 : i32
      %dma_start3A_9 = tpu.memref_slice %arg2[%add3A, %dma_start3A, %dma_start3A_8] : memref<32x80x128xi32, #tpu.memory_space<hbm>> -> memref<1x80x128xi32, #tpu.memory_space<hbm>>
      %dma_start3A_10 = tpu.memref_squeeze %dma_start3A_9 : memref<1x80x128xi32, #tpu.memory_space<hbm>> -> memref<80x128xi32, #tpu.memory_space<hbm>>
      %dma_start3A_11 = arith.constant 0 : i32
      %dma_start3A_12 = arith.constant 0 : i32
      %dma_start3A_13 = tpu.memref_slice %arg2[%add3A, %dma_start3A_11, %dma_start3A_12] : memref<32x80x128xi32, #tpu.memory_space<hbm>> -> memref<1x80x128xi32, #tpu.memory_space<hbm>>
      %dma_start3A_14 = tpu.memref_squeeze %dma_start3A_13 : memref<1x80x128xi32, #tpu.memory_space<hbm>> -> memref<80x128xi32, #tpu.memory_space<hbm>>
      tpu.enqueue_dma source(%dma_start3A_14 : memref<80x128xi32, #tpu.memory_space<hbm>>) target(%arg6 : memref<80x128xi32, #tpu.memory_space<vmem>>) target_semaphore(%run_scoped3A : memref<!tpu.dma_semaphore, #tpu.memory_space<semaphore_mem>>)
      %dma_wait3A = arith.constant 0 : i32
      %dma_wait3A_15 = arith.constant 0 : i32
      %dma_wait3A_16 = tpu.memref_slice %arg2[%add3A, %dma_wait3A, %dma_wait3A_15] : memref<32x80x128xi32, #tpu.memory_space<hbm>> -> memref<1x80x128xi32, #tpu.memory_space<hbm>>
      %dma_wait3A_17 = tpu.memref_squeeze %dma_wait3A_16 : memref<1x80x128xi32, #tpu.memory_space<hbm>> -> memref<80x128xi32, #tpu.memory_space<hbm>>
      %dma_wait3A_18 = arith.constant 0 : i32
      %dma_wait3A_19 = arith.constant 0 : i32
      %dma_wait3A_20 = tpu.memref_slice %arg2[%add3A, %dma_wait3A_18, %dma_wait3A_19] : memref<32x80x128xi32, #tpu.memory_space<hbm>> -> memref<1x80x128xi32, #tpu.memory_space<hbm>>
      %dma_wait3A_21 = tpu.memref_squeeze %dma_wait3A_20 : memref<1x80x128xi32, #tpu.memory_space<hbm>> -> memref<80x128xi32, #tpu.memory_space<hbm>>
      tpu.wait_dma2 semaphore(%run_scoped3A : memref<!tpu.dma_semaphore, #tpu.memory_space<semaphore_mem>>) src(%dma_wait3A_21 : memref<80x128xi32, #tpu.memory_space<hbm>>) dst(%arg6 : memref<80x128xi32, #tpu.memory_space<vmem>>)
      tpu.yield
    }) : () -> ()
    %barrier3A = arith.constant 0 : index
    tpu.barrier barrier_id(%barrier3A)
    %scan3A = arith.constant 0 : i32
    %scan3A_3 = arith.constant 10 : i32
    %scan3A_4 = arith.addi %scan3A, %scan3A_3 : i32
    %scan3A_5 = arith.constant 1 : i32
    scf.for %scan3A_8 = %scan3A to %scan3A_4 step %scan3A_5  : i32 {
      %mul3A_9 = arith.constant 1 : i32
      %mul3A_10 = arith.muli %scan3A_8, %mul3A_9 : i32
      %add3A_11 = arith.constant 0 : i32
      %add3A_12 = arith.addi %add3A_11, %mul3A_10 : i32
      %mul3A_13 = arith.constant 8 : i32
      %mul3A_14 = arith.muli %add3A_12, %mul3A_13 : i32
      %add3A_15 = arith.constant 0 : i32
      %add3A_16 = arith.addi %mul3A_14, %add3A_15 : i32
      %dma_start3A = arith.constant 0 : i32
      %dma_start3A_17 = tpu.memref_slice %arg6[%add3A_16, %dma_start3A] : memref<80x128xi32, #tpu.memory_space<vmem>> -> memref<1x128xi32, #tpu.memory_space<vmem>>
      %dma_start3A_18 = tpu.memref_squeeze %dma_start3A_17 : memref<1x128xi32, #tpu.memory_space<vmem>> -> memref<128xi32, #tpu.memory_space<vmem>>
      %dma_start3A_19 = arith.constant 0 : i32
      %dma_start3A_20 = arith.constant 0 : i32
      %dma_start3A_21 = tpu.memref_slice %arg8[%dma_start3A_19, %dma_start3A_20] : memref<10240x128xf32, #tpu.memory_space<vmem_shared>> -> memref<10240x128xf32, #tpu.memory_space<vmem_shared>>
      tpu.enqueue_indirect_dma source(%arg7 : memref<128x128xf32, #tpu.memory_space<vmem>>) target(%dma_start3A_21 : memref<10240x128xf32, #tpu.memory_space<vmem_shared>>) offsets(%dma_start3A_18 : memref<128xi32, #tpu.memory_space<vmem>>) semaphore(%arg9 : memref<!tpu.dma_semaphore, #tpu.memory_space<semaphore_mem>>) {add = true}
      %mul3A_22 = arith.constant 8 : i32
      %mul3A_23 = arith.muli %add3A_12, %mul3A_22 : i32
      %add3A_24 = arith.constant 1 : i32
      %add3A_25 = arith.addi %mul3A_23, %add3A_24 : i32
      %dma_start3A_26 = arith.constant 0 : i32
      %dma_start3A_27 = tpu.memref_slice %arg6[%add3A_25, %dma_start3A_26] : memref<80x128xi32, #tpu.memory_space<vmem>> -> memref<1x128xi32, #tpu.memory_space<vmem>>
      %dma_start3A_28 = tpu.memref_squeeze %dma_start3A_27 : memref<1x128xi32, #tpu.memory_space<vmem>> -> memref<128xi32, #tpu.memory_space<vmem>>
      %dma_start3A_29 = arith.constant 0 : i32
      %dma_start3A_30 = arith.constant 0 : i32
      %dma_start3A_31 = tpu.memref_slice %arg8[%dma_start3A_29, %dma_start3A_30] : memref<10240x128xf32, #tpu.memory_space<vmem_shared>> -> memref<10240x128xf32, #tpu.memory_space<vmem_shared>>
      tpu.enqueue_indirect_dma source(%arg7 : memref<128x128xf32, #tpu.memory_space<vmem>>) target(%dma_start3A_31 : memref<10240x128xf32, #tpu.memory_space<vmem_shared>>) offsets(%dma_start3A_28 : memref<128xi32, #tpu.memory_space<vmem>>) semaphore(%arg9 : memref<!tpu.dma_semaphore, #tpu.memory_space<semaphore_mem>>) {add = true}
      %mul3A_32 = arith.constant 8 : i32
      %mul3A_33 = arith.muli %add3A_12, %mul3A_32 : i32
      %add3A_34 = arith.constant 2 : i32
      %add3A_35 = arith.addi %mul3A_33, %add3A_34 : i32
      %dma_start3A_36 = arith.constant 0 : i32
      %dma_start3A_37 = tpu.memref_slice %arg6[%add3A_35, %dma_start3A_36] : memref<80x128xi32, #tpu.memory_space<vmem>> -> memref<1x128xi32, #tpu.memory_space<vmem>>
      %dma_start3A_38 = tpu.memref_squeeze %dma_start3A_37 : memref<1x128xi32, #tpu.memory_space<vmem>> -> memref<128xi32, #tpu.memory_space<vmem>>
      %dma_start3A_39 = arith.constant 0 : i32
      %dma_start3A_40 = arith.constant 0 : i32
      %dma_start3A_41 = tpu.memref_slice %arg8[%dma_start3A_39, %dma_start3A_40] : memref<10240x128xf32, #tpu.memory_space<vmem_shared>> -> memref<10240x128xf32, #tpu.memory_space<vmem_shared>>
      tpu.enqueue_indirect_dma source(%arg7 : memref<128x128xf32, #tpu.memory_space<vmem>>) target(%dma_start3A_41 : memref<10240x128xf32, #tpu.memory_space<vmem_shared>>) offsets(%dma_start3A_38 : memref<128xi32, #tpu.memory_space<vmem>>) semaphore(%arg9 : memref<!tpu.dma_semaphore, #tpu.memory_space<semaphore_mem>>) {add = true}
      %mul3A_42 = arith.constant 8 : i32
      %mul3A_43 = arith.muli %add3A_12, %mul3A_42 : i32
      %add3A_44 = arith.constant 3 : i32
      %add3A_45 = arith.addi %mul3A_43, %add3A_44 : i32
      %dma_start3A_46 = arith.constant 0 : i32
      %dma_start3A_47 = tpu.memref_slice %arg6[%add3A_45, %dma_start3A_46] : memref<80x128xi32, #tpu.memory_space<vmem>> -> memref<1x128xi32, #tpu.memory_space<vmem>>
      %dma_start3A_48 = tpu.memref_squeeze %dma_start3A_47 : memref<1x128xi32, #tpu.memory_space<vmem>> -> memref<128xi32, #tpu.memory_space<vmem>>
      %dma_start3A_49 = arith.constant 0 : i32
      %dma_start3A_50 = arith.constant 0 : i32
      %dma_start3A_51 = tpu.memref_slice %arg8[%dma_start3A_49, %dma_start3A_50] : memref<10240x128xf32, #tpu.memory_space<vmem_shared>> -> memref<10240x128xf32, #tpu.memory_space<vmem_shared>>
      tpu.enqueue_indirect_dma source(%arg7 : memref<128x128xf32, #tpu.memory_space<vmem>>) target(%dma_start3A_51 : memref<10240x128xf32, #tpu.memory_space<vmem_shared>>) offsets(%dma_start3A_48 : memref<128xi32, #tpu.memory_space<vmem>>) semaphore(%arg9 : memref<!tpu.dma_semaphore, #tpu.memory_space<semaphore_mem>>) {add = true}
      %mul3A_52 = arith.constant 8 : i32
      %mul3A_53 = arith.muli %add3A_12, %mul3A_52 : i32
      %add3A_54 = arith.constant 4 : i32
      %add3A_55 = arith.addi %mul3A_53, %add3A_54 : i32
      %dma_start3A_56 = arith.constant 0 : i32
      %dma_start3A_57 = tpu.memref_slice %arg6[%add3A_55, %dma_start3A_56] : memref<80x128xi32, #tpu.memory_space<vmem>> -> memref<1x128xi32, #tpu.memory_space<vmem>>
      %dma_start3A_58 = tpu.memref_squeeze %dma_start3A_57 : memref<1x128xi32, #tpu.memory_space<vmem>> -> memref<128xi32, #tpu.memory_space<vmem>>
      %dma_start3A_59 = arith.constant 0 : i32
      %dma_start3A_60 = arith.constant 0 : i32
      %dma_start3A_61 = tpu.memref_slice %arg8[%dma_start3A_59, %dma_start3A_60] : memref<10240x128xf32, #tpu.memory_space<vmem_shared>> -> memref<10240x128xf32, #tpu.memory_space<vmem_shared>>
      tpu.enqueue_indirect_dma source(%arg7 : memref<128x128xf32, #tpu.memory_space<vmem>>) target(%dma_start3A_61 : memref<10240x128xf32, #tpu.memory_space<vmem_shared>>) offsets(%dma_start3A_58 : memref<128xi32, #tpu.memory_space<vmem>>) semaphore(%arg9 : memref<!tpu.dma_semaphore, #tpu.memory_space<semaphore_mem>>) {add = true}
      %mul3A_62 = arith.constant 8 : i32
      %mul3A_63 = arith.muli %add3A_12, %mul3A_62 : i32
      %add3A_64 = arith.constant 5 : i32
      %add3A_65 = arith.addi %mul3A_63, %add3A_64 : i32
      %dma_start3A_66 = arith.constant 0 : i32
      %dma_start3A_67 = tpu.memref_slice %arg6[%add3A_65, %dma_start3A_66] : memref<80x128xi32, #tpu.memory_space<vmem>> -> memref<1x128xi32, #tpu.memory_space<vmem>>
      %dma_start3A_68 = tpu.memref_squeeze %dma_start3A_67 : memref<1x128xi32, #tpu.memory_space<vmem>> -> memref<128xi32, #tpu.memory_space<vmem>>
      %dma_start3A_69 = arith.constant 0 : i32
      %dma_start3A_70 = arith.constant 0 : i32
      %dma_start3A_71 = tpu.memref_slice %arg8[%dma_start3A_69, %dma_start3A_70] : memref<10240x128xf32, #tpu.memory_space<vmem_shared>> -> memref<10240x128xf32, #tpu.memory_space<vmem_shared>>
      tpu.enqueue_indirect_dma source(%arg7 : memref<128x128xf32, #tpu.memory_space<vmem>>) target(%dma_start3A_71 : memref<10240x128xf32, #tpu.memory_space<vmem_shared>>) offsets(%dma_start3A_68 : memref<128xi32, #tpu.memory_space<vmem>>) semaphore(%arg9 : memref<!tpu.dma_semaphore, #tpu.memory_space<semaphore_mem>>) {add = true}
      %mul3A_72 = arith.constant 8 : i32
      %mul3A_73 = arith.muli %add3A_12, %mul3A_72 : i32
      %add3A_74 = arith.constant 6 : i32
      %add3A_75 = arith.addi %mul3A_73, %add3A_74 : i32
      %dma_start3A_76 = arith.constant 0 : i32
      %dma_start3A_77 = tpu.memref_slice %arg6[%add3A_75, %dma_start3A_76] : memref<80x128xi32, #tpu.memory_space<vmem>> -> memref<1x128xi32, #tpu.memory_space<vmem>>
      %dma_start3A_78 = tpu.memref_squeeze %dma_start3A_77 : memref<1x128xi32, #tpu.memory_space<vmem>> -> memref<128xi32, #tpu.memory_space<vmem>>
      %dma_start3A_79 = arith.constant 0 : i32
      %dma_start3A_80 = arith.constant 0 : i32
      %dma_start3A_81 = tpu.memref_slice %arg8[%dma_start3A_79, %dma_start3A_80] : memref<10240x128xf32, #tpu.memory_space<vmem_shared>> -> memref<10240x128xf32, #tpu.memory_space<vmem_shared>>
      tpu.enqueue_indirect_dma source(%arg7 : memref<128x128xf32, #tpu.memory_space<vmem>>) target(%dma_start3A_81 : memref<10240x128xf32, #tpu.memory_space<vmem_shared>>) offsets(%dma_start3A_78 : memref<128xi32, #tpu.memory_space<vmem>>) semaphore(%arg9 : memref<!tpu.dma_semaphore, #tpu.memory_space<semaphore_mem>>) {add = true}
      %mul3A_82 = arith.constant 8 : i32
      %mul3A_83 = arith.muli %add3A_12, %mul3A_82 : i32
      %add3A_84 = arith.constant 7 : i32
      %add3A_85 = arith.addi %mul3A_83, %add3A_84 : i32
      %dma_start3A_86 = arith.constant 0 : i32
      %dma_start3A_87 = tpu.memref_slice %arg6[%add3A_85, %dma_start3A_86] : memref<80x128xi32, #tpu.memory_space<vmem>> -> memref<1x128xi32, #tpu.memory_space<vmem>>
      %dma_start3A_88 = tpu.memref_squeeze %dma_start3A_87 : memref<1x128xi32, #tpu.memory_space<vmem>> -> memref<128xi32, #tpu.memory_space<vmem>>
      %dma_start3A_89 = arith.constant 0 : i32
      %dma_start3A_90 = arith.constant 0 : i32
      %dma_start3A_91 = tpu.memref_slice %arg8[%dma_start3A_89, %dma_start3A_90] : memref<10240x128xf32, #tpu.memory_space<vmem_shared>> -> memref<10240x128xf32, #tpu.memory_space<vmem_shared>>
      tpu.enqueue_indirect_dma source(%arg7 : memref<128x128xf32, #tpu.memory_space<vmem>>) target(%dma_start3A_91 : memref<10240x128xf32, #tpu.memory_space<vmem_shared>>) offsets(%dma_start3A_88 : memref<128xi32, #tpu.memory_space<vmem>>) semaphore(%arg9 : memref<!tpu.dma_semaphore, #tpu.memory_space<semaphore_mem>>) {add = true}
      %mul3A_92 = arith.constant 8 : i32
      %mul3A_93 = arith.muli %add3A_12, %mul3A_92 : i32
      %add3A_94 = arith.constant 0 : i32
      %add3A_95 = arith.addi %mul3A_93, %add3A_94 : i32
      %dma_wait3A = arith.constant 0 : i32
      %dma_wait3A_96 = tpu.memref_slice %arg6[%add3A_95, %dma_wait3A] : memref<80x128xi32, #tpu.memory_space<vmem>> -> memref<1x128xi32, #tpu.memory_space<vmem>>
      %dma_wait3A_97 = tpu.memref_squeeze %dma_wait3A_96 : memref<1x128xi32, #tpu.memory_space<vmem>> -> memref<128xi32, #tpu.memory_space<vmem>>
      %dma_wait3A_98 = arith.constant 0 : i32
      %dma_wait3A_99 = arith.constant 0 : i32
      %dma_wait3A_100 = tpu.memref_slice %arg8[%dma_wait3A_98, %dma_wait3A_99] : memref<10240x128xf32, #tpu.memory_space<vmem_shared>> -> memref<10240x128xf32, #tpu.memory_space<vmem_shared>>
      tpu.wait_indirect_dma semaphore(%arg9 : memref<!tpu.dma_semaphore, #tpu.memory_space<semaphore_mem>>) src(%arg7 : memref<128x128xf32, #tpu.memory_space<vmem>>) dst(%dma_wait3A_100 : memref<10240x128xf32, #tpu.memory_space<vmem_shared>>)
      %mul3A_101 = arith.constant 8 : i32
      %mul3A_102 = arith.muli %add3A_12, %mul3A_101 : i32
      %add3A_103 = arith.constant 1 : i32
      %add3A_104 = arith.addi %mul3A_102, %add3A_103 : i32
      %dma_wait3A_105 = arith.constant 0 : i32
      %dma_wait3A_106 = tpu.memref_slice %arg6[%add3A_104, %dma_wait3A_105] : memref<80x128xi32, #tpu.memory_space<vmem>> -> memref<1x128xi32, #tpu.memory_space<vmem>>
      %dma_wait3A_107 = tpu.memref_squeeze %dma_wait3A_106 : memref<1x128xi32, #tpu.memory_space<vmem>> -> memref<128xi32, #tpu.memory_space<vmem>>
      %dma_wait3A_108 = arith.constant 0 : i32
      %dma_wait3A_109 = arith.constant 0 : i32
      %dma_wait3A_110 = tpu.memref_slice %arg8[%dma_wait3A_108, %dma_wait3A_109] : memref<10240x128xf32, #tpu.memory_space<vmem_shared>> -> memref<10240x128xf32, #tpu.memory_space<vmem_shared>>
      tpu.wait_indirect_dma semaphore(%arg9 : memref<!tpu.dma_semaphore, #tpu.memory_space<semaphore_mem>>) src(%arg7 : memref<128x128xf32, #tpu.memory_space<vmem>>) dst(%dma_wait3A_110 : memref<10240x128xf32, #tpu.memory_space<vmem_shared>>)
      %mul3A_111 = arith.constant 8 : i32
      %mul3A_112 = arith.muli %add3A_12, %mul3A_111 : i32
      %add3A_113 = arith.constant 2 : i32
      %add3A_114 = arith.addi %mul3A_112, %add3A_113 : i32
      %dma_wait3A_115 = arith.constant 0 : i32
      %dma_wait3A_116 = tpu.memref_slice %arg6[%add3A_114, %dma_wait3A_115] : memref<80x128xi32, #tpu.memory_space<vmem>> -> memref<1x128xi32, #tpu.memory_space<vmem>>
      %dma_wait3A_117 = tpu.memref_squeeze %dma_wait3A_116 : memref<1x128xi32, #tpu.memory_space<vmem>> -> memref<128xi32, #tpu.memory_space<vmem>>
      %dma_wait3A_118 = arith.constant 0 : i32
      %dma_wait3A_119 = arith.constant 0 : i32
      %dma_wait3A_120 = tpu.memref_slice %arg8[%dma_wait3A_118, %dma_wait3A_119] : memref<10240x128xf32, #tpu.memory_space<vmem_shared>> -> memref<10240x128xf32, #tpu.memory_space<vmem_shared>>
      tpu.wait_indirect_dma semaphore(%arg9 : memref<!tpu.dma_semaphore, #tpu.memory_space<semaphore_mem>>) src(%arg7 : memref<128x128xf32, #tpu.memory_space<vmem>>) dst(%dma_wait3A_120 : memref<10240x128xf32, #tpu.memory_space<vmem_shared>>)
      %mul3A_121 = arith.constant 8 : i32
      %mul3A_122 = arith.muli %add3A_12, %mul3A_121 : i32
      %add3A_123 = arith.constant 3 : i32
      %add3A_124 = arith.addi %mul3A_122, %add3A_123 : i32
      %dma_wait3A_125 = arith.constant 0 : i32
      %dma_wait3A_126 = tpu.memref_slice %arg6[%add3A_124, %dma_wait3A_125] : memref<80x128xi32, #tpu.memory_space<vmem>> -> memref<1x128xi32, #tpu.memory_space<vmem>>
      %dma_wait3A_127 = tpu.memref_squeeze %dma_wait3A_126 : memref<1x128xi32, #tpu.memory_space<vmem>> -> memref<128xi32, #tpu.memory_space<vmem>>
      %dma_wait3A_128 = arith.constant 0 : i32
      %dma_wait3A_129 = arith.constant 0 : i32
      %dma_wait3A_130 = tpu.memref_slice %arg8[%dma_wait3A_128, %dma_wait3A_129] : memref<10240x128xf32, #tpu.memory_space<vmem_shared>> -> memref<10240x128xf32, #tpu.memory_space<vmem_shared>>
      tpu.wait_indirect_dma semaphore(%arg9 : memref<!tpu.dma_semaphore, #tpu.memory_space<semaphore_mem>>) src(%arg7 : memref<128x128xf32, #tpu.memory_space<vmem>>) dst(%dma_wait3A_130 : memref<10240x128xf32, #tpu.memory_space<vmem_shared>>)
      %mul3A_131 = arith.constant 8 : i32
      %mul3A_132 = arith.muli %add3A_12, %mul3A_131 : i32
      %add3A_133 = arith.constant 4 : i32
      %add3A_134 = arith.addi %mul3A_132, %add3A_133 : i32
      %dma_wait3A_135 = arith.constant 0 : i32
      %dma_wait3A_136 = tpu.memref_slice %arg6[%add3A_134, %dma_wait3A_135] : memref<80x128xi32, #tpu.memory_space<vmem>> -> memref<1x128xi32, #tpu.memory_space<vmem>>
      %dma_wait3A_137 = tpu.memref_squeeze %dma_wait3A_136 : memref<1x128xi32, #tpu.memory_space<vmem>> -> memref<128xi32, #tpu.memory_space<vmem>>
      %dma_wait3A_138 = arith.constant 0 : i32
      %dma_wait3A_139 = arith.constant 0 : i32
      %dma_wait3A_140 = tpu.memref_slice %arg8[%dma_wait3A_138, %dma_wait3A_139] : memref<10240x128xf32, #tpu.memory_space<vmem_shared>> -> memref<10240x128xf32, #tpu.memory_space<vmem_shared>>
      tpu.wait_indirect_dma semaphore(%arg9 : memref<!tpu.dma_semaphore, #tpu.memory_space<semaphore_mem>>) src(%arg7 : memref<128x128xf32, #tpu.memory_space<vmem>>) dst(%dma_wait3A_140 : memref<10240x128xf32, #tpu.memory_space<vmem_shared>>)
      %mul3A_141 = arith.constant 8 : i32
      %mul3A_142 = arith.muli %add3A_12, %mul3A_141 : i32
      %add3A_143 = arith.constant 5 : i32
      %add3A_144 = arith.addi %mul3A_142, %add3A_143 : i32
      %dma_wait3A_145 = arith.constant 0 : i32
      %dma_wait3A_146 = tpu.memref_slice %arg6[%add3A_144, %dma_wait3A_145] : memref<80x128xi32, #tpu.memory_space<vmem>> -> memref<1x128xi32, #tpu.memory_space<vmem>>
      %dma_wait3A_147 = tpu.memref_squeeze %dma_wait3A_146 : memref<1x128xi32, #tpu.memory_space<vmem>> -> memref<128xi32, #tpu.memory_space<vmem>>
      %dma_wait3A_148 = arith.constant 0 : i32
      %dma_wait3A_149 = arith.constant 0 : i32
      %dma_wait3A_150 = tpu.memref_slice %arg8[%dma_wait3A_148, %dma_wait3A_149] : memref<10240x128xf32, #tpu.memory_space<vmem_shared>> -> memref<10240x128xf32, #tpu.memory_space<vmem_shared>>
      tpu.wait_indirect_dma semaphore(%arg9 : memref<!tpu.dma_semaphore, #tpu.memory_space<semaphore_mem>>) src(%arg7 : memref<128x128xf32, #tpu.memory_space<vmem>>) dst(%dma_wait3A_150 : memref<10240x128xf32, #tpu.memory_space<vmem_shared>>)
      %mul3A_151 = arith.constant 8 : i32
      %mul3A_152 = arith.muli %add3A_12, %mul3A_151 : i32
      %add3A_153 = arith.constant 6 : i32
      %add3A_154 = arith.addi %mul3A_152, %add3A_153 : i32
      %dma_wait3A_155 = arith.constant 0 : i32
      %dma_wait3A_156 = tpu.memref_slice %arg6[%add3A_154, %dma_wait3A_155] : memref<80x128xi32, #tpu.memory_space<vmem>> -> memref<1x128xi32, #tpu.memory_space<vmem>>
      %dma_wait3A_157 = tpu.memref_squeeze %dma_wait3A_156 : memref<1x128xi32, #tpu.memory_space<vmem>> -> memref<128xi32, #tpu.memory_space<vmem>>
      %dma_wait3A_158 = arith.constant 0 : i32
      %dma_wait3A_159 = arith.constant 0 : i32
      %dma_wait3A_160 = tpu.memref_slice %arg8[%dma_wait3A_158, %dma_wait3A_159] : memref<10240x128xf32, #tpu.memory_space<vmem_shared>> -> memref<10240x128xf32, #tpu.memory_space<vmem_shared>>
      tpu.wait_indirect_dma semaphore(%arg9 : memref<!tpu.dma_semaphore, #tpu.memory_space<semaphore_mem>>) src(%arg7 : memref<128x128xf32, #tpu.memory_space<vmem>>) dst(%dma_wait3A_160 : memref<10240x128xf32, #tpu.memory_space<vmem_shared>>)
      %mul3A_161 = arith.constant 8 : i32
      %mul3A_162 = arith.muli %add3A_12, %mul3A_161 : i32
      %add3A_163 = arith.constant 7 : i32
      %add3A_164 = arith.addi %mul3A_162, %add3A_163 : i32
      %dma_wait3A_165 = arith.constant 0 : i32
      %dma_wait3A_166 = tpu.memref_slice %arg6[%add3A_164, %dma_wait3A_165] : memref<80x128xi32, #tpu.memory_space<vmem>> -> memref<1x128xi32, #tpu.memory_space<vmem>>
      %dma_wait3A_167 = tpu.memref_squeeze %dma_wait3A_166 : memref<1x128xi32, #tpu.memory_space<vmem>> -> memref<128xi32, #tpu.memory_space<vmem>>
      %dma_wait3A_168 = arith.constant 0 : i32
      %dma_wait3A_169 = arith.constant 0 : i32
      %dma_wait3A_170 = tpu.memref_slice %arg8[%dma_wait3A_168, %dma_wait3A_169] : memref<10240x128xf32, #tpu.memory_space<vmem_shared>> -> memref<10240x128xf32, #tpu.memory_space<vmem_shared>>
      tpu.wait_indirect_dma semaphore(%arg9 : memref<!tpu.dma_semaphore, #tpu.memory_space<semaphore_mem>>) src(%arg7 : memref<128x128xf32, #tpu.memory_space<vmem>>) dst(%dma_wait3A_170 : memref<10240x128xf32, #tpu.memory_space<vmem_shared>>)
    }
    %scan3A_6 = arith.constant 10 : i32
    %barrier3A_7 = arith.constant 0 : index
    tpu.barrier barrier_id(%barrier3A_7)
    "tpu.region"() ({
      %run_scoped3A = tpu.sem_alloc : memref<!tpu.dma_semaphore, #tpu.memory_space<semaphore_mem>>
      %dma_start3A = arith.constant 0 : i32
      %dma_start3A_8 = tpu.memref_slice %arg5[%arg0, %mul3A_2, %dma_start3A] : memref<2x10240x128xf32, #tpu.memory_space<hbm>> -> memref<1x640x128xf32, #tpu.memory_space<hbm>>
      %dma_start3A_9 = tpu.memref_squeeze %dma_start3A_8 : memref<1x640x128xf32, #tpu.memory_space<hbm>> -> memref<640x128xf32, #tpu.memory_space<hbm>>
      %dma_start3A_10 = arith.constant 0 : i32
      %dma_start3A_11 = tpu.memref_slice %arg8[%mul3A_2, %dma_start3A_10] : memref<10240x128xf32, #tpu.memory_space<vmem_shared>> -> memref<640x128xf32, #tpu.memory_space<vmem_shared>>
      tpu.enqueue_dma source(%dma_start3A_11 : memref<640x128xf32, #tpu.memory_space<vmem_shared>>) target(%dma_start3A_9 : memref<640x128xf32, #tpu.memory_space<hbm>>) target_semaphore(%run_scoped3A : memref<!tpu.dma_semaphore, #tpu.memory_space<semaphore_mem>>)
      %dma_wait3A = arith.constant 0 : i32
      %dma_wait3A_12 = tpu.memref_slice %arg5[%arg0, %mul3A_2, %dma_wait3A] : memref<2x10240x128xf32, #tpu.memory_space<hbm>> -> memref<1x640x128xf32, #tpu.memory_space<hbm>>
      %dma_wait3A_13 = tpu.memref_squeeze %dma_wait3A_12 : memref<1x640x128xf32, #tpu.memory_space<hbm>> -> memref<640x128xf32, #tpu.memory_space<hbm>>
      %dma_wait3A_14 = arith.constant 0 : i32
      %dma_wait3A_15 = tpu.memref_slice %arg8[%mul3A_2, %dma_wait3A_14] : memref<10240x128xf32, #tpu.memory_space<vmem_shared>> -> memref<640x128xf32, #tpu.memory_space<vmem_shared>>
      tpu.wait_dma2 semaphore(%run_scoped3A : memref<!tpu.dma_semaphore, #tpu.memory_space<semaphore_mem>>) src(%dma_wait3A_15 : memref<640x128xf32, #tpu.memory_space<vmem_shared>>) dst(%dma_wait3A_13 : memref<640x128xf32, #tpu.memory_space<hbm>>)
      tpu.yield
    }) : () -> ()
    return
  }
}

#map = affine_map<(d0, d1) -> (0, 0)>
#map1 = affine_map<(d0, d1) -> (0)>
#map2 = affine_map<(d0, d1) -> (0, 0, 0)>
module attributes {stable_mosaic.version = 14 : i64} {
  func.func @k(%arg0: i32, %arg1: i32, %arg2: memref<10240x128xf32, #tpu.memory_space<hbm>>, %arg3: memref<320000xi32, #tpu.memory_space<hbm>>, %arg4: memref<320000xi32, #tpu.memory_space<hbm>>, %arg5: memref<640x128xf32, #tpu.memory_space<hbm>>, %arg6: memref<2x10240x128xf32, #tpu.memory_space<hbm>>, %arg7: memref<80xi32, #tpu.memory_space<vmem>>, %arg8: memref<80xi32, #tpu.memory_space<vmem>>, %arg9: memref<80xi32, #tpu.memory_space<vmem>>, %arg10: memref<80xi32, #tpu.memory_space<vmem>>, %arg11: memref<80xi32, #tpu.memory_space<vmem>>, %arg12: memref<80xi32, #tpu.memory_space<vmem>>, %arg13: memref<80xi32, #tpu.memory_space<vmem>>, %arg14: memref<80xi32, #tpu.memory_space<vmem>>, %arg15: memref<80x128xf32, #tpu.memory_space<vmem>>, %arg16: memref<80x128xf32, #tpu.memory_space<vmem>>, %arg17: memref<!tpu.dma_semaphore, #tpu.memory_space<semaphore_mem>>, %arg18: memref<!tpu.dma_semaphore, #tpu.memory_space<semaphore_mem>>, %arg19: memref<!tpu.dma_semaphore, #tpu.memory_space<semaphore_mem>>, %arg20: memref<!tpu.dma_semaphore, #tpu.memory_space<semaphore_mem>>, %arg21: memref<!tpu.dma_semaphore, #tpu.memory_space<semaphore_mem>>, %arg22: memref<!tpu.dma_semaphore, #tpu.memory_space<semaphore_mem>>, %arg23: memref<!tpu.dma_semaphore, #tpu.memory_space<semaphore_mem>>, %arg24: memref<!tpu.dma_semaphore, #tpu.memory_space<semaphore_mem>>, %arg25: memref<!tpu.dma_semaphore, #tpu.memory_space<semaphore_mem>>, %arg26: memref<!tpu.dma_semaphore, #tpu.memory_space<semaphore_mem>>, %arg27: memref<10240x128xf32, #tpu.memory_space<vmem_shared>>) attributes {dimension_semantics = [#tpu.dimension_semantics<core_parallel>, #tpu.dimension_semantics<subcore_parallel>], iteration_bounds = array<i64: 2, 16>, scalar_prefetch = 0 : i64, scratch_operands = 21 : i64, tpu.core_type = #tpu.core_type<sc_vector_subcore>, window_params = [{transform_indices = #map}, {transform_indices = #map1}, {transform_indices = #map1}, {transform_indices = #map}, {transform_indices = #map2}]} {
    %mul3A = arith.constant 2 : i32
    %mul3A_0 = arith.muli %arg1, %mul3A : i32
    %add3A = arith.addi %mul3A_0, %arg0 : i32
    %mul3A_1 = arith.constant 640 : i32
    %mul3A_2 = arith.muli %arg1, %mul3A_1 : i32
    %mul3A_3 = arith.constant 10000 : i32
    %mul3A_4 = arith.muli %add3A, %mul3A_3 : i32
    %add3A_5 = arith.constant 0 : i32
    %add3A_6 = arith.addi %mul3A_4, %add3A_5 : i32
    %dma_start3A = tpu.memref_slice %arg3[%add3A_6] : memref<320000xi32, #tpu.memory_space<hbm>> -> memref<80xi32, #tpu.memory_space<hbm>>
    %dma_start3A_7 = tpu.memref_slice %arg3[%add3A_6] : memref<320000xi32, #tpu.memory_space<hbm>> -> memref<80xi32, #tpu.memory_space<hbm>>
    tpu.enqueue_dma source(%dma_start3A_7 : memref<80xi32, #tpu.memory_space<hbm>>) target(%arg7 : memref<80xi32, #tpu.memory_space<vmem>>) target_semaphore(%arg17 : memref<!tpu.dma_semaphore, #tpu.memory_space<semaphore_mem>>)
    %dma_start3A_8 = tpu.memref_slice %arg4[%add3A_6] : memref<320000xi32, #tpu.memory_space<hbm>> -> memref<80xi32, #tpu.memory_space<hbm>>
    %dma_start3A_9 = tpu.memref_slice %arg4[%add3A_6] : memref<320000xi32, #tpu.memory_space<hbm>> -> memref<80xi32, #tpu.memory_space<hbm>>
    tpu.enqueue_dma source(%dma_start3A_9 : memref<80xi32, #tpu.memory_space<hbm>>) target(%arg11 : memref<80xi32, #tpu.memory_space<vmem>>) target_semaphore(%arg21 : memref<!tpu.dma_semaphore, #tpu.memory_space<semaphore_mem>>)
    %add3A_10 = arith.constant 80 : i32
    %add3A_11 = arith.addi %mul3A_4, %add3A_10 : i32
    %dma_start3A_12 = tpu.memref_slice %arg3[%add3A_11] : memref<320000xi32, #tpu.memory_space<hbm>> -> memref<80xi32, #tpu.memory_space<hbm>>
    %dma_start3A_13 = tpu.memref_slice %arg3[%add3A_11] : memref<320000xi32, #tpu.memory_space<hbm>> -> memref<80xi32, #tpu.memory_space<hbm>>
    tpu.enqueue_dma source(%dma_start3A_13 : memref<80xi32, #tpu.memory_space<hbm>>) target(%arg8 : memref<80xi32, #tpu.memory_space<vmem>>) target_semaphore(%arg18 : memref<!tpu.dma_semaphore, #tpu.memory_space<semaphore_mem>>)
    %dma_start3A_14 = tpu.memref_slice %arg4[%add3A_11] : memref<320000xi32, #tpu.memory_space<hbm>> -> memref<80xi32, #tpu.memory_space<hbm>>
    %dma_start3A_15 = tpu.memref_slice %arg4[%add3A_11] : memref<320000xi32, #tpu.memory_space<hbm>> -> memref<80xi32, #tpu.memory_space<hbm>>
    tpu.enqueue_dma source(%dma_start3A_15 : memref<80xi32, #tpu.memory_space<hbm>>) target(%arg12 : memref<80xi32, #tpu.memory_space<vmem>>) target_semaphore(%arg22 : memref<!tpu.dma_semaphore, #tpu.memory_space<semaphore_mem>>)
    "tpu.region"() ({
      %run_scoped3A = tpu.sem_alloc : memref<!tpu.dma_semaphore, #tpu.memory_space<semaphore_mem>>
      %dma_start3A_32 = arith.constant 0 : i32
      %dma_start3A_33 = tpu.memref_slice %arg27[%mul3A_2, %dma_start3A_32] : memref<10240x128xf32, #tpu.memory_space<vmem_shared>> -> memref<640x128xf32, #tpu.memory_space<vmem_shared>>
      tpu.enqueue_dma source(%arg5 : memref<640x128xf32, #tpu.memory_space<hbm>>) target(%dma_start3A_33 : memref<640x128xf32, #tpu.memory_space<vmem_shared>>) target_semaphore(%run_scoped3A : memref<!tpu.dma_semaphore, #tpu.memory_space<semaphore_mem>>)
      %dma_wait3A_34 = arith.constant 0 : i32
      %dma_wait3A_35 = tpu.memref_slice %arg27[%mul3A_2, %dma_wait3A_34] : memref<10240x128xf32, #tpu.memory_space<vmem_shared>> -> memref<640x128xf32, #tpu.memory_space<vmem_shared>>
      tpu.wait_dma2 semaphore(%run_scoped3A : memref<!tpu.dma_semaphore, #tpu.memory_space<semaphore_mem>>) src(%arg5 : memref<640x128xf32, #tpu.memory_space<hbm>>) dst(%dma_wait3A_35 : memref<640x128xf32, #tpu.memory_space<vmem_shared>>)
      tpu.yield
    }) : () -> ()
    %barrier3A = arith.constant 0 : index
    tpu.barrier barrier_id(%barrier3A)
    %scan3A = arith.constant 0 : i32
    %scan3A_16 = arith.constant 31 : i32
    %scan3A_17 = arith.addi %scan3A, %scan3A_16 : i32
    %scan3A_18 = arith.constant 1 : i32
    scf.for %scan3A_32 = %scan3A to %scan3A_17 step %scan3A_18  : i32 {
      %mul3A_33 = arith.constant 1 : i32
      %mul3A_34 = arith.muli %scan3A_32, %mul3A_33 : i32
      %add3A_35 = arith.constant 0 : i32
      %add3A_36 = arith.addi %add3A_35, %mul3A_34 : i32
      %mul3A_37 = arith.constant 4 : i32
      %mul3A_38 = arith.muli %mul3A_37, %add3A_36 : i32
      %add3A_39 = arith.constant 0 : i32
      %add3A_40 = arith.addi %mul3A_38, %add3A_39 : i32
      %mul3A_41 = arith.constant 80 : i32
      %mul3A_42 = arith.muli %add3A_40, %mul3A_41 : i32
      %add3A_43 = arith.addi %mul3A_4, %mul3A_42 : i32
      %dma_wait3A_44 = tpu.memref_slice %arg3[%add3A_43] : memref<320000xi32, #tpu.memory_space<hbm>> -> memref<80xi32, #tpu.memory_space<hbm>>
      %dma_wait3A_45 = tpu.memref_slice %arg3[%add3A_43] : memref<320000xi32, #tpu.memory_space<hbm>> -> memref<80xi32, #tpu.memory_space<hbm>>
      tpu.wait_dma2 semaphore(%arg17 : memref<!tpu.dma_semaphore, #tpu.memory_space<semaphore_mem>>) src(%dma_wait3A_45 : memref<80xi32, #tpu.memory_space<hbm>>) dst(%arg7 : memref<80xi32, #tpu.memory_space<vmem>>)
      %dma_wait3A_46 = tpu.memref_slice %arg4[%add3A_43] : memref<320000xi32, #tpu.memory_space<hbm>> -> memref<80xi32, #tpu.memory_space<hbm>>
      %dma_wait3A_47 = tpu.memref_slice %arg4[%add3A_43] : memref<320000xi32, #tpu.memory_space<hbm>> -> memref<80xi32, #tpu.memory_space<hbm>>
      tpu.wait_dma2 semaphore(%arg21 : memref<!tpu.dma_semaphore, #tpu.memory_space<semaphore_mem>>) src(%dma_wait3A_47 : memref<80xi32, #tpu.memory_space<hbm>>) dst(%arg11 : memref<80xi32, #tpu.memory_space<vmem>>)
      %gt3A = arith.constant 0 : i32
      %gt3A_48 = arith.cmpi sgt, %add3A_36, %gt3A : i32
      %convert_element_type3A = arith.extui %gt3A_48 : i1 to i32
      %cond3A = arith.constant 0 : i32
      %cond3A_49 = arith.cmpi ne, %convert_element_type3A, %cond3A : i32
      scf.if %cond3A_49 {
        %dma_wait3A_131 = arith.constant 0 : i32
        %dma_wait3A_132 = arith.constant 0 : i32
        %dma_wait3A_133 = tpu.memref_slice %arg27[%dma_wait3A_131, %dma_wait3A_132] : memref<10240x128xf32, #tpu.memory_space<vmem_shared>> -> memref<10240x128xf32, #tpu.memory_space<vmem_shared>>
        tpu.wait_indirect_dma semaphore(%arg25 : memref<!tpu.dma_semaphore, #tpu.memory_space<semaphore_mem>>) src(%arg15 : memref<80x128xf32, #tpu.memory_space<vmem>>) dst(%dma_wait3A_133 : memref<10240x128xf32, #tpu.memory_space<vmem_shared>>)
      } else {
      }
      "tpu.region"() ({
        %run_scoped3A = tpu.sem_alloc : memref<!tpu.dma_semaphore, #tpu.memory_space<semaphore_mem>>
        %dma_start3A_131 = arith.constant 0 : i32
        %dma_start3A_132 = arith.constant 0 : i32
        %dma_start3A_133 = tpu.memref_slice %arg2[%dma_start3A_131, %dma_start3A_132] : memref<10240x128xf32, #tpu.memory_space<hbm>> -> memref<10240x128xf32, #tpu.memory_space<hbm>>
        tpu.enqueue_indirect_dma source(%dma_start3A_133 : memref<10240x128xf32, #tpu.memory_space<hbm>>) target(%arg15 : memref<80x128xf32, #tpu.memory_space<vmem>>) offsets(%arg7 : memref<80xi32, #tpu.memory_space<vmem>>) semaphore(%run_scoped3A : memref<!tpu.dma_semaphore, #tpu.memory_space<semaphore_mem>>)
        %dma_wait3A_134 = arith.constant 0 : i32
        %dma_wait3A_135 = arith.constant 0 : i32
        %dma_wait3A_136 = tpu.memref_slice %arg2[%dma_wait3A_134, %dma_wait3A_135] : memref<10240x128xf32, #tpu.memory_space<hbm>> -> memref<10240x128xf32, #tpu.memory_space<hbm>>
        tpu.wait_indirect_dma semaphore(%run_scoped3A : memref<!tpu.dma_semaphore, #tpu.memory_space<semaphore_mem>>) src(%dma_wait3A_136 : memref<10240x128xf32, #tpu.memory_space<hbm>>) dst(%arg15 : memref<80x128xf32, #tpu.memory_space<vmem>>)
        tpu.yield
      }) : () -> ()
      %dma_start3A_50 = arith.constant 0 : i32
      %dma_start3A_51 = arith.constant 0 : i32
      %dma_start3A_52 = tpu.memref_slice %arg27[%dma_start3A_50, %dma_start3A_51] : memref<10240x128xf32, #tpu.memory_space<vmem_shared>> -> memref<10240x128xf32, #tpu.memory_space<vmem_shared>>
      tpu.enqueue_indirect_dma source(%arg15 : memref<80x128xf32, #tpu.memory_space<vmem>>) target(%dma_start3A_52 : memref<10240x128xf32, #tpu.memory_space<vmem_shared>>) offsets(%arg11 : memref<80xi32, #tpu.memory_space<vmem>>) semaphore(%arg25 : memref<!tpu.dma_semaphore, #tpu.memory_space<semaphore_mem>>) {add = true}
      %add3A_53 = arith.constant 2 : i32
      %add3A_54 = arith.addi %add3A_40, %add3A_53 : i32
      %mul3A_55 = arith.constant 80 : i32
      %mul3A_56 = arith.muli %add3A_54, %mul3A_55 : i32
      %add3A_57 = arith.addi %mul3A_4, %mul3A_56 : i32
      %dma_start3A_58 = tpu.memref_slice %arg3[%add3A_57] : memref<320000xi32, #tpu.memory_space<hbm>> -> memref<80xi32, #tpu.memory_space<hbm>>
      %dma_start3A_59 = tpu.memref_slice %arg3[%add3A_57] : memref<320000xi32, #tpu.memory_space<hbm>> -> memref<80xi32, #tpu.memory_space<hbm>>
      tpu.enqueue_dma source(%dma_start3A_59 : memref<80xi32, #tpu.memory_space<hbm>>) target(%arg9 : memref<80xi32, #tpu.memory_space<vmem>>) target_semaphore(%arg19 : memref<!tpu.dma_semaphore, #tpu.memory_space<semaphore_mem>>)
      %dma_start3A_60 = tpu.memref_slice %arg4[%add3A_57] : memref<320000xi32, #tpu.memory_space<hbm>> -> memref<80xi32, #tpu.memory_space<hbm>>
      %dma_start3A_61 = tpu.memref_slice %arg4[%add3A_57] : memref<320000xi32, #tpu.memory_space<hbm>> -> memref<80xi32, #tpu.memory_space<hbm>>
      tpu.enqueue_dma source(%dma_start3A_61 : memref<80xi32, #tpu.memory_space<hbm>>) target(%arg13 : memref<80xi32, #tpu.memory_space<vmem>>) target_semaphore(%arg23 : memref<!tpu.dma_semaphore, #tpu.memory_space<semaphore_mem>>)
      %add3A_62 = arith.constant 1 : i32
      %add3A_63 = arith.addi %mul3A_38, %add3A_62 : i32
      %mul3A_64 = arith.constant 80 : i32
      %mul3A_65 = arith.muli %add3A_63, %mul3A_64 : i32
      %add3A_66 = arith.addi %mul3A_4, %mul3A_65 : i32
      %dma_wait3A_67 = tpu.memref_slice %arg3[%add3A_66] : memref<320000xi32, #tpu.memory_space<hbm>> -> memref<80xi32, #tpu.memory_space<hbm>>
      %dma_wait3A_68 = tpu.memref_slice %arg3[%add3A_66] : memref<320000xi32, #tpu.memory_space<hbm>> -> memref<80xi32, #tpu.memory_space<hbm>>
      tpu.wait_dma2 semaphore(%arg18 : memref<!tpu.dma_semaphore, #tpu.memory_space<semaphore_mem>>) src(%dma_wait3A_68 : memref<80xi32, #tpu.memory_space<hbm>>) dst(%arg8 : memref<80xi32, #tpu.memory_space<vmem>>)
      %dma_wait3A_69 = tpu.memref_slice %arg4[%add3A_66] : memref<320000xi32, #tpu.memory_space<hbm>> -> memref<80xi32, #tpu.memory_space<hbm>>
      %dma_wait3A_70 = tpu.memref_slice %arg4[%add3A_66] : memref<320000xi32, #tpu.memory_space<hbm>> -> memref<80xi32, #tpu.memory_space<hbm>>
      tpu.wait_dma2 semaphore(%arg22 : memref<!tpu.dma_semaphore, #tpu.memory_space<semaphore_mem>>) src(%dma_wait3A_70 : memref<80xi32, #tpu.memory_space<hbm>>) dst(%arg12 : memref<80xi32, #tpu.memory_space<vmem>>)
      %gt3A_71 = arith.constant 0 : i32
      %gt3A_72 = arith.cmpi sgt, %add3A_36, %gt3A_71 : i32
      %convert_element_type3A_73 = arith.extui %gt3A_72 : i1 to i32
      %cond3A_74 = arith.constant 0 : i32
      %cond3A_75 = arith.cmpi ne, %convert_element_type3A_73, %cond3A_74 : i32
      scf.if %cond3A_75 {
        %dma_wait3A_131 = arith.constant 0 : i32
        %dma_wait3A_132 = arith.constant 0 : i32
        %dma_wait3A_133 = tpu.memref_slice %arg27[%dma_wait3A_131, %dma_wait3A_132] : memref<10240x128xf32, #tpu.memory_space<vmem_shared>> -> memref<10240x128xf32, #tpu.memory_space<vmem_shared>>
        tpu.wait_indirect_dma semaphore(%arg26 : memref<!tpu.dma_semaphore, #tpu.memory_space<semaphore_mem>>) src(%arg16 : memref<80x128xf32, #tpu.memory_space<vmem>>) dst(%dma_wait3A_133 : memref<10240x128xf32, #tpu.memory_space<vmem_shared>>)
      } else {
      }
      "tpu.region"() ({
        %run_scoped3A = tpu.sem_alloc : memref<!tpu.dma_semaphore, #tpu.memory_space<semaphore_mem>>
        %dma_start3A_131 = arith.constant 0 : i32
        %dma_start3A_132 = arith.constant 0 : i32
        %dma_start3A_133 = tpu.memref_slice %arg2[%dma_start3A_131, %dma_start3A_132] : memref<10240x128xf32, #tpu.memory_space<hbm>> -> memref<10240x128xf32, #tpu.memory_space<hbm>>
        tpu.enqueue_indirect_dma source(%dma_start3A_133 : memref<10240x128xf32, #tpu.memory_space<hbm>>) target(%arg16 : memref<80x128xf32, #tpu.memory_space<vmem>>) offsets(%arg8 : memref<80xi32, #tpu.memory_space<vmem>>) semaphore(%run_scoped3A : memref<!tpu.dma_semaphore, #tpu.memory_space<semaphore_mem>>)
        %dma_wait3A_134 = arith.constant 0 : i32
        %dma_wait3A_135 = arith.constant 0 : i32
        %dma_wait3A_136 = tpu.memref_slice %arg2[%dma_wait3A_134, %dma_wait3A_135] : memref<10240x128xf32, #tpu.memory_space<hbm>> -> memref<10240x128xf32, #tpu.memory_space<hbm>>
        tpu.wait_indirect_dma semaphore(%run_scoped3A : memref<!tpu.dma_semaphore, #tpu.memory_space<semaphore_mem>>) src(%dma_wait3A_136 : memref<10240x128xf32, #tpu.memory_space<hbm>>) dst(%arg16 : memref<80x128xf32, #tpu.memory_space<vmem>>)
        tpu.yield
      }) : () -> ()
      %dma_start3A_76 = arith.constant 0 : i32
      %dma_start3A_77 = arith.constant 0 : i32
      %dma_start3A_78 = tpu.memref_slice %arg27[%dma_start3A_76, %dma_start3A_77] : memref<10240x128xf32, #tpu.memory_space<vmem_shared>> -> memref<10240x128xf32, #tpu.memory_space<vmem_shared>>
      tpu.enqueue_indirect_dma source(%arg16 : memref<80x128xf32, #tpu.memory_space<vmem>>) target(%dma_start3A_78 : memref<10240x128xf32, #tpu.memory_space<vmem_shared>>) offsets(%arg12 : memref<80xi32, #tpu.memory_space<vmem>>) semaphore(%arg26 : memref<!tpu.dma_semaphore, #tpu.memory_space<semaphore_mem>>) {add = true}
      %add3A_79 = arith.constant 2 : i32
      %add3A_80 = arith.addi %add3A_63, %add3A_79 : i32
      %mul3A_81 = arith.constant 80 : i32
      %mul3A_82 = arith.muli %add3A_80, %mul3A_81 : i32
      %add3A_83 = arith.addi %mul3A_4, %mul3A_82 : i32
      %dma_start3A_84 = tpu.memref_slice %arg3[%add3A_83] : memref<320000xi32, #tpu.memory_space<hbm>> -> memref<80xi32, #tpu.memory_space<hbm>>
      %dma_start3A_85 = tpu.memref_slice %arg3[%add3A_83] : memref<320000xi32, #tpu.memory_space<hbm>> -> memref<80xi32, #tpu.memory_space<hbm>>
      tpu.enqueue_dma source(%dma_start3A_85 : memref<80xi32, #tpu.memory_space<hbm>>) target(%arg10 : memref<80xi32, #tpu.memory_space<vmem>>) target_semaphore(%arg20 : memref<!tpu.dma_semaphore, #tpu.memory_space<semaphore_mem>>)
      %dma_start3A_86 = tpu.memref_slice %arg4[%add3A_83] : memref<320000xi32, #tpu.memory_space<hbm>> -> memref<80xi32, #tpu.memory_space<hbm>>
      %dma_start3A_87 = tpu.memref_slice %arg4[%add3A_83] : memref<320000xi32, #tpu.memory_space<hbm>> -> memref<80xi32, #tpu.memory_space<hbm>>
      tpu.enqueue_dma source(%dma_start3A_87 : memref<80xi32, #tpu.memory_space<hbm>>) target(%arg14 : memref<80xi32, #tpu.memory_space<vmem>>) target_semaphore(%arg24 : memref<!tpu.dma_semaphore, #tpu.memory_space<semaphore_mem>>)
      %add3A_88 = arith.constant 2 : i32
      %add3A_89 = arith.addi %mul3A_38, %add3A_88 : i32
      %mul3A_90 = arith.constant 80 : i32
      %mul3A_91 = arith.muli %add3A_89, %mul3A_90 : i32
      %add3A_92 = arith.addi %mul3A_4, %mul3A_91 : i32
      %dma_wait3A_93 = tpu.memref_slice %arg3[%add3A_92] : memref<320000xi32, #tpu.memory_space<hbm>> -> memref<80xi32, #tpu.memory_space<hbm>>
      %dma_wait3A_94 = tpu.memref_slice %arg3[%add3A_92] : memref<320000xi32, #tpu.memory_space<hbm>> -> memref<80xi32, #tpu.memory_space<hbm>>
      tpu.wait_dma2 semaphore(%arg19 : memref<!tpu.dma_semaphore, #tpu.memory_space<semaphore_mem>>) src(%dma_wait3A_94 : memref<80xi32, #tpu.memory_space<hbm>>) dst(%arg9 : memref<80xi32, #tpu.memory_space<vmem>>)
      %dma_wait3A_95 = tpu.memref_slice %arg4[%add3A_92] : memref<320000xi32, #tpu.memory_space<hbm>> -> memref<80xi32, #tpu.memory_space<hbm>>
      %dma_wait3A_96 = tpu.memref_slice %arg4[%add3A_92] : memref<320000xi32, #tpu.memory_space<hbm>> -> memref<80xi32, #tpu.memory_space<hbm>>
      tpu.wait_dma2 semaphore(%arg23 : memref<!tpu.dma_semaphore, #tpu.memory_space<semaphore_mem>>) src(%dma_wait3A_96 : memref<80xi32, #tpu.memory_space<hbm>>) dst(%arg13 : memref<80xi32, #tpu.memory_space<vmem>>)
      %dma_wait3A_97 = arith.constant 0 : i32
      %dma_wait3A_98 = arith.constant 0 : i32
      %dma_wait3A_99 = tpu.memref_slice %arg27[%dma_wait3A_97, %dma_wait3A_98] : memref<10240x128xf32, #tpu.memory_space<vmem_shared>> -> memref<10240x128xf32, #tpu.memory_space<vmem_shared>>
      tpu.wait_indirect_dma semaphore(%arg25 : memref<!tpu.dma_semaphore, #tpu.memory_space<semaphore_mem>>) src(%arg15 : memref<80x128xf32, #tpu.memory_space<vmem>>) dst(%dma_wait3A_99 : memref<10240x128xf32, #tpu.memory_space<vmem_shared>>)
      "tpu.region"() ({
        %run_scoped3A = tpu.sem_alloc : memref<!tpu.dma_semaphore, #tpu.memory_space<semaphore_mem>>
        %dma_start3A_131 = arith.constant 0 : i32
        %dma_start3A_132 = arith.constant 0 : i32
        %dma_start3A_133 = tpu.memref_slice %arg2[%dma_start3A_131, %dma_start3A_132] : memref<10240x128xf32, #tpu.memory_space<hbm>> -> memref<10240x128xf32, #tpu.memory_space<hbm>>
        tpu.enqueue_indirect_dma source(%dma_start3A_133 : memref<10240x128xf32, #tpu.memory_space<hbm>>) target(%arg15 : memref<80x128xf32, #tpu.memory_space<vmem>>) offsets(%arg9 : memref<80xi32, #tpu.memory_space<vmem>>) semaphore(%run_scoped3A : memref<!tpu.dma_semaphore, #tpu.memory_space<semaphore_mem>>)
        %dma_wait3A_134 = arith.constant 0 : i32
        %dma_wait3A_135 = arith.constant 0 : i32
        %dma_wait3A_136 = tpu.memref_slice %arg2[%dma_wait3A_134, %dma_wait3A_135] : memref<10240x128xf32, #tpu.memory_space<hbm>> -> memref<10240x128xf32, #tpu.memory_space<hbm>>
        tpu.wait_indirect_dma semaphore(%run_scoped3A : memref<!tpu.dma_semaphore, #tpu.memory_space<semaphore_mem>>) src(%dma_wait3A_136 : memref<10240x128xf32, #tpu.memory_space<hbm>>) dst(%arg15 : memref<80x128xf32, #tpu.memory_space<vmem>>)
        tpu.yield
      }) : () -> ()
      %dma_start3A_100 = arith.constant 0 : i32
      %dma_start3A_101 = arith.constant 0 : i32
      %dma_start3A_102 = tpu.memref_slice %arg27[%dma_start3A_100, %dma_start3A_101] : memref<10240x128xf32, #tpu.memory_space<vmem_shared>> -> memref<10240x128xf32, #tpu.memory_space<vmem_shared>>
      tpu.enqueue_indirect_dma source(%arg15 : memref<80x128xf32, #tpu.memory_space<vmem>>) target(%dma_start3A_102 : memref<10240x128xf32, #tpu.memory_space<vmem_shared>>) offsets(%arg13 : memref<80xi32, #tpu.memory_space<vmem>>) semaphore(%arg25 : memref<!tpu.dma_semaphore, #tpu.memory_space<semaphore_mem>>) {add = true}
      %add3A_103 = arith.constant 2 : i32
      %add3A_104 = arith.addi %add3A_89, %add3A_103 : i32
      %mul3A_105 = arith.constant 80 : i32
      %mul3A_106 = arith.muli %add3A_104, %mul3A_105 : i32
      %add3A_107 = arith.addi %mul3A_4, %mul3A_106 : i32
      %dma_start3A_108 = tpu.memref_slice %arg3[%add3A_107] : memref<320000xi32, #tpu.memory_space<hbm>> -> memref<80xi32, #tpu.memory_space<hbm>>
      %dma_start3A_109 = tpu.memref_slice %arg3[%add3A_107] : memref<320000xi32, #tpu.memory_space<hbm>> -> memref<80xi32, #tpu.memory_space<hbm>>
      tpu.enqueue_dma source(%dma_start3A_109 : memref<80xi32, #tpu.memory_space<hbm>>) target(%arg7 : memref<80xi32, #tpu.memory_space<vmem>>) target_semaphore(%arg17 : memref<!tpu.dma_semaphore, #tpu.memory_space<semaphore_mem>>)
      %dma_start3A_110 = tpu.memref_slice %arg4[%add3A_107] : memref<320000xi32, #tpu.memory_space<hbm>> -> memref<80xi32, #tpu.memory_space<hbm>>
      %dma_start3A_111 = tpu.memref_slice %arg4[%add3A_107] : memref<320000xi32, #tpu.memory_space<hbm>> -> memref<80xi32, #tpu.memory_space<hbm>>
      tpu.enqueue_dma source(%dma_start3A_111 : memref<80xi32, #tpu.memory_space<hbm>>) target(%arg11 : memref<80xi32, #tpu.memory_space<vmem>>) target_semaphore(%arg21 : memref<!tpu.dma_semaphore, #tpu.memory_space<semaphore_mem>>)
      %add3A_112 = arith.constant 3 : i32
      %add3A_113 = arith.addi %mul3A_38, %add3A_112 : i32
      %mul3A_114 = arith.constant 80 : i32
      %mul3A_115 = arith.muli %add3A_113, %mul3A_114 : i32
      %add3A_116 = arith.addi %mul3A_4, %mul3A_115 : i32
      %dma_wait3A_117 = tpu.memref_slice %arg3[%add3A_116] : memref<320000xi32, #tpu.memory_space<hbm>> -> memref<80xi32, #tpu.memory_space<hbm>>
      %dma_wait3A_118 = tpu.memref_slice %arg3[%add3A_116] : memref<320000xi32, #tpu.memory_space<hbm>> -> memref<80xi32, #tpu.memory_space<hbm>>
      tpu.wait_dma2 semaphore(%arg20 : memref<!tpu.dma_semaphore, #tpu.memory_space<semaphore_mem>>) src(%dma_wait3A_118 : memref<80xi32, #tpu.memory_space<hbm>>) dst(%arg10 : memref<80xi32, #tpu.memory_space<vmem>>)
      %dma_wait3A_119 = tpu.memref_slice %arg4[%add3A_116] : memref<320000xi32, #tpu.memory_space<hbm>> -> memref<80xi32, #tpu.memory_space<hbm>>
      %dma_wait3A_120 = tpu.memref_slice %arg4[%add3A_116] : memref<320000xi32, #tpu.memory_space<hbm>> -> memref<80xi32, #tpu.memory_space<hbm>>
      tpu.wait_dma2 semaphore(%arg24 : memref<!tpu.dma_semaphore, #tpu.memory_space<semaphore_mem>>) src(%dma_wait3A_120 : memref<80xi32, #tpu.memory_space<hbm>>) dst(%arg14 : memref<80xi32, #tpu.memory_space<vmem>>)
      %dma_wait3A_121 = arith.constant 0 : i32
      %dma_wait3A_122 = arith.constant 0 : i32
      %dma_wait3A_123 = tpu.memref_slice %arg27[%dma_wait3A_121, %dma_wait3A_122] : memref<10240x128xf32, #tpu.memory_space<vmem_shared>> -> memref<10240x128xf32, #tpu.memory_space<vmem_shared>>
      tpu.wait_indirect_dma semaphore(%arg26 : memref<!tpu.dma_semaphore, #tpu.memory_space<semaphore_mem>>) src(%arg16 : memref<80x128xf32, #tpu.memory_space<vmem>>) dst(%dma_wait3A_123 : memref<10240x128xf32, #tpu.memory_space<vmem_shared>>)
      "tpu.region"() ({
        %run_scoped3A = tpu.sem_alloc : memref<!tpu.dma_semaphore, #tpu.memory_space<semaphore_mem>>
        %dma_start3A_131 = arith.constant 0 : i32
        %dma_start3A_132 = arith.constant 0 : i32
        %dma_start3A_133 = tpu.memref_slice %arg2[%dma_start3A_131, %dma_start3A_132] : memref<10240x128xf32, #tpu.memory_space<hbm>> -> memref<10240x128xf32, #tpu.memory_space<hbm>>
        tpu.enqueue_indirect_dma source(%dma_start3A_133 : memref<10240x128xf32, #tpu.memory_space<hbm>>) target(%arg16 : memref<80x128xf32, #tpu.memory_space<vmem>>) offsets(%arg10 : memref<80xi32, #tpu.memory_space<vmem>>) semaphore(%run_scoped3A : memref<!tpu.dma_semaphore, #tpu.memory_space<semaphore_mem>>)
        %dma_wait3A_134 = arith.constant 0 : i32
        %dma_wait3A_135 = arith.constant 0 : i32
        %dma_wait3A_136 = tpu.memref_slice %arg2[%dma_wait3A_134, %dma_wait3A_135] : memref<10240x128xf32, #tpu.memory_space<hbm>> -> memref<10240x128xf32, #tpu.memory_space<hbm>>
        tpu.wait_indirect_dma semaphore(%run_scoped3A : memref<!tpu.dma_semaphore, #tpu.memory_space<semaphore_mem>>) src(%dma_wait3A_136 : memref<10240x128xf32, #tpu.memory_space<hbm>>) dst(%arg16 : memref<80x128xf32, #tpu.memory_space<vmem>>)
        tpu.yield
      }) : () -> ()
      %dma_start3A_124 = arith.constant 0 : i32
      %dma_start3A_125 = arith.constant 0 : i32
      %dma_start3A_126 = tpu.memref_slice %arg27[%dma_start3A_124, %dma_start3A_125] : memref<10240x128xf32, #tpu.memory_space<vmem_shared>> -> memref<10240x128xf32, #tpu.memory_space<vmem_shared>>
      tpu.enqueue_indirect_dma source(%arg16 : memref<80x128xf32, #tpu.memory_space<vmem>>) target(%dma_start3A_126 : memref<10240x128xf32, #tpu.memory_space<vmem_shared>>) offsets(%arg14 : memref<80xi32, #tpu.memory_space<vmem>>) semaphore(%arg26 : memref<!tpu.dma_semaphore, #tpu.memory_space<semaphore_mem>>) {add = true}
      %lt3A = arith.constant 30 : i32
      %lt3A_127 = arith.cmpi slt, %add3A_36, %lt3A : i32
      %convert_element_type3A_128 = arith.extui %lt3A_127 : i1 to i32
      %cond3A_129 = arith.constant 0 : i32
      %cond3A_130 = arith.cmpi ne, %convert_element_type3A_128, %cond3A_129 : i32
      scf.if %cond3A_130 {
        %add3A_131 = arith.constant 2 : i32
        %add3A_132 = arith.addi %add3A_113, %add3A_131 : i32
        %mul3A_133 = arith.constant 80 : i32
        %mul3A_134 = arith.muli %add3A_132, %mul3A_133 : i32
        %add3A_135 = arith.addi %mul3A_4, %mul3A_134 : i32
        %dma_start3A_136 = tpu.memref_slice %arg3[%add3A_135] : memref<320000xi32, #tpu.memory_space<hbm>> -> memref<80xi32, #tpu.memory_space<hbm>>
        %dma_start3A_137 = tpu.memref_slice %arg3[%add3A_135] : memref<320000xi32, #tpu.memory_space<hbm>> -> memref<80xi32, #tpu.memory_space<hbm>>
        tpu.enqueue_dma source(%dma_start3A_137 : memref<80xi32, #tpu.memory_space<hbm>>) target(%arg8 : memref<80xi32, #tpu.memory_space<vmem>>) target_semaphore(%arg18 : memref<!tpu.dma_semaphore, #tpu.memory_space<semaphore_mem>>)
        %dma_start3A_138 = tpu.memref_slice %arg4[%add3A_135] : memref<320000xi32, #tpu.memory_space<hbm>> -> memref<80xi32, #tpu.memory_space<hbm>>
        %dma_start3A_139 = tpu.memref_slice %arg4[%add3A_135] : memref<320000xi32, #tpu.memory_space<hbm>> -> memref<80xi32, #tpu.memory_space<hbm>>
        tpu.enqueue_dma source(%dma_start3A_139 : memref<80xi32, #tpu.memory_space<hbm>>) target(%arg12 : memref<80xi32, #tpu.memory_space<vmem>>) target_semaphore(%arg22 : memref<!tpu.dma_semaphore, #tpu.memory_space<semaphore_mem>>)
      } else {
      }
    }
    %scan3A_19 = arith.constant 31 : i32
    %add3A_20 = arith.constant 9920 : i32
    %add3A_21 = arith.addi %mul3A_4, %add3A_20 : i32
    %dma_wait3A = tpu.memref_slice %arg3[%add3A_21] : memref<320000xi32, #tpu.memory_space<hbm>> -> memref<80xi32, #tpu.memory_space<hbm>>
    %dma_wait3A_22 = tpu.memref_slice %arg3[%add3A_21] : memref<320000xi32, #tpu.memory_space<hbm>> -> memref<80xi32, #tpu.memory_space<hbm>>
    tpu.wait_dma2 semaphore(%arg17 : memref<!tpu.dma_semaphore, #tpu.memory_space<semaphore_mem>>) src(%dma_wait3A_22 : memref<80xi32, #tpu.memory_space<hbm>>) dst(%arg7 : memref<80xi32, #tpu.memory_space<vmem>>)
    %dma_wait3A_23 = tpu.memref_slice %arg4[%add3A_21] : memref<320000xi32, #tpu.memory_space<hbm>> -> memref<80xi32, #tpu.memory_space<hbm>>
    %dma_wait3A_24 = tpu.memref_slice %arg4[%add3A_21] : memref<320000xi32, #tpu.memory_space<hbm>> -> memref<80xi32, #tpu.memory_space<hbm>>
    tpu.wait_dma2 semaphore(%arg21 : memref<!tpu.dma_semaphore, #tpu.memory_space<semaphore_mem>>) src(%dma_wait3A_24 : memref<80xi32, #tpu.memory_space<hbm>>) dst(%arg11 : memref<80xi32, #tpu.memory_space<vmem>>)
    %dma_wait3A_25 = arith.constant 0 : i32
    %dma_wait3A_26 = arith.constant 0 : i32
    %dma_wait3A_27 = tpu.memref_slice %arg27[%dma_wait3A_25, %dma_wait3A_26] : memref<10240x128xf32, #tpu.memory_space<vmem_shared>> -> memref<10240x128xf32, #tpu.memory_space<vmem_shared>>
    tpu.wait_indirect_dma semaphore(%arg25 : memref<!tpu.dma_semaphore, #tpu.memory_space<semaphore_mem>>) src(%arg15 : memref<80x128xf32, #tpu.memory_space<vmem>>) dst(%dma_wait3A_27 : memref<10240x128xf32, #tpu.memory_space<vmem_shared>>)
    "tpu.region"() ({
      %run_scoped3A = tpu.sem_alloc : memref<!tpu.dma_semaphore, #tpu.memory_space<semaphore_mem>>
      %dma_start3A_32 = arith.constant 0 : i32
      %dma_start3A_33 = arith.constant 0 : i32
      %dma_start3A_34 = tpu.memref_slice %arg2[%dma_start3A_32, %dma_start3A_33] : memref<10240x128xf32, #tpu.memory_space<hbm>> -> memref<10240x128xf32, #tpu.memory_space<hbm>>
      tpu.enqueue_indirect_dma source(%dma_start3A_34 : memref<10240x128xf32, #tpu.memory_space<hbm>>) target(%arg15 : memref<80x128xf32, #tpu.memory_space<vmem>>) offsets(%arg7 : memref<80xi32, #tpu.memory_space<vmem>>) semaphore(%run_scoped3A : memref<!tpu.dma_semaphore, #tpu.memory_space<semaphore_mem>>)
      %dma_wait3A_35 = arith.constant 0 : i32
      %dma_wait3A_36 = arith.constant 0 : i32
      %dma_wait3A_37 = tpu.memref_slice %arg2[%dma_wait3A_35, %dma_wait3A_36] : memref<10240x128xf32, #tpu.memory_space<hbm>> -> memref<10240x128xf32, #tpu.memory_space<hbm>>
      tpu.wait_indirect_dma semaphore(%run_scoped3A : memref<!tpu.dma_semaphore, #tpu.memory_space<semaphore_mem>>) src(%dma_wait3A_37 : memref<10240x128xf32, #tpu.memory_space<hbm>>) dst(%arg15 : memref<80x128xf32, #tpu.memory_space<vmem>>)
      tpu.yield
    }) : () -> ()
    "tpu.region"() ({
      %run_scoped3A = tpu.sem_alloc : memref<!tpu.dma_semaphore, #tpu.memory_space<semaphore_mem>>
      %dma_start3A_32 = arith.constant 0 : i32
      %dma_start3A_33 = arith.constant 0 : i32
      %dma_start3A_34 = tpu.memref_slice %arg27[%dma_start3A_32, %dma_start3A_33] : memref<10240x128xf32, #tpu.memory_space<vmem_shared>> -> memref<10240x128xf32, #tpu.memory_space<vmem_shared>>
      tpu.enqueue_indirect_dma source(%arg15 : memref<80x128xf32, #tpu.memory_space<vmem>>) target(%dma_start3A_34 : memref<10240x128xf32, #tpu.memory_space<vmem_shared>>) offsets(%arg11 : memref<80xi32, #tpu.memory_space<vmem>>) semaphore(%run_scoped3A : memref<!tpu.dma_semaphore, #tpu.memory_space<semaphore_mem>>) {add = true}
      %dma_wait3A_35 = arith.constant 0 : i32
      %dma_wait3A_36 = arith.constant 0 : i32
      %dma_wait3A_37 = tpu.memref_slice %arg27[%dma_wait3A_35, %dma_wait3A_36] : memref<10240x128xf32, #tpu.memory_space<vmem_shared>> -> memref<10240x128xf32, #tpu.memory_space<vmem_shared>>
      tpu.wait_indirect_dma semaphore(%run_scoped3A : memref<!tpu.dma_semaphore, #tpu.memory_space<semaphore_mem>>) src(%arg15 : memref<80x128xf32, #tpu.memory_space<vmem>>) dst(%dma_wait3A_37 : memref<10240x128xf32, #tpu.memory_space<vmem_shared>>)
      tpu.yield
    }) : () -> ()
    %dma_wait3A_28 = arith.constant 0 : i32
    %dma_wait3A_29 = arith.constant 0 : i32
    %dma_wait3A_30 = tpu.memref_slice %arg27[%dma_wait3A_28, %dma_wait3A_29] : memref<10240x128xf32, #tpu.memory_space<vmem_shared>> -> memref<10240x128xf32, #tpu.memory_space<vmem_shared>>
    tpu.wait_indirect_dma semaphore(%arg26 : memref<!tpu.dma_semaphore, #tpu.memory_space<semaphore_mem>>) src(%arg16 : memref<80x128xf32, #tpu.memory_space<vmem>>) dst(%dma_wait3A_30 : memref<10240x128xf32, #tpu.memory_space<vmem_shared>>)
    %barrier3A_31 = arith.constant 0 : index
    tpu.barrier barrier_id(%barrier3A_31)
    "tpu.region"() ({
      %run_scoped3A = tpu.sem_alloc : memref<!tpu.dma_semaphore, #tpu.memory_space<semaphore_mem>>
      %dma_start3A_32 = arith.constant 0 : i32
      %dma_start3A_33 = tpu.memref_slice %arg6[%arg0, %mul3A_2, %dma_start3A_32] : memref<2x10240x128xf32, #tpu.memory_space<hbm>> -> memref<1x640x128xf32, #tpu.memory_space<hbm>>
      %dma_start3A_34 = tpu.memref_squeeze %dma_start3A_33 : memref<1x640x128xf32, #tpu.memory_space<hbm>> -> memref<640x128xf32, #tpu.memory_space<hbm>>
      %dma_start3A_35 = arith.constant 0 : i32
      %dma_start3A_36 = tpu.memref_slice %arg27[%mul3A_2, %dma_start3A_35] : memref<10240x128xf32, #tpu.memory_space<vmem_shared>> -> memref<640x128xf32, #tpu.memory_space<vmem_shared>>
      tpu.enqueue_dma source(%dma_start3A_36 : memref<640x128xf32, #tpu.memory_space<vmem_shared>>) target(%dma_start3A_34 : memref<640x128xf32, #tpu.memory_space<hbm>>) target_semaphore(%run_scoped3A : memref<!tpu.dma_semaphore, #tpu.memory_space<semaphore_mem>>)
      %dma_wait3A_37 = arith.constant 0 : i32
      %dma_wait3A_38 = tpu.memref_slice %arg6[%arg0, %mul3A_2, %dma_wait3A_37] : memref<2x10240x128xf32, #tpu.memory_space<hbm>> -> memref<1x640x128xf32, #tpu.memory_space<hbm>>
      %dma_wait3A_39 = tpu.memref_squeeze %dma_wait3A_38 : memref<1x640x128xf32, #tpu.memory_space<hbm>> -> memref<640x128xf32, #tpu.memory_space<hbm>>
      %dma_wait3A_40 = arith.constant 0 : i32
      %dma_wait3A_41 = tpu.memref_slice %arg27[%mul3A_2, %dma_wait3A_40] : memref<10240x128xf32, #tpu.memory_space<vmem_shared>> -> memref<640x128xf32, #tpu.memory_space<vmem_shared>>
      tpu.wait_dma2 semaphore(%run_scoped3A : memref<!tpu.dma_semaphore, #tpu.memory_space<semaphore_mem>>) src(%dma_wait3A_41 : memref<640x128xf32, #tpu.memory_space<vmem_shared>>) dst(%dma_wait3A_39 : memref<640x128xf32, #tpu.memory_space<hbm>>)
      tpu.yield
    }) : () -> ()
    return
  }
}

#map = affine_map<(d0, d1) -> (0, 0)>
#map1 = affine_map<(d0, d1) -> (0)>
#map2 = affine_map<(d0, d1) -> (0, 0, 0)>
module attributes {stable_mosaic.version = 14 : i64} {
  func.func @k(%arg0: i32, %arg1: i32, %arg2: memref<10240x128xf32, #tpu.memory_space<hbm>>, %arg3: memref<320000xi32, #tpu.memory_space<hbm>>, %arg4: memref<320000xi32, #tpu.memory_space<hbm>>, %arg5: memref<640x128xf32, #tpu.memory_space<hbm>>, %arg6: memref<2x10240x128xf32, #tpu.memory_space<hbm>>, %arg7: memref<80xi32, #tpu.memory_space<vmem>>, %arg8: memref<80xi32, #tpu.memory_space<vmem>>, %arg9: memref<80xi32, #tpu.memory_space<vmem>>, %arg10: memref<80xi32, #tpu.memory_space<vmem>>, %arg11: memref<80xi32, #tpu.memory_space<vmem>>, %arg12: memref<80xi32, #tpu.memory_space<vmem>>, %arg13: memref<80xi32, #tpu.memory_space<vmem>>, %arg14: memref<80xi32, #tpu.memory_space<vmem>>, %arg15: memref<80x128xf32, #tpu.memory_space<vmem>>, %arg16: memref<80x128xf32, #tpu.memory_space<vmem>>, %arg17: memref<!tpu.dma_semaphore, #tpu.memory_space<semaphore_mem>>, %arg18: memref<!tpu.dma_semaphore, #tpu.memory_space<semaphore_mem>>, %arg19: memref<!tpu.dma_semaphore, #tpu.memory_space<semaphore_mem>>, %arg20: memref<!tpu.dma_semaphore, #tpu.memory_space<semaphore_mem>>, %arg21: memref<!tpu.dma_semaphore, #tpu.memory_space<semaphore_mem>>, %arg22: memref<!tpu.dma_semaphore, #tpu.memory_space<semaphore_mem>>, %arg23: memref<!tpu.dma_semaphore, #tpu.memory_space<semaphore_mem>>, %arg24: memref<!tpu.dma_semaphore, #tpu.memory_space<semaphore_mem>>, %arg25: memref<!tpu.dma_semaphore, #tpu.memory_space<semaphore_mem>>, %arg26: memref<!tpu.dma_semaphore, #tpu.memory_space<semaphore_mem>>, %arg27: memref<10240x128xf32, #tpu.memory_space<vmem_shared>>) attributes {dimension_semantics = [#tpu.dimension_semantics<core_parallel>, #tpu.dimension_semantics<subcore_parallel>], iteration_bounds = array<i64: 2, 16>, scalar_prefetch = 0 : i64, scratch_operands = 21 : i64, tpu.core_type = #tpu.core_type<sc_vector_subcore>, window_params = [{transform_indices = #map}, {transform_indices = #map1}, {transform_indices = #map1}, {transform_indices = #map}, {transform_indices = #map2}]} {
    %mul3A = arith.constant 2 : i32
    %mul3A_0 = arith.muli %arg1, %mul3A : i32
    %add3A = arith.addi %mul3A_0, %arg0 : i32
    %mul3A_1 = arith.constant 640 : i32
    %mul3A_2 = arith.muli %arg1, %mul3A_1 : i32
    %mul3A_3 = arith.constant 10000 : i32
    %mul3A_4 = arith.muli %add3A, %mul3A_3 : i32
    %add3A_5 = arith.constant 0 : i32
    %add3A_6 = arith.addi %mul3A_4, %add3A_5 : i32
    %dma_start3A = tpu.memref_slice %arg3[%add3A_6] : memref<320000xi32, #tpu.memory_space<hbm>> -> memref<80xi32, #tpu.memory_space<hbm>>
    %dma_start3A_7 = tpu.memref_slice %arg3[%add3A_6] : memref<320000xi32, #tpu.memory_space<hbm>> -> memref<80xi32, #tpu.memory_space<hbm>>
    tpu.enqueue_dma source(%dma_start3A_7 : memref<80xi32, #tpu.memory_space<hbm>>) target(%arg7 : memref<80xi32, #tpu.memory_space<vmem>>) target_semaphore(%arg17 : memref<!tpu.dma_semaphore, #tpu.memory_space<semaphore_mem>>)
    %dma_start3A_8 = tpu.memref_slice %arg4[%add3A_6] : memref<320000xi32, #tpu.memory_space<hbm>> -> memref<80xi32, #tpu.memory_space<hbm>>
    %dma_start3A_9 = tpu.memref_slice %arg4[%add3A_6] : memref<320000xi32, #tpu.memory_space<hbm>> -> memref<80xi32, #tpu.memory_space<hbm>>
    tpu.enqueue_dma source(%dma_start3A_9 : memref<80xi32, #tpu.memory_space<hbm>>) target(%arg11 : memref<80xi32, #tpu.memory_space<vmem>>) target_semaphore(%arg21 : memref<!tpu.dma_semaphore, #tpu.memory_space<semaphore_mem>>)
    %add3A_10 = arith.constant 80 : i32
    %add3A_11 = arith.addi %mul3A_4, %add3A_10 : i32
    %dma_start3A_12 = tpu.memref_slice %arg3[%add3A_11] : memref<320000xi32, #tpu.memory_space<hbm>> -> memref<80xi32, #tpu.memory_space<hbm>>
    %dma_start3A_13 = tpu.memref_slice %arg3[%add3A_11] : memref<320000xi32, #tpu.memory_space<hbm>> -> memref<80xi32, #tpu.memory_space<hbm>>
    tpu.enqueue_dma source(%dma_start3A_13 : memref<80xi32, #tpu.memory_space<hbm>>) target(%arg8 : memref<80xi32, #tpu.memory_space<vmem>>) target_semaphore(%arg18 : memref<!tpu.dma_semaphore, #tpu.memory_space<semaphore_mem>>)
    %dma_start3A_14 = tpu.memref_slice %arg4[%add3A_11] : memref<320000xi32, #tpu.memory_space<hbm>> -> memref<80xi32, #tpu.memory_space<hbm>>
    %dma_start3A_15 = tpu.memref_slice %arg4[%add3A_11] : memref<320000xi32, #tpu.memory_space<hbm>> -> memref<80xi32, #tpu.memory_space<hbm>>
    tpu.enqueue_dma source(%dma_start3A_15 : memref<80xi32, #tpu.memory_space<hbm>>) target(%arg12 : memref<80xi32, #tpu.memory_space<vmem>>) target_semaphore(%arg22 : memref<!tpu.dma_semaphore, #tpu.memory_space<semaphore_mem>>)
    "tpu.region"() ({
      %run_scoped3A = tpu.sem_alloc : memref<!tpu.dma_semaphore, #tpu.memory_space<semaphore_mem>>
      %dma_start3A_32 = arith.constant 0 : i32
      %dma_start3A_33 = tpu.memref_slice %arg27[%mul3A_2, %dma_start3A_32] : memref<10240x128xf32, #tpu.memory_space<vmem_shared>> -> memref<640x128xf32, #tpu.memory_space<vmem_shared>>
      tpu.enqueue_dma source(%arg5 : memref<640x128xf32, #tpu.memory_space<hbm>>) target(%dma_start3A_33 : memref<640x128xf32, #tpu.memory_space<vmem_shared>>) target_semaphore(%run_scoped3A : memref<!tpu.dma_semaphore, #tpu.memory_space<semaphore_mem>>)
      %dma_wait3A_34 = arith.constant 0 : i32
      %dma_wait3A_35 = tpu.memref_slice %arg27[%mul3A_2, %dma_wait3A_34] : memref<10240x128xf32, #tpu.memory_space<vmem_shared>> -> memref<640x128xf32, #tpu.memory_space<vmem_shared>>
      tpu.wait_dma2 semaphore(%run_scoped3A : memref<!tpu.dma_semaphore, #tpu.memory_space<semaphore_mem>>) src(%arg5 : memref<640x128xf32, #tpu.memory_space<hbm>>) dst(%dma_wait3A_35 : memref<640x128xf32, #tpu.memory_space<vmem_shared>>)
      tpu.yield
    }) : () -> ()
    %barrier3A = arith.constant 0 : index
    tpu.barrier barrier_id(%barrier3A)
    %scan3A = arith.constant 0 : i32
    %scan3A_16 = arith.constant 31 : i32
    %scan3A_17 = arith.addi %scan3A, %scan3A_16 : i32
    %scan3A_18 = arith.constant 1 : i32
    scf.for %scan3A_32 = %scan3A to %scan3A_17 step %scan3A_18  : i32 {
      %mul3A_33 = arith.constant 1 : i32
      %mul3A_34 = arith.muli %scan3A_32, %mul3A_33 : i32
      %add3A_35 = arith.constant 0 : i32
      %add3A_36 = arith.addi %add3A_35, %mul3A_34 : i32
      %mul3A_37 = arith.constant 4 : i32
      %mul3A_38 = arith.muli %mul3A_37, %add3A_36 : i32
      %add3A_39 = arith.constant 0 : i32
      %add3A_40 = arith.addi %mul3A_38, %add3A_39 : i32
      %mul3A_41 = arith.constant 80 : i32
      %mul3A_42 = arith.muli %add3A_40, %mul3A_41 : i32
      %add3A_43 = arith.addi %mul3A_4, %mul3A_42 : i32
      %dma_wait3A_44 = tpu.memref_slice %arg3[%add3A_43] : memref<320000xi32, #tpu.memory_space<hbm>> -> memref<80xi32, #tpu.memory_space<hbm>>
      %dma_wait3A_45 = tpu.memref_slice %arg3[%add3A_43] : memref<320000xi32, #tpu.memory_space<hbm>> -> memref<80xi32, #tpu.memory_space<hbm>>
      tpu.wait_dma2 semaphore(%arg17 : memref<!tpu.dma_semaphore, #tpu.memory_space<semaphore_mem>>) src(%dma_wait3A_45 : memref<80xi32, #tpu.memory_space<hbm>>) dst(%arg7 : memref<80xi32, #tpu.memory_space<vmem>>)
      %dma_wait3A_46 = tpu.memref_slice %arg4[%add3A_43] : memref<320000xi32, #tpu.memory_space<hbm>> -> memref<80xi32, #tpu.memory_space<hbm>>
      %dma_wait3A_47 = tpu.memref_slice %arg4[%add3A_43] : memref<320000xi32, #tpu.memory_space<hbm>> -> memref<80xi32, #tpu.memory_space<hbm>>
      tpu.wait_dma2 semaphore(%arg21 : memref<!tpu.dma_semaphore, #tpu.memory_space<semaphore_mem>>) src(%dma_wait3A_47 : memref<80xi32, #tpu.memory_space<hbm>>) dst(%arg11 : memref<80xi32, #tpu.memory_space<vmem>>)
      %gt3A = arith.constant 0 : i32
      %gt3A_48 = arith.cmpi sgt, %add3A_36, %gt3A : i32
      %convert_element_type3A = arith.extui %gt3A_48 : i1 to i32
      %cond3A = arith.constant 0 : i32
      %cond3A_49 = arith.cmpi ne, %convert_element_type3A, %cond3A : i32
      scf.if %cond3A_49 {
        %dma_wait3A_131 = arith.constant 0 : i32
        %dma_wait3A_132 = arith.constant 0 : i32
        %dma_wait3A_133 = tpu.memref_slice %arg27[%dma_wait3A_131, %dma_wait3A_132] : memref<10240x128xf32, #tpu.memory_space<vmem_shared>> -> memref<10240x128xf32, #tpu.memory_space<vmem_shared>>
        tpu.wait_indirect_dma semaphore(%arg25 : memref<!tpu.dma_semaphore, #tpu.memory_space<semaphore_mem>>) src(%arg15 : memref<80x128xf32, #tpu.memory_space<vmem>>) dst(%dma_wait3A_133 : memref<10240x128xf32, #tpu.memory_space<vmem_shared>>)
      } else {
      }
      "tpu.region"() ({
        %run_scoped3A = tpu.sem_alloc : memref<!tpu.dma_semaphore, #tpu.memory_space<semaphore_mem>>
        %dma_start3A_131 = arith.constant 0 : i32
        %dma_start3A_132 = arith.constant 0 : i32
        %dma_start3A_133 = tpu.memref_slice %arg2[%dma_start3A_131, %dma_start3A_132] : memref<10240x128xf32, #tpu.memory_space<hbm>> -> memref<10240x128xf32, #tpu.memory_space<hbm>>
        tpu.enqueue_indirect_dma source(%dma_start3A_133 : memref<10240x128xf32, #tpu.memory_space<hbm>>) target(%arg15 : memref<80x128xf32, #tpu.memory_space<vmem>>) offsets(%arg7 : memref<80xi32, #tpu.memory_space<vmem>>) semaphore(%run_scoped3A : memref<!tpu.dma_semaphore, #tpu.memory_space<semaphore_mem>>)
        %dma_wait3A_134 = arith.constant 0 : i32
        %dma_wait3A_135 = arith.constant 0 : i32
        %dma_wait3A_136 = tpu.memref_slice %arg2[%dma_wait3A_134, %dma_wait3A_135] : memref<10240x128xf32, #tpu.memory_space<hbm>> -> memref<10240x128xf32, #tpu.memory_space<hbm>>
        tpu.wait_indirect_dma semaphore(%run_scoped3A : memref<!tpu.dma_semaphore, #tpu.memory_space<semaphore_mem>>) src(%dma_wait3A_136 : memref<10240x128xf32, #tpu.memory_space<hbm>>) dst(%arg15 : memref<80x128xf32, #tpu.memory_space<vmem>>)
        tpu.yield
      }) : () -> ()
      %dma_start3A_50 = arith.constant 0 : i32
      %dma_start3A_51 = arith.constant 0 : i32
      %dma_start3A_52 = tpu.memref_slice %arg27[%dma_start3A_50, %dma_start3A_51] : memref<10240x128xf32, #tpu.memory_space<vmem_shared>> -> memref<10240x128xf32, #tpu.memory_space<vmem_shared>>
      tpu.enqueue_indirect_dma source(%arg15 : memref<80x128xf32, #tpu.memory_space<vmem>>) target(%dma_start3A_52 : memref<10240x128xf32, #tpu.memory_space<vmem_shared>>) offsets(%arg11 : memref<80xi32, #tpu.memory_space<vmem>>) semaphore(%arg25 : memref<!tpu.dma_semaphore, #tpu.memory_space<semaphore_mem>>) {add = true}
      %add3A_53 = arith.constant 2 : i32
      %add3A_54 = arith.addi %add3A_40, %add3A_53 : i32
      %mul3A_55 = arith.constant 80 : i32
      %mul3A_56 = arith.muli %add3A_54, %mul3A_55 : i32
      %add3A_57 = arith.addi %mul3A_4, %mul3A_56 : i32
      %dma_start3A_58 = tpu.memref_slice %arg3[%add3A_57] : memref<320000xi32, #tpu.memory_space<hbm>> -> memref<80xi32, #tpu.memory_space<hbm>>
      %dma_start3A_59 = tpu.memref_slice %arg3[%add3A_57] : memref<320000xi32, #tpu.memory_space<hbm>> -> memref<80xi32, #tpu.memory_space<hbm>>
      tpu.enqueue_dma source(%dma_start3A_59 : memref<80xi32, #tpu.memory_space<hbm>>) target(%arg9 : memref<80xi32, #tpu.memory_space<vmem>>) target_semaphore(%arg19 : memref<!tpu.dma_semaphore, #tpu.memory_space<semaphore_mem>>)
      %dma_start3A_60 = tpu.memref_slice %arg4[%add3A_57] : memref<320000xi32, #tpu.memory_space<hbm>> -> memref<80xi32, #tpu.memory_space<hbm>>
      %dma_start3A_61 = tpu.memref_slice %arg4[%add3A_57] : memref<320000xi32, #tpu.memory_space<hbm>> -> memref<80xi32, #tpu.memory_space<hbm>>
      tpu.enqueue_dma source(%dma_start3A_61 : memref<80xi32, #tpu.memory_space<hbm>>) target(%arg13 : memref<80xi32, #tpu.memory_space<vmem>>) target_semaphore(%arg23 : memref<!tpu.dma_semaphore, #tpu.memory_space<semaphore_mem>>)
      %add3A_62 = arith.constant 1 : i32
      %add3A_63 = arith.addi %mul3A_38, %add3A_62 : i32
      %mul3A_64 = arith.constant 80 : i32
      %mul3A_65 = arith.muli %add3A_63, %mul3A_64 : i32
      %add3A_66 = arith.addi %mul3A_4, %mul3A_65 : i32
      %dma_wait3A_67 = tpu.memref_slice %arg3[%add3A_66] : memref<320000xi32, #tpu.memory_space<hbm>> -> memref<80xi32, #tpu.memory_space<hbm>>
      %dma_wait3A_68 = tpu.memref_slice %arg3[%add3A_66] : memref<320000xi32, #tpu.memory_space<hbm>> -> memref<80xi32, #tpu.memory_space<hbm>>
      tpu.wait_dma2 semaphore(%arg18 : memref<!tpu.dma_semaphore, #tpu.memory_space<semaphore_mem>>) src(%dma_wait3A_68 : memref<80xi32, #tpu.memory_space<hbm>>) dst(%arg8 : memref<80xi32, #tpu.memory_space<vmem>>)
      %dma_wait3A_69 = tpu.memref_slice %arg4[%add3A_66] : memref<320000xi32, #tpu.memory_space<hbm>> -> memref<80xi32, #tpu.memory_space<hbm>>
      %dma_wait3A_70 = tpu.memref_slice %arg4[%add3A_66] : memref<320000xi32, #tpu.memory_space<hbm>> -> memref<80xi32, #tpu.memory_space<hbm>>
      tpu.wait_dma2 semaphore(%arg22 : memref<!tpu.dma_semaphore, #tpu.memory_space<semaphore_mem>>) src(%dma_wait3A_70 : memref<80xi32, #tpu.memory_space<hbm>>) dst(%arg12 : memref<80xi32, #tpu.memory_space<vmem>>)
      %gt3A_71 = arith.constant 0 : i32
      %gt3A_72 = arith.cmpi sgt, %add3A_36, %gt3A_71 : i32
      %convert_element_type3A_73 = arith.extui %gt3A_72 : i1 to i32
      %cond3A_74 = arith.constant 0 : i32
      %cond3A_75 = arith.cmpi ne, %convert_element_type3A_73, %cond3A_74 : i32
      scf.if %cond3A_75 {
        %dma_wait3A_131 = arith.constant 0 : i32
        %dma_wait3A_132 = arith.constant 0 : i32
        %dma_wait3A_133 = tpu.memref_slice %arg27[%dma_wait3A_131, %dma_wait3A_132] : memref<10240x128xf32, #tpu.memory_space<vmem_shared>> -> memref<10240x128xf32, #tpu.memory_space<vmem_shared>>
        tpu.wait_indirect_dma semaphore(%arg26 : memref<!tpu.dma_semaphore, #tpu.memory_space<semaphore_mem>>) src(%arg16 : memref<80x128xf32, #tpu.memory_space<vmem>>) dst(%dma_wait3A_133 : memref<10240x128xf32, #tpu.memory_space<vmem_shared>>)
      } else {
      }
      "tpu.region"() ({
        %run_scoped3A = tpu.sem_alloc : memref<!tpu.dma_semaphore, #tpu.memory_space<semaphore_mem>>
        %dma_start3A_131 = arith.constant 0 : i32
        %dma_start3A_132 = arith.constant 0 : i32
        %dma_start3A_133 = tpu.memref_slice %arg2[%dma_start3A_131, %dma_start3A_132] : memref<10240x128xf32, #tpu.memory_space<hbm>> -> memref<10240x128xf32, #tpu.memory_space<hbm>>
        tpu.enqueue_indirect_dma source(%dma_start3A_133 : memref<10240x128xf32, #tpu.memory_space<hbm>>) target(%arg16 : memref<80x128xf32, #tpu.memory_space<vmem>>) offsets(%arg8 : memref<80xi32, #tpu.memory_space<vmem>>) semaphore(%run_scoped3A : memref<!tpu.dma_semaphore, #tpu.memory_space<semaphore_mem>>)
        %dma_wait3A_134 = arith.constant 0 : i32
        %dma_wait3A_135 = arith.constant 0 : i32
        %dma_wait3A_136 = tpu.memref_slice %arg2[%dma_wait3A_134, %dma_wait3A_135] : memref<10240x128xf32, #tpu.memory_space<hbm>> -> memref<10240x128xf32, #tpu.memory_space<hbm>>
        tpu.wait_indirect_dma semaphore(%run_scoped3A : memref<!tpu.dma_semaphore, #tpu.memory_space<semaphore_mem>>) src(%dma_wait3A_136 : memref<10240x128xf32, #tpu.memory_space<hbm>>) dst(%arg16 : memref<80x128xf32, #tpu.memory_space<vmem>>)
        tpu.yield
      }) : () -> ()
      %dma_start3A_76 = arith.constant 0 : i32
      %dma_start3A_77 = arith.constant 0 : i32
      %dma_start3A_78 = tpu.memref_slice %arg27[%dma_start3A_76, %dma_start3A_77] : memref<10240x128xf32, #tpu.memory_space<vmem_shared>> -> memref<10240x128xf32, #tpu.memory_space<vmem_shared>>
      tpu.enqueue_indirect_dma source(%arg16 : memref<80x128xf32, #tpu.memory_space<vmem>>) target(%dma_start3A_78 : memref<10240x128xf32, #tpu.memory_space<vmem_shared>>) offsets(%arg12 : memref<80xi32, #tpu.memory_space<vmem>>) semaphore(%arg26 : memref<!tpu.dma_semaphore, #tpu.memory_space<semaphore_mem>>) {add = true}
      %add3A_79 = arith.constant 2 : i32
      %add3A_80 = arith.addi %add3A_63, %add3A_79 : i32
      %mul3A_81 = arith.constant 80 : i32
      %mul3A_82 = arith.muli %add3A_80, %mul3A_81 : i32
      %add3A_83 = arith.addi %mul3A_4, %mul3A_82 : i32
      %dma_start3A_84 = tpu.memref_slice %arg3[%add3A_83] : memref<320000xi32, #tpu.memory_space<hbm>> -> memref<80xi32, #tpu.memory_space<hbm>>
      %dma_start3A_85 = tpu.memref_slice %arg3[%add3A_83] : memref<320000xi32, #tpu.memory_space<hbm>> -> memref<80xi32, #tpu.memory_space<hbm>>
      tpu.enqueue_dma source(%dma_start3A_85 : memref<80xi32, #tpu.memory_space<hbm>>) target(%arg10 : memref<80xi32, #tpu.memory_space<vmem>>) target_semaphore(%arg20 : memref<!tpu.dma_semaphore, #tpu.memory_space<semaphore_mem>>)
      %dma_start3A_86 = tpu.memref_slice %arg4[%add3A_83] : memref<320000xi32, #tpu.memory_space<hbm>> -> memref<80xi32, #tpu.memory_space<hbm>>
      %dma_start3A_87 = tpu.memref_slice %arg4[%add3A_83] : memref<320000xi32, #tpu.memory_space<hbm>> -> memref<80xi32, #tpu.memory_space<hbm>>
      tpu.enqueue_dma source(%dma_start3A_87 : memref<80xi32, #tpu.memory_space<hbm>>) target(%arg14 : memref<80xi32, #tpu.memory_space<vmem>>) target_semaphore(%arg24 : memref<!tpu.dma_semaphore, #tpu.memory_space<semaphore_mem>>)
      %add3A_88 = arith.constant 2 : i32
      %add3A_89 = arith.addi %mul3A_38, %add3A_88 : i32
      %mul3A_90 = arith.constant 80 : i32
      %mul3A_91 = arith.muli %add3A_89, %mul3A_90 : i32
      %add3A_92 = arith.addi %mul3A_4, %mul3A_91 : i32
      %dma_wait3A_93 = tpu.memref_slice %arg3[%add3A_92] : memref<320000xi32, #tpu.memory_space<hbm>> -> memref<80xi32, #tpu.memory_space<hbm>>
      %dma_wait3A_94 = tpu.memref_slice %arg3[%add3A_92] : memref<320000xi32, #tpu.memory_space<hbm>> -> memref<80xi32, #tpu.memory_space<hbm>>
      tpu.wait_dma2 semaphore(%arg19 : memref<!tpu.dma_semaphore, #tpu.memory_space<semaphore_mem>>) src(%dma_wait3A_94 : memref<80xi32, #tpu.memory_space<hbm>>) dst(%arg9 : memref<80xi32, #tpu.memory_space<vmem>>)
      %dma_wait3A_95 = tpu.memref_slice %arg4[%add3A_92] : memref<320000xi32, #tpu.memory_space<hbm>> -> memref<80xi32, #tpu.memory_space<hbm>>
      %dma_wait3A_96 = tpu.memref_slice %arg4[%add3A_92] : memref<320000xi32, #tpu.memory_space<hbm>> -> memref<80xi32, #tpu.memory_space<hbm>>
      tpu.wait_dma2 semaphore(%arg23 : memref<!tpu.dma_semaphore, #tpu.memory_space<semaphore_mem>>) src(%dma_wait3A_96 : memref<80xi32, #tpu.memory_space<hbm>>) dst(%arg13 : memref<80xi32, #tpu.memory_space<vmem>>)
      %dma_wait3A_97 = arith.constant 0 : i32
      %dma_wait3A_98 = arith.constant 0 : i32
      %dma_wait3A_99 = tpu.memref_slice %arg27[%dma_wait3A_97, %dma_wait3A_98] : memref<10240x128xf32, #tpu.memory_space<vmem_shared>> -> memref<10240x128xf32, #tpu.memory_space<vmem_shared>>
      tpu.wait_indirect_dma semaphore(%arg25 : memref<!tpu.dma_semaphore, #tpu.memory_space<semaphore_mem>>) src(%arg15 : memref<80x128xf32, #tpu.memory_space<vmem>>) dst(%dma_wait3A_99 : memref<10240x128xf32, #tpu.memory_space<vmem_shared>>)
      "tpu.region"() ({
        %run_scoped3A = tpu.sem_alloc : memref<!tpu.dma_semaphore, #tpu.memory_space<semaphore_mem>>
        %dma_start3A_131 = arith.constant 0 : i32
        %dma_start3A_132 = arith.constant 0 : i32
        %dma_start3A_133 = tpu.memref_slice %arg2[%dma_start3A_131, %dma_start3A_132] : memref<10240x128xf32, #tpu.memory_space<hbm>> -> memref<10240x128xf32, #tpu.memory_space<hbm>>
        tpu.enqueue_indirect_dma source(%dma_start3A_133 : memref<10240x128xf32, #tpu.memory_space<hbm>>) target(%arg15 : memref<80x128xf32, #tpu.memory_space<vmem>>) offsets(%arg9 : memref<80xi32, #tpu.memory_space<vmem>>) semaphore(%run_scoped3A : memref<!tpu.dma_semaphore, #tpu.memory_space<semaphore_mem>>)
        %dma_wait3A_134 = arith.constant 0 : i32
        %dma_wait3A_135 = arith.constant 0 : i32
        %dma_wait3A_136 = tpu.memref_slice %arg2[%dma_wait3A_134, %dma_wait3A_135] : memref<10240x128xf32, #tpu.memory_space<hbm>> -> memref<10240x128xf32, #tpu.memory_space<hbm>>
        tpu.wait_indirect_dma semaphore(%run_scoped3A : memref<!tpu.dma_semaphore, #tpu.memory_space<semaphore_mem>>) src(%dma_wait3A_136 : memref<10240x128xf32, #tpu.memory_space<hbm>>) dst(%arg15 : memref<80x128xf32, #tpu.memory_space<vmem>>)
        tpu.yield
      }) : () -> ()
      %dma_start3A_100 = arith.constant 0 : i32
      %dma_start3A_101 = arith.constant 0 : i32
      %dma_start3A_102 = tpu.memref_slice %arg27[%dma_start3A_100, %dma_start3A_101] : memref<10240x128xf32, #tpu.memory_space<vmem_shared>> -> memref<10240x128xf32, #tpu.memory_space<vmem_shared>>
      tpu.enqueue_indirect_dma source(%arg15 : memref<80x128xf32, #tpu.memory_space<vmem>>) target(%dma_start3A_102 : memref<10240x128xf32, #tpu.memory_space<vmem_shared>>) offsets(%arg13 : memref<80xi32, #tpu.memory_space<vmem>>) semaphore(%arg25 : memref<!tpu.dma_semaphore, #tpu.memory_space<semaphore_mem>>) {add = true}
      %add3A_103 = arith.constant 2 : i32
      %add3A_104 = arith.addi %add3A_89, %add3A_103 : i32
      %mul3A_105 = arith.constant 80 : i32
      %mul3A_106 = arith.muli %add3A_104, %mul3A_105 : i32
      %add3A_107 = arith.addi %mul3A_4, %mul3A_106 : i32
      %dma_start3A_108 = tpu.memref_slice %arg3[%add3A_107] : memref<320000xi32, #tpu.memory_space<hbm>> -> memref<80xi32, #tpu.memory_space<hbm>>
      %dma_start3A_109 = tpu.memref_slice %arg3[%add3A_107] : memref<320000xi32, #tpu.memory_space<hbm>> -> memref<80xi32, #tpu.memory_space<hbm>>
      tpu.enqueue_dma source(%dma_start3A_109 : memref<80xi32, #tpu.memory_space<hbm>>) target(%arg7 : memref<80xi32, #tpu.memory_space<vmem>>) target_semaphore(%arg17 : memref<!tpu.dma_semaphore, #tpu.memory_space<semaphore_mem>>)
      %dma_start3A_110 = tpu.memref_slice %arg4[%add3A_107] : memref<320000xi32, #tpu.memory_space<hbm>> -> memref<80xi32, #tpu.memory_space<hbm>>
      %dma_start3A_111 = tpu.memref_slice %arg4[%add3A_107] : memref<320000xi32, #tpu.memory_space<hbm>> -> memref<80xi32, #tpu.memory_space<hbm>>
      tpu.enqueue_dma source(%dma_start3A_111 : memref<80xi32, #tpu.memory_space<hbm>>) target(%arg11 : memref<80xi32, #tpu.memory_space<vmem>>) target_semaphore(%arg21 : memref<!tpu.dma_semaphore, #tpu.memory_space<semaphore_mem>>)
      %add3A_112 = arith.constant 3 : i32
      %add3A_113 = arith.addi %mul3A_38, %add3A_112 : i32
      %mul3A_114 = arith.constant 80 : i32
      %mul3A_115 = arith.muli %add3A_113, %mul3A_114 : i32
      %add3A_116 = arith.addi %mul3A_4, %mul3A_115 : i32
      %dma_wait3A_117 = tpu.memref_slice %arg3[%add3A_116] : memref<320000xi32, #tpu.memory_space<hbm>> -> memref<80xi32, #tpu.memory_space<hbm>>
      %dma_wait3A_118 = tpu.memref_slice %arg3[%add3A_116] : memref<320000xi32, #tpu.memory_space<hbm>> -> memref<80xi32, #tpu.memory_space<hbm>>
      tpu.wait_dma2 semaphore(%arg20 : memref<!tpu.dma_semaphore, #tpu.memory_space<semaphore_mem>>) src(%dma_wait3A_118 : memref<80xi32, #tpu.memory_space<hbm>>) dst(%arg10 : memref<80xi32, #tpu.memory_space<vmem>>)
      %dma_wait3A_119 = tpu.memref_slice %arg4[%add3A_116] : memref<320000xi32, #tpu.memory_space<hbm>> -> memref<80xi32, #tpu.memory_space<hbm>>
      %dma_wait3A_120 = tpu.memref_slice %arg4[%add3A_116] : memref<320000xi32, #tpu.memory_space<hbm>> -> memref<80xi32, #tpu.memory_space<hbm>>
      tpu.wait_dma2 semaphore(%arg24 : memref<!tpu.dma_semaphore, #tpu.memory_space<semaphore_mem>>) src(%dma_wait3A_120 : memref<80xi32, #tpu.memory_space<hbm>>) dst(%arg14 : memref<80xi32, #tpu.memory_space<vmem>>)
      %dma_wait3A_121 = arith.constant 0 : i32
      %dma_wait3A_122 = arith.constant 0 : i32
      %dma_wait3A_123 = tpu.memref_slice %arg27[%dma_wait3A_121, %dma_wait3A_122] : memref<10240x128xf32, #tpu.memory_space<vmem_shared>> -> memref<10240x128xf32, #tpu.memory_space<vmem_shared>>
      tpu.wait_indirect_dma semaphore(%arg26 : memref<!tpu.dma_semaphore, #tpu.memory_space<semaphore_mem>>) src(%arg16 : memref<80x128xf32, #tpu.memory_space<vmem>>) dst(%dma_wait3A_123 : memref<10240x128xf32, #tpu.memory_space<vmem_shared>>)
      "tpu.region"() ({
        %run_scoped3A = tpu.sem_alloc : memref<!tpu.dma_semaphore, #tpu.memory_space<semaphore_mem>>
        %dma_start3A_131 = arith.constant 0 : i32
        %dma_start3A_132 = arith.constant 0 : i32
        %dma_start3A_133 = tpu.memref_slice %arg2[%dma_start3A_131, %dma_start3A_132] : memref<10240x128xf32, #tpu.memory_space<hbm>> -> memref<10240x128xf32, #tpu.memory_space<hbm>>
        tpu.enqueue_indirect_dma source(%dma_start3A_133 : memref<10240x128xf32, #tpu.memory_space<hbm>>) target(%arg16 : memref<80x128xf32, #tpu.memory_space<vmem>>) offsets(%arg10 : memref<80xi32, #tpu.memory_space<vmem>>) semaphore(%run_scoped3A : memref<!tpu.dma_semaphore, #tpu.memory_space<semaphore_mem>>)
        %dma_wait3A_134 = arith.constant 0 : i32
        %dma_wait3A_135 = arith.constant 0 : i32
        %dma_wait3A_136 = tpu.memref_slice %arg2[%dma_wait3A_134, %dma_wait3A_135] : memref<10240x128xf32, #tpu.memory_space<hbm>> -> memref<10240x128xf32, #tpu.memory_space<hbm>>
        tpu.wait_indirect_dma semaphore(%run_scoped3A : memref<!tpu.dma_semaphore, #tpu.memory_space<semaphore_mem>>) src(%dma_wait3A_136 : memref<10240x128xf32, #tpu.memory_space<hbm>>) dst(%arg16 : memref<80x128xf32, #tpu.memory_space<vmem>>)
        tpu.yield
      }) : () -> ()
      %dma_start3A_124 = arith.constant 0 : i32
      %dma_start3A_125 = arith.constant 0 : i32
      %dma_start3A_126 = tpu.memref_slice %arg27[%dma_start3A_124, %dma_start3A_125] : memref<10240x128xf32, #tpu.memory_space<vmem_shared>> -> memref<10240x128xf32, #tpu.memory_space<vmem_shared>>
      tpu.enqueue_indirect_dma source(%arg16 : memref<80x128xf32, #tpu.memory_space<vmem>>) target(%dma_start3A_126 : memref<10240x128xf32, #tpu.memory_space<vmem_shared>>) offsets(%arg14 : memref<80xi32, #tpu.memory_space<vmem>>) semaphore(%arg26 : memref<!tpu.dma_semaphore, #tpu.memory_space<semaphore_mem>>) {add = true}
      %lt3A = arith.constant 30 : i32
      %lt3A_127 = arith.cmpi slt, %add3A_36, %lt3A : i32
      %convert_element_type3A_128 = arith.extui %lt3A_127 : i1 to i32
      %cond3A_129 = arith.constant 0 : i32
      %cond3A_130 = arith.cmpi ne, %convert_element_type3A_128, %cond3A_129 : i32
      scf.if %cond3A_130 {
        %add3A_131 = arith.constant 2 : i32
        %add3A_132 = arith.addi %add3A_113, %add3A_131 : i32
        %mul3A_133 = arith.constant 80 : i32
        %mul3A_134 = arith.muli %add3A_132, %mul3A_133 : i32
        %add3A_135 = arith.addi %mul3A_4, %mul3A_134 : i32
        %dma_start3A_136 = tpu.memref_slice %arg3[%add3A_135] : memref<320000xi32, #tpu.memory_space<hbm>> -> memref<80xi32, #tpu.memory_space<hbm>>
        %dma_start3A_137 = tpu.memref_slice %arg3[%add3A_135] : memref<320000xi32, #tpu.memory_space<hbm>> -> memref<80xi32, #tpu.memory_space<hbm>>
        tpu.enqueue_dma source(%dma_start3A_137 : memref<80xi32, #tpu.memory_space<hbm>>) target(%arg8 : memref<80xi32, #tpu.memory_space<vmem>>) target_semaphore(%arg18 : memref<!tpu.dma_semaphore, #tpu.memory_space<semaphore_mem>>)
        %dma_start3A_138 = tpu.memref_slice %arg4[%add3A_135] : memref<320000xi32, #tpu.memory_space<hbm>> -> memref<80xi32, #tpu.memory_space<hbm>>
        %dma_start3A_139 = tpu.memref_slice %arg4[%add3A_135] : memref<320000xi32, #tpu.memory_space<hbm>> -> memref<80xi32, #tpu.memory_space<hbm>>
        tpu.enqueue_dma source(%dma_start3A_139 : memref<80xi32, #tpu.memory_space<hbm>>) target(%arg12 : memref<80xi32, #tpu.memory_space<vmem>>) target_semaphore(%arg22 : memref<!tpu.dma_semaphore, #tpu.memory_space<semaphore_mem>>)
      } else {
      }
    }
    %scan3A_19 = arith.constant 31 : i32
    %add3A_20 = arith.constant 9920 : i32
    %add3A_21 = arith.addi %mul3A_4, %add3A_20 : i32
    %dma_wait3A = tpu.memref_slice %arg3[%add3A_21] : memref<320000xi32, #tpu.memory_space<hbm>> -> memref<80xi32, #tpu.memory_space<hbm>>
    %dma_wait3A_22 = tpu.memref_slice %arg3[%add3A_21] : memref<320000xi32, #tpu.memory_space<hbm>> -> memref<80xi32, #tpu.memory_space<hbm>>
    tpu.wait_dma2 semaphore(%arg17 : memref<!tpu.dma_semaphore, #tpu.memory_space<semaphore_mem>>) src(%dma_wait3A_22 : memref<80xi32, #tpu.memory_space<hbm>>) dst(%arg7 : memref<80xi32, #tpu.memory_space<vmem>>)
    %dma_wait3A_23 = tpu.memref_slice %arg4[%add3A_21] : memref<320000xi32, #tpu.memory_space<hbm>> -> memref<80xi32, #tpu.memory_space<hbm>>
    %dma_wait3A_24 = tpu.memref_slice %arg4[%add3A_21] : memref<320000xi32, #tpu.memory_space<hbm>> -> memref<80xi32, #tpu.memory_space<hbm>>
    tpu.wait_dma2 semaphore(%arg21 : memref<!tpu.dma_semaphore, #tpu.memory_space<semaphore_mem>>) src(%dma_wait3A_24 : memref<80xi32, #tpu.memory_space<hbm>>) dst(%arg11 : memref<80xi32, #tpu.memory_space<vmem>>)
    %dma_wait3A_25 = arith.constant 0 : i32
    %dma_wait3A_26 = arith.constant 0 : i32
    %dma_wait3A_27 = tpu.memref_slice %arg27[%dma_wait3A_25, %dma_wait3A_26] : memref<10240x128xf32, #tpu.memory_space<vmem_shared>> -> memref<10240x128xf32, #tpu.memory_space<vmem_shared>>
    tpu.wait_indirect_dma semaphore(%arg25 : memref<!tpu.dma_semaphore, #tpu.memory_space<semaphore_mem>>) src(%arg15 : memref<80x128xf32, #tpu.memory_space<vmem>>) dst(%dma_wait3A_27 : memref<10240x128xf32, #tpu.memory_space<vmem_shared>>)
    "tpu.region"() ({
      %run_scoped3A = tpu.sem_alloc : memref<!tpu.dma_semaphore, #tpu.memory_space<semaphore_mem>>
      %dma_start3A_32 = arith.constant 0 : i32
      %dma_start3A_33 = arith.constant 0 : i32
      %dma_start3A_34 = tpu.memref_slice %arg2[%dma_start3A_32, %dma_start3A_33] : memref<10240x128xf32, #tpu.memory_space<hbm>> -> memref<10240x128xf32, #tpu.memory_space<hbm>>
      tpu.enqueue_indirect_dma source(%dma_start3A_34 : memref<10240x128xf32, #tpu.memory_space<hbm>>) target(%arg15 : memref<80x128xf32, #tpu.memory_space<vmem>>) offsets(%arg7 : memref<80xi32, #tpu.memory_space<vmem>>) semaphore(%run_scoped3A : memref<!tpu.dma_semaphore, #tpu.memory_space<semaphore_mem>>)
      %dma_wait3A_35 = arith.constant 0 : i32
      %dma_wait3A_36 = arith.constant 0 : i32
      %dma_wait3A_37 = tpu.memref_slice %arg2[%dma_wait3A_35, %dma_wait3A_36] : memref<10240x128xf32, #tpu.memory_space<hbm>> -> memref<10240x128xf32, #tpu.memory_space<hbm>>
      tpu.wait_indirect_dma semaphore(%run_scoped3A : memref<!tpu.dma_semaphore, #tpu.memory_space<semaphore_mem>>) src(%dma_wait3A_37 : memref<10240x128xf32, #tpu.memory_space<hbm>>) dst(%arg15 : memref<80x128xf32, #tpu.memory_space<vmem>>)
      tpu.yield
    }) : () -> ()
    "tpu.region"() ({
      %run_scoped3A = tpu.sem_alloc : memref<!tpu.dma_semaphore, #tpu.memory_space<semaphore_mem>>
      %dma_start3A_32 = arith.constant 0 : i32
      %dma_start3A_33 = arith.constant 0 : i32
      %dma_start3A_34 = tpu.memref_slice %arg27[%dma_start3A_32, %dma_start3A_33] : memref<10240x128xf32, #tpu.memory_space<vmem_shared>> -> memref<10240x128xf32, #tpu.memory_space<vmem_shared>>
      tpu.enqueue_indirect_dma source(%arg15 : memref<80x128xf32, #tpu.memory_space<vmem>>) target(%dma_start3A_34 : memref<10240x128xf32, #tpu.memory_space<vmem_shared>>) offsets(%arg11 : memref<80xi32, #tpu.memory_space<vmem>>) semaphore(%run_scoped3A : memref<!tpu.dma_semaphore, #tpu.memory_space<semaphore_mem>>) {add = true}
      %dma_wait3A_35 = arith.constant 0 : i32
      %dma_wait3A_36 = arith.constant 0 : i32
      %dma_wait3A_37 = tpu.memref_slice %arg27[%dma_wait3A_35, %dma_wait3A_36] : memref<10240x128xf32, #tpu.memory_space<vmem_shared>> -> memref<10240x128xf32, #tpu.memory_space<vmem_shared>>
      tpu.wait_indirect_dma semaphore(%run_scoped3A : memref<!tpu.dma_semaphore, #tpu.memory_space<semaphore_mem>>) src(%arg15 : memref<80x128xf32, #tpu.memory_space<vmem>>) dst(%dma_wait3A_37 : memref<10240x128xf32, #tpu.memory_space<vmem_shared>>)
      tpu.yield
    }) : () -> ()
    %dma_wait3A_28 = arith.constant 0 : i32
    %dma_wait3A_29 = arith.constant 0 : i32
    %dma_wait3A_30 = tpu.memref_slice %arg27[%dma_wait3A_28, %dma_wait3A_29] : memref<10240x128xf32, #tpu.memory_space<vmem_shared>> -> memref<10240x128xf32, #tpu.memory_space<vmem_shared>>
    tpu.wait_indirect_dma semaphore(%arg26 : memref<!tpu.dma_semaphore, #tpu.memory_space<semaphore_mem>>) src(%arg16 : memref<80x128xf32, #tpu.memory_space<vmem>>) dst(%dma_wait3A_30 : memref<10240x128xf32, #tpu.memory_space<vmem_shared>>)
    %barrier3A_31 = arith.constant 0 : index
    tpu.barrier barrier_id(%barrier3A_31)
    "tpu.region"() ({
      %run_scoped3A = tpu.sem_alloc : memref<!tpu.dma_semaphore, #tpu.memory_space<semaphore_mem>>
      %dma_start3A_32 = arith.constant 0 : i32
      %dma_start3A_33 = tpu.memref_slice %arg6[%arg0, %mul3A_2, %dma_start3A_32] : memref<2x10240x128xf32, #tpu.memory_space<hbm>> -> memref<1x640x128xf32, #tpu.memory_space<hbm>>
      %dma_start3A_34 = tpu.memref_squeeze %dma_start3A_33 : memref<1x640x128xf32, #tpu.memory_space<hbm>> -> memref<640x128xf32, #tpu.memory_space<hbm>>
      %dma_start3A_35 = arith.constant 0 : i32
      %dma_start3A_36 = tpu.memref_slice %arg27[%mul3A_2, %dma_start3A_35] : memref<10240x128xf32, #tpu.memory_space<vmem_shared>> -> memref<640x128xf32, #tpu.memory_space<vmem_shared>>
      tpu.enqueue_dma source(%dma_start3A_36 : memref<640x128xf32, #tpu.memory_space<vmem_shared>>) target(%dma_start3A_34 : memref<640x128xf32, #tpu.memory_space<hbm>>) target_semaphore(%run_scoped3A : memref<!tpu.dma_semaphore, #tpu.memory_space<semaphore_mem>>)
      %dma_wait3A_37 = arith.constant 0 : i32
      %dma_wait3A_38 = tpu.memref_slice %arg6[%arg0, %mul3A_2, %dma_wait3A_37] : memref<2x10240x128xf32, #tpu.memory_space<hbm>> -> memref<1x640x128xf32, #tpu.memory_space<hbm>>
      %dma_wait3A_39 = tpu.memref_squeeze %dma_wait3A_38 : memref<1x640x128xf32, #tpu.memory_space<hbm>> -> memref<640x128xf32, #tpu.memory_space<hbm>>
      %dma_wait3A_40 = arith.constant 0 : i32
      %dma_wait3A_41 = tpu.memref_slice %arg27[%mul3A_2, %dma_wait3A_40] : memref<10240x128xf32, #tpu.memory_space<vmem_shared>> -> memref<640x128xf32, #tpu.memory_space<vmem_shared>>
      tpu.wait_dma2 semaphore(%run_scoped3A : memref<!tpu.dma_semaphore, #tpu.memory_space<semaphore_mem>>) src(%dma_wait3A_41 : memref<640x128xf32, #tpu.memory_space<vmem_shared>>) dst(%dma_wait3A_39 : memref<640x128xf32, #tpu.memory_space<hbm>>)
      tpu.yield
    }) : () -> ()
    return
  }
}

#map = affine_map<(d0, d1) -> (0, 0, 0)>
#map1 = affine_map<(d0, d1) -> (0, 0)>
module attributes {stable_mosaic.version = 14 : i64} {
  func.func @k(%arg0: i32, %arg1: i32, %arg2: memref<32x80x128xi32, #tpu.memory_space<hbm>>, %arg3: memref<640x128xf32, #tpu.memory_space<hbm>>, %arg4: memref<128x128xf32, #tpu.memory_space<hbm>>, %arg5: memref<2x10240x128xf32, #tpu.memory_space<hbm>>, %arg6: memref<80x128xi32, #tpu.memory_space<vmem>>, %arg7: memref<128x128xf32, #tpu.memory_space<vmem>>, %arg8: memref<10240x128xf32, #tpu.memory_space<vmem_shared>>, %arg9: memref<!tpu.dma_semaphore, #tpu.memory_space<semaphore_mem>>) attributes {dimension_semantics = [#tpu.dimension_semantics<core_parallel>, #tpu.dimension_semantics<subcore_parallel>], iteration_bounds = array<i64: 2, 16>, scalar_prefetch = 0 : i64, scratch_operands = 4 : i64, tpu.core_type = #tpu.core_type<sc_vector_subcore>, window_params = [{transform_indices = #map}, {transform_indices = #map1}, {transform_indices = #map1}, {transform_indices = #map}]} {
    %mul3A = arith.constant 2 : i32
    %mul3A_0 = arith.muli %arg1, %mul3A : i32
    %add3A = arith.addi %mul3A_0, %arg0 : i32
    %mul3A_1 = arith.constant 640 : i32
    %mul3A_2 = arith.muli %arg1, %mul3A_1 : i32
    "tpu.region"() ({
      %run_scoped3A = tpu.sem_alloc : memref<!tpu.dma_semaphore, #tpu.memory_space<semaphore_mem>>
      %dma_start3A = arith.constant 0 : i32
      %dma_start3A_8 = tpu.memref_slice %arg8[%mul3A_2, %dma_start3A] : memref<10240x128xf32, #tpu.memory_space<vmem_shared>> -> memref<640x128xf32, #tpu.memory_space<vmem_shared>>
      tpu.enqueue_dma source(%arg3 : memref<640x128xf32, #tpu.memory_space<hbm>>) target(%dma_start3A_8 : memref<640x128xf32, #tpu.memory_space<vmem_shared>>) target_semaphore(%run_scoped3A : memref<!tpu.dma_semaphore, #tpu.memory_space<semaphore_mem>>)
      %dma_wait3A = arith.constant 0 : i32
      %dma_wait3A_9 = tpu.memref_slice %arg8[%mul3A_2, %dma_wait3A] : memref<10240x128xf32, #tpu.memory_space<vmem_shared>> -> memref<640x128xf32, #tpu.memory_space<vmem_shared>>
      tpu.wait_dma2 semaphore(%run_scoped3A : memref<!tpu.dma_semaphore, #tpu.memory_space<semaphore_mem>>) src(%arg3 : memref<640x128xf32, #tpu.memory_space<hbm>>) dst(%dma_wait3A_9 : memref<640x128xf32, #tpu.memory_space<vmem_shared>>)
      tpu.yield
    }) : () -> ()
    "tpu.region"() ({
      %run_scoped3A = tpu.sem_alloc : memref<!tpu.dma_semaphore, #tpu.memory_space<semaphore_mem>>
      tpu.enqueue_dma source(%arg4 : memref<128x128xf32, #tpu.memory_space<hbm>>) target(%arg7 : memref<128x128xf32, #tpu.memory_space<vmem>>) target_semaphore(%run_scoped3A : memref<!tpu.dma_semaphore, #tpu.memory_space<semaphore_mem>>)
      tpu.wait_dma2 semaphore(%run_scoped3A : memref<!tpu.dma_semaphore, #tpu.memory_space<semaphore_mem>>) src(%arg4 : memref<128x128xf32, #tpu.memory_space<hbm>>) dst(%arg7 : memref<128x128xf32, #tpu.memory_space<vmem>>)
      tpu.yield
    }) : () -> ()
    "tpu.region"() ({
      %run_scoped3A = tpu.sem_alloc : memref<!tpu.dma_semaphore, #tpu.memory_space<semaphore_mem>>
      %dma_start3A = arith.constant 0 : i32
      %dma_start3A_8 = arith.constant 0 : i32
      %dma_start3A_9 = tpu.memref_slice %arg2[%add3A, %dma_start3A, %dma_start3A_8] : memref<32x80x128xi32, #tpu.memory_space<hbm>> -> memref<1x80x128xi32, #tpu.memory_space<hbm>>
      %dma_start3A_10 = tpu.memref_squeeze %dma_start3A_9 : memref<1x80x128xi32, #tpu.memory_space<hbm>> -> memref<80x128xi32, #tpu.memory_space<hbm>>
      %dma_start3A_11 = arith.constant 0 : i32
      %dma_start3A_12 = arith.constant 0 : i32
      %dma_start3A_13 = tpu.memref_slice %arg2[%add3A, %dma_start3A_11, %dma_start3A_12] : memref<32x80x128xi32, #tpu.memory_space<hbm>> -> memref<1x80x128xi32, #tpu.memory_space<hbm>>
      %dma_start3A_14 = tpu.memref_squeeze %dma_start3A_13 : memref<1x80x128xi32, #tpu.memory_space<hbm>> -> memref<80x128xi32, #tpu.memory_space<hbm>>
      tpu.enqueue_dma source(%dma_start3A_14 : memref<80x128xi32, #tpu.memory_space<hbm>>) target(%arg6 : memref<80x128xi32, #tpu.memory_space<vmem>>) target_semaphore(%run_scoped3A : memref<!tpu.dma_semaphore, #tpu.memory_space<semaphore_mem>>)
      %dma_wait3A = arith.constant 0 : i32
      %dma_wait3A_15 = arith.constant 0 : i32
      %dma_wait3A_16 = tpu.memref_slice %arg2[%add3A, %dma_wait3A, %dma_wait3A_15] : memref<32x80x128xi32, #tpu.memory_space<hbm>> -> memref<1x80x128xi32, #tpu.memory_space<hbm>>
      %dma_wait3A_17 = tpu.memref_squeeze %dma_wait3A_16 : memref<1x80x128xi32, #tpu.memory_space<hbm>> -> memref<80x128xi32, #tpu.memory_space<hbm>>
      %dma_wait3A_18 = arith.constant 0 : i32
      %dma_wait3A_19 = arith.constant 0 : i32
      %dma_wait3A_20 = tpu.memref_slice %arg2[%add3A, %dma_wait3A_18, %dma_wait3A_19] : memref<32x80x128xi32, #tpu.memory_space<hbm>> -> memref<1x80x128xi32, #tpu.memory_space<hbm>>
      %dma_wait3A_21 = tpu.memref_squeeze %dma_wait3A_20 : memref<1x80x128xi32, #tpu.memory_space<hbm>> -> memref<80x128xi32, #tpu.memory_space<hbm>>
      tpu.wait_dma2 semaphore(%run_scoped3A : memref<!tpu.dma_semaphore, #tpu.memory_space<semaphore_mem>>) src(%dma_wait3A_21 : memref<80x128xi32, #tpu.memory_space<hbm>>) dst(%arg6 : memref<80x128xi32, #tpu.memory_space<vmem>>)
      tpu.yield
    }) : () -> ()
    %barrier3A = arith.constant 0 : index
    tpu.barrier barrier_id(%barrier3A)
    %scan3A = arith.constant 0 : i32
    %scan3A_3 = arith.constant 10 : i32
    %scan3A_4 = arith.addi %scan3A, %scan3A_3 : i32
    %scan3A_5 = arith.constant 1 : i32
    scf.for %scan3A_8 = %scan3A to %scan3A_4 step %scan3A_5  : i32 {
      %mul3A_9 = arith.constant 1 : i32
      %mul3A_10 = arith.muli %scan3A_8, %mul3A_9 : i32
      %add3A_11 = arith.constant 0 : i32
      %add3A_12 = arith.addi %add3A_11, %mul3A_10 : i32
      %mul3A_13 = arith.constant 8 : i32
      %mul3A_14 = arith.muli %add3A_12, %mul3A_13 : i32
      %add3A_15 = arith.constant 0 : i32
      %add3A_16 = arith.addi %mul3A_14, %add3A_15 : i32
      %dma_start3A = arith.constant 0 : i32
      %dma_start3A_17 = tpu.memref_slice %arg6[%add3A_16, %dma_start3A] : memref<80x128xi32, #tpu.memory_space<vmem>> -> memref<1x128xi32, #tpu.memory_space<vmem>>
      %dma_start3A_18 = tpu.memref_squeeze %dma_start3A_17 : memref<1x128xi32, #tpu.memory_space<vmem>> -> memref<128xi32, #tpu.memory_space<vmem>>
      %dma_start3A_19 = arith.constant 0 : i32
      %dma_start3A_20 = arith.constant 0 : i32
      %dma_start3A_21 = tpu.memref_slice %arg8[%dma_start3A_19, %dma_start3A_20] : memref<10240x128xf32, #tpu.memory_space<vmem_shared>> -> memref<10240x128xf32, #tpu.memory_space<vmem_shared>>
      tpu.enqueue_indirect_dma source(%arg7 : memref<128x128xf32, #tpu.memory_space<vmem>>) target(%dma_start3A_21 : memref<10240x128xf32, #tpu.memory_space<vmem_shared>>) offsets(%dma_start3A_18 : memref<128xi32, #tpu.memory_space<vmem>>) semaphore(%arg9 : memref<!tpu.dma_semaphore, #tpu.memory_space<semaphore_mem>>) {add = true}
      %mul3A_22 = arith.constant 8 : i32
      %mul3A_23 = arith.muli %add3A_12, %mul3A_22 : i32
      %add3A_24 = arith.constant 1 : i32
      %add3A_25 = arith.addi %mul3A_23, %add3A_24 : i32
      %dma_start3A_26 = arith.constant 0 : i32
      %dma_start3A_27 = tpu.memref_slice %arg6[%add3A_25, %dma_start3A_26] : memref<80x128xi32, #tpu.memory_space<vmem>> -> memref<1x128xi32, #tpu.memory_space<vmem>>
      %dma_start3A_28 = tpu.memref_squeeze %dma_start3A_27 : memref<1x128xi32, #tpu.memory_space<vmem>> -> memref<128xi32, #tpu.memory_space<vmem>>
      %dma_start3A_29 = arith.constant 0 : i32
      %dma_start3A_30 = arith.constant 0 : i32
      %dma_start3A_31 = tpu.memref_slice %arg8[%dma_start3A_29, %dma_start3A_30] : memref<10240x128xf32, #tpu.memory_space<vmem_shared>> -> memref<10240x128xf32, #tpu.memory_space<vmem_shared>>
      tpu.enqueue_indirect_dma source(%arg7 : memref<128x128xf32, #tpu.memory_space<vmem>>) target(%dma_start3A_31 : memref<10240x128xf32, #tpu.memory_space<vmem_shared>>) offsets(%dma_start3A_28 : memref<128xi32, #tpu.memory_space<vmem>>) semaphore(%arg9 : memref<!tpu.dma_semaphore, #tpu.memory_space<semaphore_mem>>) {add = true}
      %mul3A_32 = arith.constant 8 : i32
      %mul3A_33 = arith.muli %add3A_12, %mul3A_32 : i32
      %add3A_34 = arith.constant 2 : i32
      %add3A_35 = arith.addi %mul3A_33, %add3A_34 : i32
      %dma_start3A_36 = arith.constant 0 : i32
      %dma_start3A_37 = tpu.memref_slice %arg6[%add3A_35, %dma_start3A_36] : memref<80x128xi32, #tpu.memory_space<vmem>> -> memref<1x128xi32, #tpu.memory_space<vmem>>
      %dma_start3A_38 = tpu.memref_squeeze %dma_start3A_37 : memref<1x128xi32, #tpu.memory_space<vmem>> -> memref<128xi32, #tpu.memory_space<vmem>>
      %dma_start3A_39 = arith.constant 0 : i32
      %dma_start3A_40 = arith.constant 0 : i32
      %dma_start3A_41 = tpu.memref_slice %arg8[%dma_start3A_39, %dma_start3A_40] : memref<10240x128xf32, #tpu.memory_space<vmem_shared>> -> memref<10240x128xf32, #tpu.memory_space<vmem_shared>>
      tpu.enqueue_indirect_dma source(%arg7 : memref<128x128xf32, #tpu.memory_space<vmem>>) target(%dma_start3A_41 : memref<10240x128xf32, #tpu.memory_space<vmem_shared>>) offsets(%dma_start3A_38 : memref<128xi32, #tpu.memory_space<vmem>>) semaphore(%arg9 : memref<!tpu.dma_semaphore, #tpu.memory_space<semaphore_mem>>) {add = true}
      %mul3A_42 = arith.constant 8 : i32
      %mul3A_43 = arith.muli %add3A_12, %mul3A_42 : i32
      %add3A_44 = arith.constant 3 : i32
      %add3A_45 = arith.addi %mul3A_43, %add3A_44 : i32
      %dma_start3A_46 = arith.constant 0 : i32
      %dma_start3A_47 = tpu.memref_slice %arg6[%add3A_45, %dma_start3A_46] : memref<80x128xi32, #tpu.memory_space<vmem>> -> memref<1x128xi32, #tpu.memory_space<vmem>>
      %dma_start3A_48 = tpu.memref_squeeze %dma_start3A_47 : memref<1x128xi32, #tpu.memory_space<vmem>> -> memref<128xi32, #tpu.memory_space<vmem>>
      %dma_start3A_49 = arith.constant 0 : i32
      %dma_start3A_50 = arith.constant 0 : i32
      %dma_start3A_51 = tpu.memref_slice %arg8[%dma_start3A_49, %dma_start3A_50] : memref<10240x128xf32, #tpu.memory_space<vmem_shared>> -> memref<10240x128xf32, #tpu.memory_space<vmem_shared>>
      tpu.enqueue_indirect_dma source(%arg7 : memref<128x128xf32, #tpu.memory_space<vmem>>) target(%dma_start3A_51 : memref<10240x128xf32, #tpu.memory_space<vmem_shared>>) offsets(%dma_start3A_48 : memref<128xi32, #tpu.memory_space<vmem>>) semaphore(%arg9 : memref<!tpu.dma_semaphore, #tpu.memory_space<semaphore_mem>>) {add = true}
      %mul3A_52 = arith.constant 8 : i32
      %mul3A_53 = arith.muli %add3A_12, %mul3A_52 : i32
      %add3A_54 = arith.constant 4 : i32
      %add3A_55 = arith.addi %mul3A_53, %add3A_54 : i32
      %dma_start3A_56 = arith.constant 0 : i32
      %dma_start3A_57 = tpu.memref_slice %arg6[%add3A_55, %dma_start3A_56] : memref<80x128xi32, #tpu.memory_space<vmem>> -> memref<1x128xi32, #tpu.memory_space<vmem>>
      %dma_start3A_58 = tpu.memref_squeeze %dma_start3A_57 : memref<1x128xi32, #tpu.memory_space<vmem>> -> memref<128xi32, #tpu.memory_space<vmem>>
      %dma_start3A_59 = arith.constant 0 : i32
      %dma_start3A_60 = arith.constant 0 : i32
      %dma_start3A_61 = tpu.memref_slice %arg8[%dma_start3A_59, %dma_start3A_60] : memref<10240x128xf32, #tpu.memory_space<vmem_shared>> -> memref<10240x128xf32, #tpu.memory_space<vmem_shared>>
      tpu.enqueue_indirect_dma source(%arg7 : memref<128x128xf32, #tpu.memory_space<vmem>>) target(%dma_start3A_61 : memref<10240x128xf32, #tpu.memory_space<vmem_shared>>) offsets(%dma_start3A_58 : memref<128xi32, #tpu.memory_space<vmem>>) semaphore(%arg9 : memref<!tpu.dma_semaphore, #tpu.memory_space<semaphore_mem>>) {add = true}
      %mul3A_62 = arith.constant 8 : i32
      %mul3A_63 = arith.muli %add3A_12, %mul3A_62 : i32
      %add3A_64 = arith.constant 5 : i32
      %add3A_65 = arith.addi %mul3A_63, %add3A_64 : i32
      %dma_start3A_66 = arith.constant 0 : i32
      %dma_start3A_67 = tpu.memref_slice %arg6[%add3A_65, %dma_start3A_66] : memref<80x128xi32, #tpu.memory_space<vmem>> -> memref<1x128xi32, #tpu.memory_space<vmem>>
      %dma_start3A_68 = tpu.memref_squeeze %dma_start3A_67 : memref<1x128xi32, #tpu.memory_space<vmem>> -> memref<128xi32, #tpu.memory_space<vmem>>
      %dma_start3A_69 = arith.constant 0 : i32
      %dma_start3A_70 = arith.constant 0 : i32
      %dma_start3A_71 = tpu.memref_slice %arg8[%dma_start3A_69, %dma_start3A_70] : memref<10240x128xf32, #tpu.memory_space<vmem_shared>> -> memref<10240x128xf32, #tpu.memory_space<vmem_shared>>
      tpu.enqueue_indirect_dma source(%arg7 : memref<128x128xf32, #tpu.memory_space<vmem>>) target(%dma_start3A_71 : memref<10240x128xf32, #tpu.memory_space<vmem_shared>>) offsets(%dma_start3A_68 : memref<128xi32, #tpu.memory_space<vmem>>) semaphore(%arg9 : memref<!tpu.dma_semaphore, #tpu.memory_space<semaphore_mem>>) {add = true}
      %mul3A_72 = arith.constant 8 : i32
      %mul3A_73 = arith.muli %add3A_12, %mul3A_72 : i32
      %add3A_74 = arith.constant 6 : i32
      %add3A_75 = arith.addi %mul3A_73, %add3A_74 : i32
      %dma_start3A_76 = arith.constant 0 : i32
      %dma_start3A_77 = tpu.memref_slice %arg6[%add3A_75, %dma_start3A_76] : memref<80x128xi32, #tpu.memory_space<vmem>> -> memref<1x128xi32, #tpu.memory_space<vmem>>
      %dma_start3A_78 = tpu.memref_squeeze %dma_start3A_77 : memref<1x128xi32, #tpu.memory_space<vmem>> -> memref<128xi32, #tpu.memory_space<vmem>>
      %dma_start3A_79 = arith.constant 0 : i32
      %dma_start3A_80 = arith.constant 0 : i32
      %dma_start3A_81 = tpu.memref_slice %arg8[%dma_start3A_79, %dma_start3A_80] : memref<10240x128xf32, #tpu.memory_space<vmem_shared>> -> memref<10240x128xf32, #tpu.memory_space<vmem_shared>>
      tpu.enqueue_indirect_dma source(%arg7 : memref<128x128xf32, #tpu.memory_space<vmem>>) target(%dma_start3A_81 : memref<10240x128xf32, #tpu.memory_space<vmem_shared>>) offsets(%dma_start3A_78 : memref<128xi32, #tpu.memory_space<vmem>>) semaphore(%arg9 : memref<!tpu.dma_semaphore, #tpu.memory_space<semaphore_mem>>) {add = true}
      %mul3A_82 = arith.constant 8 : i32
      %mul3A_83 = arith.muli %add3A_12, %mul3A_82 : i32
      %add3A_84 = arith.constant 7 : i32
      %add3A_85 = arith.addi %mul3A_83, %add3A_84 : i32
      %dma_start3A_86 = arith.constant 0 : i32
      %dma_start3A_87 = tpu.memref_slice %arg6[%add3A_85, %dma_start3A_86] : memref<80x128xi32, #tpu.memory_space<vmem>> -> memref<1x128xi32, #tpu.memory_space<vmem>>
      %dma_start3A_88 = tpu.memref_squeeze %dma_start3A_87 : memref<1x128xi32, #tpu.memory_space<vmem>> -> memref<128xi32, #tpu.memory_space<vmem>>
      %dma_start3A_89 = arith.constant 0 : i32
      %dma_start3A_90 = arith.constant 0 : i32
      %dma_start3A_91 = tpu.memref_slice %arg8[%dma_start3A_89, %dma_start3A_90] : memref<10240x128xf32, #tpu.memory_space<vmem_shared>> -> memref<10240x128xf32, #tpu.memory_space<vmem_shared>>
      tpu.enqueue_indirect_dma source(%arg7 : memref<128x128xf32, #tpu.memory_space<vmem>>) target(%dma_start3A_91 : memref<10240x128xf32, #tpu.memory_space<vmem_shared>>) offsets(%dma_start3A_88 : memref<128xi32, #tpu.memory_space<vmem>>) semaphore(%arg9 : memref<!tpu.dma_semaphore, #tpu.memory_space<semaphore_mem>>) {add = true}
      %mul3A_92 = arith.constant 8 : i32
      %mul3A_93 = arith.muli %add3A_12, %mul3A_92 : i32
      %add3A_94 = arith.constant 0 : i32
      %add3A_95 = arith.addi %mul3A_93, %add3A_94 : i32
      %dma_wait3A = arith.constant 0 : i32
      %dma_wait3A_96 = tpu.memref_slice %arg6[%add3A_95, %dma_wait3A] : memref<80x128xi32, #tpu.memory_space<vmem>> -> memref<1x128xi32, #tpu.memory_space<vmem>>
      %dma_wait3A_97 = tpu.memref_squeeze %dma_wait3A_96 : memref<1x128xi32, #tpu.memory_space<vmem>> -> memref<128xi32, #tpu.memory_space<vmem>>
      %dma_wait3A_98 = arith.constant 0 : i32
      %dma_wait3A_99 = arith.constant 0 : i32
      %dma_wait3A_100 = tpu.memref_slice %arg8[%dma_wait3A_98, %dma_wait3A_99] : memref<10240x128xf32, #tpu.memory_space<vmem_shared>> -> memref<10240x128xf32, #tpu.memory_space<vmem_shared>>
      tpu.wait_indirect_dma semaphore(%arg9 : memref<!tpu.dma_semaphore, #tpu.memory_space<semaphore_mem>>) src(%arg7 : memref<128x128xf32, #tpu.memory_space<vmem>>) dst(%dma_wait3A_100 : memref<10240x128xf32, #tpu.memory_space<vmem_shared>>)
      %mul3A_101 = arith.constant 8 : i32
      %mul3A_102 = arith.muli %add3A_12, %mul3A_101 : i32
      %add3A_103 = arith.constant 1 : i32
      %add3A_104 = arith.addi %mul3A_102, %add3A_103 : i32
      %dma_wait3A_105 = arith.constant 0 : i32
      %dma_wait3A_106 = tpu.memref_slice %arg6[%add3A_104, %dma_wait3A_105] : memref<80x128xi32, #tpu.memory_space<vmem>> -> memref<1x128xi32, #tpu.memory_space<vmem>>
      %dma_wait3A_107 = tpu.memref_squeeze %dma_wait3A_106 : memref<1x128xi32, #tpu.memory_space<vmem>> -> memref<128xi32, #tpu.memory_space<vmem>>
      %dma_wait3A_108 = arith.constant 0 : i32
      %dma_wait3A_109 = arith.constant 0 : i32
      %dma_wait3A_110 = tpu.memref_slice %arg8[%dma_wait3A_108, %dma_wait3A_109] : memref<10240x128xf32, #tpu.memory_space<vmem_shared>> -> memref<10240x128xf32, #tpu.memory_space<vmem_shared>>
      tpu.wait_indirect_dma semaphore(%arg9 : memref<!tpu.dma_semaphore, #tpu.memory_space<semaphore_mem>>) src(%arg7 : memref<128x128xf32, #tpu.memory_space<vmem>>) dst(%dma_wait3A_110 : memref<10240x128xf32, #tpu.memory_space<vmem_shared>>)
      %mul3A_111 = arith.constant 8 : i32
      %mul3A_112 = arith.muli %add3A_12, %mul3A_111 : i32
      %add3A_113 = arith.constant 2 : i32
      %add3A_114 = arith.addi %mul3A_112, %add3A_113 : i32
      %dma_wait3A_115 = arith.constant 0 : i32
      %dma_wait3A_116 = tpu.memref_slice %arg6[%add3A_114, %dma_wait3A_115] : memref<80x128xi32, #tpu.memory_space<vmem>> -> memref<1x128xi32, #tpu.memory_space<vmem>>
      %dma_wait3A_117 = tpu.memref_squeeze %dma_wait3A_116 : memref<1x128xi32, #tpu.memory_space<vmem>> -> memref<128xi32, #tpu.memory_space<vmem>>
      %dma_wait3A_118 = arith.constant 0 : i32
      %dma_wait3A_119 = arith.constant 0 : i32
      %dma_wait3A_120 = tpu.memref_slice %arg8[%dma_wait3A_118, %dma_wait3A_119] : memref<10240x128xf32, #tpu.memory_space<vmem_shared>> -> memref<10240x128xf32, #tpu.memory_space<vmem_shared>>
      tpu.wait_indirect_dma semaphore(%arg9 : memref<!tpu.dma_semaphore, #tpu.memory_space<semaphore_mem>>) src(%arg7 : memref<128x128xf32, #tpu.memory_space<vmem>>) dst(%dma_wait3A_120 : memref<10240x128xf32, #tpu.memory_space<vmem_shared>>)
      %mul3A_121 = arith.constant 8 : i32
      %mul3A_122 = arith.muli %add3A_12, %mul3A_121 : i32
      %add3A_123 = arith.constant 3 : i32
      %add3A_124 = arith.addi %mul3A_122, %add3A_123 : i32
      %dma_wait3A_125 = arith.constant 0 : i32
      %dma_wait3A_126 = tpu.memref_slice %arg6[%add3A_124, %dma_wait3A_125] : memref<80x128xi32, #tpu.memory_space<vmem>> -> memref<1x128xi32, #tpu.memory_space<vmem>>
      %dma_wait3A_127 = tpu.memref_squeeze %dma_wait3A_126 : memref<1x128xi32, #tpu.memory_space<vmem>> -> memref<128xi32, #tpu.memory_space<vmem>>
      %dma_wait3A_128 = arith.constant 0 : i32
      %dma_wait3A_129 = arith.constant 0 : i32
      %dma_wait3A_130 = tpu.memref_slice %arg8[%dma_wait3A_128, %dma_wait3A_129] : memref<10240x128xf32, #tpu.memory_space<vmem_shared>> -> memref<10240x128xf32, #tpu.memory_space<vmem_shared>>
      tpu.wait_indirect_dma semaphore(%arg9 : memref<!tpu.dma_semaphore, #tpu.memory_space<semaphore_mem>>) src(%arg7 : memref<128x128xf32, #tpu.memory_space<vmem>>) dst(%dma_wait3A_130 : memref<10240x128xf32, #tpu.memory_space<vmem_shared>>)
      %mul3A_131 = arith.constant 8 : i32
      %mul3A_132 = arith.muli %add3A_12, %mul3A_131 : i32
      %add3A_133 = arith.constant 4 : i32
      %add3A_134 = arith.addi %mul3A_132, %add3A_133 : i32
      %dma_wait3A_135 = arith.constant 0 : i32
      %dma_wait3A_136 = tpu.memref_slice %arg6[%add3A_134, %dma_wait3A_135] : memref<80x128xi32, #tpu.memory_space<vmem>> -> memref<1x128xi32, #tpu.memory_space<vmem>>
      %dma_wait3A_137 = tpu.memref_squeeze %dma_wait3A_136 : memref<1x128xi32, #tpu.memory_space<vmem>> -> memref<128xi32, #tpu.memory_space<vmem>>
      %dma_wait3A_138 = arith.constant 0 : i32
      %dma_wait3A_139 = arith.constant 0 : i32
      %dma_wait3A_140 = tpu.memref_slice %arg8[%dma_wait3A_138, %dma_wait3A_139] : memref<10240x128xf32, #tpu.memory_space<vmem_shared>> -> memref<10240x128xf32, #tpu.memory_space<vmem_shared>>
      tpu.wait_indirect_dma semaphore(%arg9 : memref<!tpu.dma_semaphore, #tpu.memory_space<semaphore_mem>>) src(%arg7 : memref<128x128xf32, #tpu.memory_space<vmem>>) dst(%dma_wait3A_140 : memref<10240x128xf32, #tpu.memory_space<vmem_shared>>)
      %mul3A_141 = arith.constant 8 : i32
      %mul3A_142 = arith.muli %add3A_12, %mul3A_141 : i32
      %add3A_143 = arith.constant 5 : i32
      %add3A_144 = arith.addi %mul3A_142, %add3A_143 : i32
      %dma_wait3A_145 = arith.constant 0 : i32
      %dma_wait3A_146 = tpu.memref_slice %arg6[%add3A_144, %dma_wait3A_145] : memref<80x128xi32, #tpu.memory_space<vmem>> -> memref<1x128xi32, #tpu.memory_space<vmem>>
      %dma_wait3A_147 = tpu.memref_squeeze %dma_wait3A_146 : memref<1x128xi32, #tpu.memory_space<vmem>> -> memref<128xi32, #tpu.memory_space<vmem>>
      %dma_wait3A_148 = arith.constant 0 : i32
      %dma_wait3A_149 = arith.constant 0 : i32
      %dma_wait3A_150 = tpu.memref_slice %arg8[%dma_wait3A_148, %dma_wait3A_149] : memref<10240x128xf32, #tpu.memory_space<vmem_shared>> -> memref<10240x128xf32, #tpu.memory_space<vmem_shared>>
      tpu.wait_indirect_dma semaphore(%arg9 : memref<!tpu.dma_semaphore, #tpu.memory_space<semaphore_mem>>) src(%arg7 : memref<128x128xf32, #tpu.memory_space<vmem>>) dst(%dma_wait3A_150 : memref<10240x128xf32, #tpu.memory_space<vmem_shared>>)
      %mul3A_151 = arith.constant 8 : i32
      %mul3A_152 = arith.muli %add3A_12, %mul3A_151 : i32
      %add3A_153 = arith.constant 6 : i32
      %add3A_154 = arith.addi %mul3A_152, %add3A_153 : i32
      %dma_wait3A_155 = arith.constant 0 : i32
      %dma_wait3A_156 = tpu.memref_slice %arg6[%add3A_154, %dma_wait3A_155] : memref<80x128xi32, #tpu.memory_space<vmem>> -> memref<1x128xi32, #tpu.memory_space<vmem>>
      %dma_wait3A_157 = tpu.memref_squeeze %dma_wait3A_156 : memref<1x128xi32, #tpu.memory_space<vmem>> -> memref<128xi32, #tpu.memory_space<vmem>>
      %dma_wait3A_158 = arith.constant 0 : i32
      %dma_wait3A_159 = arith.constant 0 : i32
      %dma_wait3A_160 = tpu.memref_slice %arg8[%dma_wait3A_158, %dma_wait3A_159] : memref<10240x128xf32, #tpu.memory_space<vmem_shared>> -> memref<10240x128xf32, #tpu.memory_space<vmem_shared>>
      tpu.wait_indirect_dma semaphore(%arg9 : memref<!tpu.dma_semaphore, #tpu.memory_space<semaphore_mem>>) src(%arg7 : memref<128x128xf32, #tpu.memory_space<vmem>>) dst(%dma_wait3A_160 : memref<10240x128xf32, #tpu.memory_space<vmem_shared>>)
      %mul3A_161 = arith.constant 8 : i32
      %mul3A_162 = arith.muli %add3A_12, %mul3A_161 : i32
      %add3A_163 = arith.constant 7 : i32
      %add3A_164 = arith.addi %mul3A_162, %add3A_163 : i32
      %dma_wait3A_165 = arith.constant 0 : i32
      %dma_wait3A_166 = tpu.memref_slice %arg6[%add3A_164, %dma_wait3A_165] : memref<80x128xi32, #tpu.memory_space<vmem>> -> memref<1x128xi32, #tpu.memory_space<vmem>>
      %dma_wait3A_167 = tpu.memref_squeeze %dma_wait3A_166 : memref<1x128xi32, #tpu.memory_space<vmem>> -> memref<128xi32, #tpu.memory_space<vmem>>
      %dma_wait3A_168 = arith.constant 0 : i32
      %dma_wait3A_169 = arith.constant 0 : i32
      %dma_wait3A_170 = tpu.memref_slice %arg8[%dma_wait3A_168, %dma_wait3A_169] : memref<10240x128xf32, #tpu.memory_space<vmem_shared>> -> memref<10240x128xf32, #tpu.memory_space<vmem_shared>>
      tpu.wait_indirect_dma semaphore(%arg9 : memref<!tpu.dma_semaphore, #tpu.memory_space<semaphore_mem>>) src(%arg7 : memref<128x128xf32, #tpu.memory_space<vmem>>) dst(%dma_wait3A_170 : memref<10240x128xf32, #tpu.memory_space<vmem_shared>>)
    }
    %scan3A_6 = arith.constant 10 : i32
    %barrier3A_7 = arith.constant 0 : index
    tpu.barrier barrier_id(%barrier3A_7)
    "tpu.region"() ({
      %run_scoped3A = tpu.sem_alloc : memref<!tpu.dma_semaphore, #tpu.memory_space<semaphore_mem>>
      %dma_start3A = arith.constant 0 : i32
      %dma_start3A_8 = tpu.memref_slice %arg5[%arg0, %mul3A_2, %dma_start3A] : memref<2x10240x128xf32, #tpu.memory_space<hbm>> -> memref<1x640x128xf32, #tpu.memory_space<hbm>>
      %dma_start3A_9 = tpu.memref_squeeze %dma_start3A_8 : memref<1x640x128xf32, #tpu.memory_space<hbm>> -> memref<640x128xf32, #tpu.memory_space<hbm>>
      %dma_start3A_10 = arith.constant 0 : i32
      %dma_start3A_11 = tpu.memref_slice %arg8[%mul3A_2, %dma_start3A_10] : memref<10240x128xf32, #tpu.memory_space<vmem_shared>> -> memref<640x128xf32, #tpu.memory_space<vmem_shared>>
      tpu.enqueue_dma source(%dma_start3A_11 : memref<640x128xf32, #tpu.memory_space<vmem_shared>>) target(%dma_start3A_9 : memref<640x128xf32, #tpu.memory_space<hbm>>) target_semaphore(%run_scoped3A : memref<!tpu.dma_semaphore, #tpu.memory_space<semaphore_mem>>)
      %dma_wait3A = arith.constant 0 : i32
      %dma_wait3A_12 = tpu.memref_slice %arg5[%arg0, %mul3A_2, %dma_wait3A] : memref<2x10240x128xf32, #tpu.memory_space<hbm>> -> memref<1x640x128xf32, #tpu.memory_space<hbm>>
      %dma_wait3A_13 = tpu.memref_squeeze %dma_wait3A_12 : memref<1x640x128xf32, #tpu.memory_space<hbm>> -> memref<640x128xf32, #tpu.memory_space<hbm>>
      %dma_wait3A_14 = arith.constant 0 : i32
      %dma_wait3A_15 = tpu.memref_slice %arg8[%mul3A_2, %dma_wait3A_14] : memref<10240x128xf32, #tpu.memory_space<vmem_shared>> -> memref<640x128xf32, #tpu.memory_space<vmem_shared>>
      tpu.wait_dma2 semaphore(%run_scoped3A : memref<!tpu.dma_semaphore, #tpu.memory_space<semaphore_mem>>) src(%dma_wait3A_15 : memref<640x128xf32, #tpu.memory_space<vmem_shared>>) dst(%dma_wait3A_13 : memref<640x128xf32, #tpu.memory_space<hbm>>)
      tpu.yield
    }) : () -> ()
    return
  }
}

module attributes {stable_mosaic.version = 14 : i64} {
  func.func @_tc_prescale_body(%arg0: i32, %arg1: memref<2000x128xf32, #tpu.memory_space<vmem>>, %arg2: memref<2x2000x128xf32, #tpu.memory_space<vmem>>, %arg3: memref<2000x128xf32, #tpu.memory_space<vmem>>) attributes {dimension_semantics = [#tpu.dimension_semantics<arbitrary>], iteration_bounds = array<i64: 5>, scalar_prefetch = 0 : i64, scratch_operands = 0 : i64, tpu.core_type = #tpu.core_type<tc>, window_params = [{transform_indices = @transform_0, window_bounds = array<i64: 2000, 128>}, {transform_indices = @transform_1, window_bounds = array<i64: 2, 2000, 128>}, {transform_indices = @transform_2, window_bounds = array<i64: 2000, 128>}]} {
    %get3A = arith.constant 0 : index
    %get3A_0 = arith.constant 0 : index
    %get3A_1 = arith.constant 0 : index
    %get3A_2 = vector.load %arg2[%get3A, %get3A_0, %get3A_1] : memref<2x2000x128xf32, #tpu.memory_space<vmem>>, vector<2x2000x128xf32>
    %slice3A = vector.extract_strided_slice %get3A_2 {offsets = [0, 0, 0], sizes = [1, 2000, 128], strides = [1, 1, 1]} : vector<2x2000x128xf32> to vector<1x2000x128xf32>
    %squeeze3A = vector.shape_cast %slice3A : vector<1x2000x128xf32> to vector<2000x128xf32>
    %slice3A_3 = vector.extract_strided_slice %get3A_2 {offsets = [1, 0, 0], sizes = [1, 2000, 128], strides = [1, 1, 1]} : vector<2x2000x128xf32> to vector<1x2000x128xf32>
    %squeeze3A_4 = vector.shape_cast %slice3A_3 : vector<1x2000x128xf32> to vector<2000x128xf32>
    %add3A = arith.addf %squeeze3A, %squeeze3A_4 : vector<2000x128xf32>
    %slice3A_5 = vector.extract_strided_slice %add3A {offsets = [0, 0], sizes = [2000, 1], strides = [1, 1]} : vector<2000x128xf32> to vector<2000x1xf32>
    %gt3A = arith.constant 0.000000e+00 : f32
    %gt3A_6 = vector.broadcast %gt3A : f32 to vector<2000x1xf32>
    %gt3A_7 = arith.cmpf ogt, %slice3A_5, %gt3A_6 : vector<2000x1xf32>
    %max3A = arith.constant 1.000000e+00 : f32
    %max3A_8 = vector.broadcast %max3A : f32 to vector<2000x1xf32>
    %max3A_9 = arith.maximumf %slice3A_5, %max3A_8 : vector<2000x1xf32>
    %rsqrt3A = math.rsqrt %max3A_9 : vector<2000x1xf32>
    %jit3A = arith.constant 0.000000e+00 : f32
    %broadcast_in_dim3A = vector.broadcast %jit3A : f32 to vector<2000x1xf32>
    %select_n3A = arith.select %gt3A_7, %rsqrt3A, %broadcast_in_dim3A : vector<2000x1xi1>, vector<2000x1xf32>
    %get3A_10 = arith.constant 0 : index
    %get3A_11 = arith.constant 0 : index
    %get3A_12 = vector.load %arg1[%get3A_10, %get3A_11] : memref<2000x128xf32, #tpu.memory_space<vmem>>, vector<2000x128xf32>
    %mul3A = vector.broadcast %select_n3A : vector<2000x1xf32> to vector<2000x128xf32>
    %mul3A_13 = arith.mulf %get3A_12, %mul3A : vector<2000x128xf32>
    %swap3A = arith.constant 0 : index
    %swap3A_14 = arith.constant 0 : index
    %swap3A_15 = vector.load %arg3[%swap3A, %swap3A_14] : memref<2000x128xf32, #tpu.memory_space<vmem>>, vector<2000x128xf32>
    tpu.vector_store %arg3[%swap3A, %swap3A_14], %mul3A_13 {strides = array<i32>} : memref<2000x128xf32, #tpu.memory_space<vmem>>, vector<2000x128xf32>,
    return
  }
  func.func @transform_0(%arg0: i32) -> (i32, i32) {
    %c0_i32 = arith.constant 0 : i32
    %c0_i32_0 = arith.constant 0 : i32
    return %arg0, %c0_i32 : i32, i32
  }
  func.func @transform_1(%arg0: i32) -> (i32, i32, i32) {
    %c0_i32 = arith.constant 0 : i32
    %c0_i32_0 = arith.constant 0 : i32
    %c0_i32_1 = arith.constant 0 : i32
    return %c0_i32, %arg0, %c0_i32_0 : i32, i32, i32
  }
  func.func @transform_2(%arg0: i32) -> (i32, i32) {
    %c0_i32 = arith.constant 0 : i32
    %c0_i32_0 = arith.constant 0 : i32
    return %arg0, %c0_i32 : i32, i32
  }
}

module attributes {stable_mosaic.version = 14 : i64} {
  func.func @_tc_mid_body(%arg0: i32, %arg1: memref<2x2000x128xf32, #tpu.memory_space<vmem>>, %arg2: memref<2x2000x128xf32, #tpu.memory_space<vmem>>, %arg3: memref<2x2000x128xf32, #tpu.memory_space<vmem>>, %arg4: memref<128x128xf32, #tpu.memory_space<vmem>>, %arg5: memref<1x128xf32, #tpu.memory_space<vmem>>, %arg6: memref<2000x128xf32, #tpu.memory_space<vmem>>) attributes {dimension_semantics = [#tpu.dimension_semantics<arbitrary>], iteration_bounds = array<i64: 5>, scalar_prefetch = 0 : i64, scratch_operands = 0 : i64, tpu.core_type = #tpu.core_type<tc>, window_params = [{transform_indices = @transform_0, window_bounds = array<i64: 2, 2000, 128>}, {transform_indices = @transform_1, window_bounds = array<i64: 2, 2000, 128>}, {transform_indices = @transform_2, window_bounds = array<i64: 2, 2000, 128>}, {pipeline_mode = #tpu.pipeline_mode<synchronous>, transform_indices = @transform_3, window_bounds = array<i64: 128, 128>}, {pipeline_mode = #tpu.pipeline_mode<synchronous>, transform_indices = @transform_4, window_bounds = array<i64: 1, 128>}, {transform_indices = @transform_5, window_bounds = array<i64: 2000, 128>}]} {
    %get3A = arith.constant 0 : index
    %get3A_0 = arith.constant 0 : index
    %get3A_1 = arith.constant 0 : index
    %get3A_2 = vector.load %arg2[%get3A, %get3A_0, %get3A_1] : memref<2x2000x128xf32, #tpu.memory_space<vmem>>, vector<2x2000x128xf32>
    %slice3A = vector.extract_strided_slice %get3A_2 {offsets = [0, 0, 0], sizes = [1, 2000, 128], strides = [1, 1, 1]} : vector<2x2000x128xf32> to vector<1x2000x128xf32>
    %squeeze3A = vector.shape_cast %slice3A : vector<1x2000x128xf32> to vector<2000x128xf32>
    %slice3A_3 = vector.extract_strided_slice %get3A_2 {offsets = [1, 0, 0], sizes = [1, 2000, 128], strides = [1, 1, 1]} : vector<2x2000x128xf32> to vector<1x2000x128xf32>
    %squeeze3A_4 = vector.shape_cast %slice3A_3 : vector<1x2000x128xf32> to vector<2000x128xf32>
    %add3A = arith.addf %squeeze3A, %squeeze3A_4 : vector<2000x128xf32>
    %slice3A_5 = vector.extract_strided_slice %add3A {offsets = [0, 0], sizes = [2000, 1], strides = [1, 1]} : vector<2000x128xf32> to vector<2000x1xf32>
    %gt3A = arith.constant 0.000000e+00 : f32
    %gt3A_6 = vector.broadcast %gt3A : f32 to vector<2000x1xf32>
    %gt3A_7 = arith.cmpf ogt, %slice3A_5, %gt3A_6 : vector<2000x1xf32>
    %max3A = arith.constant 1.000000e+00 : f32
    %max3A_8 = vector.broadcast %max3A : f32 to vector<2000x1xf32>
    %max3A_9 = arith.maximumf %slice3A_5, %max3A_8 : vector<2000x1xf32>
    %rsqrt3A = math.rsqrt %max3A_9 : vector<2000x1xf32>
    %jit3A = arith.constant 0.000000e+00 : f32
    %broadcast_in_dim3A = vector.broadcast %jit3A : f32 to vector<2000x1xf32>
    %select_n3A = arith.select %gt3A_7, %rsqrt3A, %broadcast_in_dim3A : vector<2000x1xi1>, vector<2000x1xf32>
    %get3A_10 = arith.constant 0 : index
    %get3A_11 = arith.constant 0 : index
    %get3A_12 = arith.constant 0 : index
    %get3A_13 = vector.load %arg1[%get3A_10, %get3A_11, %get3A_12] : memref<2x2000x128xf32, #tpu.memory_space<vmem>>, vector<1x2000x128xf32>
    %get3A_14 = vector.shape_cast %get3A_13 : vector<1x2000x128xf32> to vector<2000x128xf32>
    %get3A_15 = arith.constant 1 : index
    %get3A_16 = arith.constant 0 : index
    %get3A_17 = arith.constant 0 : index
    %get3A_18 = vector.load %arg1[%get3A_15, %get3A_16, %get3A_17] : memref<2x2000x128xf32, #tpu.memory_space<vmem>>, vector<1x2000x128xf32>
    %get3A_19 = vector.shape_cast %get3A_18 : vector<1x2000x128xf32> to vector<2000x128xf32>
    %add3A_20 = arith.addf %get3A_14, %get3A_19 : vector<2000x128xf32>
    %mul3A = vector.broadcast %select_n3A : vector<2000x1xf32> to vector<2000x128xf32>
    %mul3A_21 = arith.mulf %add3A_20, %mul3A : vector<2000x128xf32>
    %get3A_22 = arith.constant 0 : index
    %get3A_23 = arith.constant 0 : index
    %get3A_24 = vector.load %arg4[%get3A_22, %get3A_23] : memref<128x128xf32, #tpu.memory_space<vmem>>, vector<128x128xf32>
    %dot_general3A = arith.constant dense<0.000000e+00> : vector<2000x128xf32>
    %dot_general3A_25 = tpu.matmul %mul3A_21, %get3A_24, %dot_general3A {dimension_numbers = #tpu.dot_dimension_numbers<[1], [0], [0], [1], [0, 0, 1, 1], [], []>, transpose_lhs_hint = false} : vector<2000x128xf32>, vector<128x128xf32>, vector<2000x128xf32> -> vector<2000x128xf32>
    %get3A_26 = arith.constant 0 : index
    %get3A_27 = arith.constant 0 : index
    %get3A_28 = vector.load %arg5[%get3A_26, %get3A_27] : memref<1x128xf32, #tpu.memory_space<vmem>>, vector<1x128xf32>
    %add3A_29 = vector.broadcast %get3A_28 : vector<1x128xf32> to vector<2000x128xf32>
    %add3A_30 = arith.addf %dot_general3A_25, %add3A_29 : vector<2000x128xf32>
    %max3A_31 = arith.constant 0.000000e+00 : f32
    %max3A_32 = vector.broadcast %max3A_31 : f32 to vector<2000x128xf32>
    %max3A_33 = arith.maximumf %add3A_30, %max3A_32 : vector<2000x128xf32>
    %get3A_34 = arith.constant 0 : index
    %get3A_35 = arith.constant 0 : index
    %get3A_36 = arith.constant 0 : index
    %get3A_37 = vector.load %arg3[%get3A_34, %get3A_35, %get3A_36] : memref<2x2000x128xf32, #tpu.memory_space<vmem>>, vector<2x2000x128xf32>
    %slice3A_38 = vector.extract_strided_slice %get3A_37 {offsets = [0, 0, 0], sizes = [1, 2000, 128], strides = [1, 1, 1]} : vector<2x2000x128xf32> to vector<1x2000x128xf32>
    %squeeze3A_39 = vector.shape_cast %slice3A_38 : vector<1x2000x128xf32> to vector<2000x128xf32>
    %slice3A_40 = vector.extract_strided_slice %get3A_37 {offsets = [1, 0, 0], sizes = [1, 2000, 128], strides = [1, 1, 1]} : vector<2x2000x128xf32> to vector<1x2000x128xf32>
    %squeeze3A_41 = vector.shape_cast %slice3A_40 : vector<1x2000x128xf32> to vector<2000x128xf32>
    %add3A_42 = arith.addf %squeeze3A_39, %squeeze3A_41 : vector<2000x128xf32>
    %slice3A_43 = vector.extract_strided_slice %add3A_42 {offsets = [0, 0], sizes = [2000, 1], strides = [1, 1]} : vector<2000x128xf32> to vector<2000x1xf32>
    %gt3A_44 = arith.constant 0.000000e+00 : f32
    %gt3A_45 = vector.broadcast %gt3A_44 : f32 to vector<2000x1xf32>
    %gt3A_46 = arith.cmpf ogt, %slice3A_43, %gt3A_45 : vector<2000x1xf32>
    %max3A_47 = arith.constant 1.000000e+00 : f32
    %max3A_48 = vector.broadcast %max3A_47 : f32 to vector<2000x1xf32>
    %max3A_49 = arith.maximumf %slice3A_43, %max3A_48 : vector<2000x1xf32>
    %rsqrt3A_50 = math.rsqrt %max3A_49 : vector<2000x1xf32>
    %jit3A_51 = arith.constant 0.000000e+00 : f32
    %broadcast_in_dim3A_52 = vector.broadcast %jit3A_51 : f32 to vector<2000x1xf32>
    %select_n3A_53 = arith.select %gt3A_46, %rsqrt3A_50, %broadcast_in_dim3A_52 : vector<2000x1xi1>, vector<2000x1xf32>
    %mul3A_54 = vector.broadcast %select_n3A_53 : vector<2000x1xf32> to vector<2000x128xf32>
    %mul3A_55 = arith.mulf %max3A_33, %mul3A_54 : vector<2000x128xf32>
    %swap3A = arith.constant 0 : index
    %swap3A_56 = arith.constant 0 : index
    %swap3A_57 = vector.load %arg6[%swap3A, %swap3A_56] : memref<2000x128xf32, #tpu.memory_space<vmem>>, vector<2000x128xf32>
    tpu.vector_store %arg6[%swap3A, %swap3A_56], %mul3A_55 {strides = array<i32>} : memref<2000x128xf32, #tpu.memory_space<vmem>>, vector<2000x128xf32>,
    return
  }
  func.func @transform_0(%arg0: i32) -> (i32, i32, i32) {
    %c0_i32 = arith.constant 0 : i32
    %c0_i32_0 = arith.constant 0 : i32
    %c0_i32_1 = arith.constant 0 : i32
    return %c0_i32, %arg0, %c0_i32_0 : i32, i32, i32
  }
  func.func @transform_1(%arg0: i32) -> (i32, i32, i32) {
    %c0_i32 = arith.constant 0 : i32
    %c0_i32_0 = arith.constant 0 : i32
    %c0_i32_1 = arith.constant 0 : i32
    return %c0_i32, %arg0, %c0_i32_0 : i32, i32, i32
  }
  func.func @transform_2(%arg0: i32) -> (i32, i32, i32) {
    %c0_i32 = arith.constant 0 : i32
    %c0_i32_0 = arith.constant 0 : i32
    %c0_i32_1 = arith.constant 0 : i32
    return %c0_i32, %arg0, %c0_i32_0 : i32, i32, i32
  }
  func.func @transform_3(%arg0: i32) -> (i32, i32) {
    %c0_i32 = arith.constant 0 : i32
    %c0_i32_0 = arith.constant 0 : i32
    %c0_i32_1 = arith.constant 0 : i32
    return %c0_i32, %c0_i32_0 : i32, i32
  }
  func.func @transform_4(%arg0: i32) -> (i32, i32) {
    %c0_i32 = arith.constant 0 : i32
    %c0_i32_0 = arith.constant 0 : i32
    %c0_i32_1 = arith.constant 0 : i32
    return %c0_i32, %c0_i32_0 : i32, i32
  }
  func.func @transform_5(%arg0: i32) -> (i32, i32) {
    %c0_i32 = arith.constant 0 : i32
    %c0_i32_0 = arith.constant 0 : i32
    return %arg0, %c0_i32 : i32, i32
  }
}

module attributes {stable_mosaic.version = 14 : i64} {
  func.func @_tc_final_body(%arg0: i32, %arg1: memref<2x2000x128xf32, #tpu.memory_space<vmem>>, %arg2: memref<2x2000x128xf32, #tpu.memory_space<vmem>>, %arg3: memref<128x128xf32, #tpu.memory_space<vmem>>, %arg4: memref<1x128xf32, #tpu.memory_space<vmem>>, %arg5: memref<2000x128xf32, #tpu.memory_space<vmem>>) attributes {dimension_semantics = [#tpu.dimension_semantics<arbitrary>], iteration_bounds = array<i64: 5>, scalar_prefetch = 0 : i64, scratch_operands = 0 : i64, tpu.core_type = #tpu.core_type<tc>, window_params = [{transform_indices = @transform_0, window_bounds = array<i64: 2, 2000, 128>}, {transform_indices = @transform_1, window_bounds = array<i64: 2, 2000, 128>}, {pipeline_mode = #tpu.pipeline_mode<synchronous>, transform_indices = @transform_2, window_bounds = array<i64: 128, 128>}, {pipeline_mode = #tpu.pipeline_mode<synchronous>, transform_indices = @transform_3, window_bounds = array<i64: 1, 128>}, {transform_indices = @transform_4, window_bounds = array<i64: 2000, 128>}]} {
    %get3A = arith.constant 0 : index
    %get3A_0 = arith.constant 0 : index
    %get3A_1 = arith.constant 0 : index
    %get3A_2 = vector.load %arg2[%get3A, %get3A_0, %get3A_1] : memref<2x2000x128xf32, #tpu.memory_space<vmem>>, vector<2x2000x128xf32>
    %slice3A = vector.extract_strided_slice %get3A_2 {offsets = [0, 0, 0], sizes = [1, 2000, 128], strides = [1, 1, 1]} : vector<2x2000x128xf32> to vector<1x2000x128xf32>
    %squeeze3A = vector.shape_cast %slice3A : vector<1x2000x128xf32> to vector<2000x128xf32>
    %slice3A_3 = vector.extract_strided_slice %get3A_2 {offsets = [1, 0, 0], sizes = [1, 2000, 128], strides = [1, 1, 1]} : vector<2x2000x128xf32> to vector<1x2000x128xf32>
    %squeeze3A_4 = vector.shape_cast %slice3A_3 : vector<1x2000x128xf32> to vector<2000x128xf32>
    %add3A = arith.addf %squeeze3A, %squeeze3A_4 : vector<2000x128xf32>
    %slice3A_5 = vector.extract_strided_slice %add3A {offsets = [0, 0], sizes = [2000, 1], strides = [1, 1]} : vector<2000x128xf32> to vector<2000x1xf32>
    %gt3A = arith.constant 0.000000e+00 : f32
    %gt3A_6 = vector.broadcast %gt3A : f32 to vector<2000x1xf32>
    %gt3A_7 = arith.cmpf ogt, %slice3A_5, %gt3A_6 : vector<2000x1xf32>
    %max3A = arith.constant 1.000000e+00 : f32
    %max3A_8 = vector.broadcast %max3A : f32 to vector<2000x1xf32>
    %max3A_9 = arith.maximumf %slice3A_5, %max3A_8 : vector<2000x1xf32>
    %rsqrt3A = math.rsqrt %max3A_9 : vector<2000x1xf32>
    %jit3A = arith.constant 0.000000e+00 : f32
    %broadcast_in_dim3A = vector.broadcast %jit3A : f32 to vector<2000x1xf32>
    %select_n3A = arith.select %gt3A_7, %rsqrt3A, %broadcast_in_dim3A : vector<2000x1xi1>, vector<2000x1xf32>
    %get3A_10 = arith.constant 0 : index
    %get3A_11 = arith.constant 0 : index
    %get3A_12 = arith.constant 0 : index
    %get3A_13 = vector.load %arg1[%get3A_10, %get3A_11, %get3A_12] : memref<2x2000x128xf32, #tpu.memory_space<vmem>>, vector<1x2000x128xf32>
    %get3A_14 = vector.shape_cast %get3A_13 : vector<1x2000x128xf32> to vector<2000x128xf32>
    %get3A_15 = arith.constant 1 : index
    %get3A_16 = arith.constant 0 : index
    %get3A_17 = arith.constant 0 : index
    %get3A_18 = vector.load %arg1[%get3A_15, %get3A_16, %get3A_17] : memref<2x2000x128xf32, #tpu.memory_space<vmem>>, vector<1x2000x128xf32>
    %get3A_19 = vector.shape_cast %get3A_18 : vector<1x2000x128xf32> to vector<2000x128xf32>
    %add3A_20 = arith.addf %get3A_14, %get3A_19 : vector<2000x128xf32>
    %mul3A = vector.broadcast %select_n3A : vector<2000x1xf32> to vector<2000x128xf32>
    %mul3A_21 = arith.mulf %add3A_20, %mul3A : vector<2000x128xf32>
    %get3A_22 = arith.constant 0 : index
    %get3A_23 = arith.constant 0 : index
    %get3A_24 = vector.load %arg3[%get3A_22, %get3A_23] : memref<128x128xf32, #tpu.memory_space<vmem>>, vector<128x128xf32>
    %dot_general3A = arith.constant dense<0.000000e+00> : vector<2000x128xf32>
    %dot_general3A_25 = tpu.matmul %mul3A_21, %get3A_24, %dot_general3A {dimension_numbers = #tpu.dot_dimension_numbers<[1], [0], [0], [1], [0, 0, 1, 1], [], []>, transpose_lhs_hint = false} : vector<2000x128xf32>, vector<128x128xf32>, vector<2000x128xf32> -> vector<2000x128xf32>
    %get3A_26 = arith.constant 0 : index
    %get3A_27 = arith.constant 0 : index
    %get3A_28 = vector.load %arg4[%get3A_26, %get3A_27] : memref<1x128xf32, #tpu.memory_space<vmem>>, vector<1x128xf32>
    %add3A_29 = vector.broadcast %get3A_28 : vector<1x128xf32> to vector<2000x128xf32>
    %add3A_30 = arith.addf %dot_general3A_25, %add3A_29 : vector<2000x128xf32>
    %max3A_31 = arith.constant 0.000000e+00 : f32
    %max3A_32 = vector.broadcast %max3A_31 : f32 to vector<2000x128xf32>
    %max3A_33 = arith.maximumf %add3A_30, %max3A_32 : vector<2000x128xf32>
    %swap3A = arith.constant 0 : index
    %swap3A_34 = arith.constant 0 : index
    %swap3A_35 = vector.load %arg5[%swap3A, %swap3A_34] : memref<2000x128xf32, #tpu.memory_space<vmem>>, vector<2000x128xf32>
    tpu.vector_store %arg5[%swap3A, %swap3A_34], %max3A_33 {strides = array<i32>} : memref<2000x128xf32, #tpu.memory_space<vmem>>, vector<2000x128xf32>,
    return
  }
  func.func @transform_0(%arg0: i32) -> (i32, i32, i32) {
    %c0_i32 = arith.constant 0 : i32
    %c0_i32_0 = arith.constant 0 : i32
    %c0_i32_1 = arith.constant 0 : i32
    return %c0_i32, %arg0, %c0_i32_0 : i32, i32, i32
  }
  func.func @transform_1(%arg0: i32) -> (i32, i32, i32) {
    %c0_i32 = arith.constant 0 : i32
    %c0_i32_0 = arith.constant 0 : i32
    %c0_i32_1 = arith.constant 0 : i32
    return %c0_i32, %arg0, %c0_i32_0 : i32, i32, i32
  }
  func.func @transform_2(%arg0: i32) -> (i32, i32) {
    %c0_i32 = arith.constant 0 : i32
    %c0_i32_0 = arith.constant 0 : i32
    %c0_i32_1 = arith.constant 0 : i32
    return %c0_i32, %c0_i32_0 : i32, i32
  }
  func.func @transform_3(%arg0: i32) -> (i32, i32) {
    %c0_i32 = arith.constant 0 : i32
    %c0_i32_0 = arith.constant 0 : i32
    %c0_i32_1 = arith.constant 0 : i32
    return %c0_i32, %c0_i32_0 : i32, i32
  }
  func.func @transform_4(%arg0: i32) -> (i32, i32) {
    %c0_i32 = arith.constant 0 : i32
    %c0_i32_0 = arith.constant 0 : i32
    return %arg0, %c0_i32 : i32, i32
  }
}

</mosaic_0001>

<sc_bundles>
// kernel: kernel.12.cloned.1.call-start
scs
__scs_entry_jumppad:
0x0: {  	(pc) =	sbr.rel $0x88, $3  }
0x1: {  	(tag) =	ssettag $0x0;
	lr =	simm.s32 $0x1  }
0x2: {  	[smem:$0x3F9B] =	sst lr;
	_ =	strace $0xD0000000  }
0x3: {  	_ = 	snop  }
0x4: {  	_ = 	snop  }
0x5: {  	_ = 	snop  }
0x6: {  	_ = 	snop  }
0x7: {  	_ = 	snop  }
__scs_overlays_trampoline_lowered:
0x8: {  	[smem:$0x3FAA] =	sst s0  }
0x9: {  	[smem:$0x3FAB] =	sst s1  }
0xa: {  	[smem:$0x3FAC] =	sst s2  }
0xb: {  	[smem:$0x3FAD] =	sst s3  }
0xc: {  	[smem:$0x3FAE] =	sst s4  }
0xd: {  	[smem:$0x3FAF] =	sst s5  }
0xe: {  	[smem:$0x3FB0] =	sst s6  }
0xf: {  	[smem:$0x3FB1] =	sst s7  }
0x10: {  	[smem:$0x3FB2] =	sst s8  }
0x11: {  	[smem:$0x3FB3] =	sst s9;
	s0 =	simm.s32 @!p0 $0x0  }
0x12: {  	s1 =	sld [smem:$0x3F99];
	s0 =	simm.s32 @p0 $0x1  }
0x13: {  	[smem:$0x3FB4] =	sst s0;
	s0 =	simm.s32 @!p1 $0x0  }
0x14: {  	s2 =	sld [smem:$0x3F98];
	s0 =	simm.s32 @p1 $0x1  }
0x15: {  	[smem:$0x3FB5] =	sst s0;
	s0 =	simm.s32 @!p2 $0x0  }
0x16: {  	s3 =	sld [smem:$0x3FDB];
	s0 =	simm.s32 @p2 $0x1  }
0x17: {  	s4 =	simm.s32 $0x1BF5;
	[smem:$0x3FB7] =	sst s0  }
0x18: {  	s0 =	sld [smem:$0x3F9A];
	_ =	swait.ge [sflag:s4], $0x0  }
0x19: {  	s7 =	sld [smem:$0x3F9B]  }
0x1a: {  	s8 =	sadd.s32 $0xFFFFE003, lr  }
0x1b: {  	s9 =	sadd.s32 $0xFFFFFEF7, lr;
	s5 =	simm.s32 $0xFFFFFFFF;
	p2 =	slt.u32 s8, $0xFFFFF086  }
0x1c: {  	p1 =	slt.u32 s9, $0xF7A;
	s5 =	simm.s32 @!p2 $0x0  }
0x1d: {  	s5 =	simm.s32 @p1 $0x1;
	p0 =	seq.s32 s7, s2  }
0x1e: {  	s7 =	smul.u32 @!p0 $0xF7A, s2;
	p2 =	seq.s32 @!p0 s5, $0x0  }
0x1f: {  	s9 =	smul.u32 $0xF7A, s1;
	s8 =	simm.s32 @!p0 $0x1BF5;
	p2 =	por !p2, p0  }
0x20: {  	[sflag:s8] =	ssyncset.s32 @!p0 $0xFFFFF086;
	s6 =	sadd.s32 @!p0 s3, s7;
	s7 =	simm.s32 @!p0 $0x108  }
0x21: {  	s3 =	sadd.s32 s3, s9;
	s6 =	sadd.s32 @!p0 $0x88, s6;
	s7 =	simm.s32 @p2 $0x1082  }
0x22: {  	[simem:s7], [sflag:s8] =	dma.local @!p0 [hbm:s6], $0xF7A  }
0x23: {  	s9 =	sor.u32 $0xD0000000, s2;
	s6 =	simm.s32 $0x108;
	_ =	swait.ge @!p0 [sflag:s8], $0x0  }
0x24: {  	s3 =	sadd.s32 $0x88, s3;
	s6 =	simm.s32 @!p1 $0x1082;
	[sflag:s4] =	ssyncset.s32 $0xFFFFF086  }
0x25: {  	[simem:s6], [sflag:s4] =	dma.local [hbm:s3], $0xF7A  }
0x26: {  	[smem:$0x3F9B] =	sst s1;
	(tag) =	ssettag s2;
	_ =	strace s9  }
0x27: {  	s1 =	sld [smem:$0x3FAB]  }
0x28: {  	s2 =	sld [smem:$0x3FAC]  }
0x29: {  	s4 =	sld [smem:$0x3FAE]  }
0x2a: {  	p0 =	seq.s32 s5, $0x0;
	s5 =	sld [smem:$0x3FAF]  }
0x2b: {  	s6 =	sld [smem:$0x3FB0]  }
0x2c: {  	s7 =	sld [smem:$0x3FB1]  }
0x2d: {  	s3 =	simm.s32 $0x108;
	s8 =	sld [smem:$0x3FB2]  }
0x2e: {  	s3 =	simm.s32 @!p0 $0x1082;
	s9 =	sld [smem:$0x3FB3]  }
0x2f: {  	lr =	sadd.s32 s0, s3;
	s0 =	sld [smem:$0x3FAA]  }
0x30: {  	s3 =	sld [smem:$0x3FAD]  }
0x31: {  	[smem:$0x3FB6] =	sst s10  }
0x32: {  	s10 =	sld [smem:$0x3FB4];
	_ =	sdelay $0x3  }
0x33: {  	p0 =	seq.s32 s10, $0x1;
	s10 =	sld [smem:$0x3FB6];
	_ =	sdelay $0x3  }
0x34: {  	[smem:$0x3FB6] =	sst s10  }
0x35: {  	s10 =	sld [smem:$0x3FB5];
	_ =	sdelay $0x3  }
0x36: {  	p1 =	seq.s32 s10, $0x1;
	s10 =	sld [smem:$0x3FB6];
	_ =	sdelay $0x3  }
0x37: {  	[smem:$0x3FB6] =	sst s10  }
0x38: {  	s10 =	sld [smem:$0x3FB7]  }
0x39: {  	_ = 	snop;
	(pc) =	sbr.ind lr, $3  }
0x3a: {  	_ = 	snop  }
0x3b: {  	_ = 	snop  }
0x3c: {  	p2 =	seq.s32 s10, $0x1;
	s10 =	sld [smem:$0x3FB6]  }
0x3d: {  	_ =	shalt  }
0x3e: {  	_ =	shalt  }
0x3f: {  	_ =	shalt  }
0x40: {  	_ =	shalt  }
0x41: {  	_ =	shalt  }
0x42: {  	_ =	shalt  }
0x43: {  	_ =	shalt  }
0x44: {  	_ =	shalt  }
0x45: {  	_ =	shalt  }
0x46: {  	_ =	shalt  }
0x47: {  	_ =	shalt  }
0x48: {  	_ =	shalt  }
0x49: {  	_ =	shalt  }
0x4a: {  	_ =	shalt  }
0x4b: {  	_ =	shalt  }
0x4c: {  	_ =	shalt  }
0x4d: {  	_ =	shalt  }
0x4e: {  	_ =	shalt  }
0x4f: {  	_ =	shalt  }
0x50: {  	_ =	shalt  }
0x51: {  	_ =	shalt  }
0x52: {  	_ =	shalt  }
0x53: {  	_ =	shalt  }
0x54: {  	_ =	shalt  }
0x55: {  	_ =	shalt  }
0x56: {  	_ =	shalt  }
0x57: {  	_ =	shalt  }
0x58: {  	_ =	shalt  }
0x59: {  	_ =	shalt  }
0x5a: {  	_ =	shalt  }
0x5b: {  	_ =	shalt  }
0x5c: {  	_ =	shalt  }
0x5d: {  	_ =	shalt  }
0x5e: {  	_ =	shalt  }
0x5f: {  	_ =	shalt  }
0x60: {  	_ =	shalt  }
0x61: {  	_ =	shalt  }
0x62: {  	_ =	shalt  }
0x63: {  	_ =	shalt  }
0x64: {  	_ =	shalt  }
0x65: {  	_ =	shalt  }
0x66: {  	_ =	shalt  }
0x67: {  	_ =	shalt  }
0x68: {  	_ =	shalt  }
0x69: {  	_ =	shalt  }
0x6a: {  	_ =	shalt  }
0x6b: {  	_ =	shalt  }
0x6c: {  	_ =	shalt  }
0x6d: {  	_ =	shalt  }
0x6e: {  	_ =	shalt  }
0x6f: {  	_ =	shalt  }
0x70: {  	_ =	shalt  }
0x71: {  	_ =	shalt  }
0x72: {  	_ =	shalt  }
0x73: {  	_ =	shalt  }
0x74: {  	_ =	shalt  }
0x75: {  	_ =	shalt  }
0x76: {  	_ =	shalt  }
0x77: {  	_ =	shalt  }
0x78: {  	_ =	shalt  }
0x79: {  	_ =	shalt  }
0x7a: {  	_ =	shalt  }
0x7b: {  	_ =	shalt  }
0x7c: {  	_ =	shalt  }
0x7d: {  	_ =	shalt  }
0x7e: {  	_ =	shalt  }
0x7f: {  	_ =	shalt  }
0x80: {  	_ =	shalt  }
0x81: {  	_ =	shalt  }
0x82: {  	_ =	shalt  }
0x83: {  	_ =	shalt  }
0x84: {  	_ =	shalt  }
0x85: {  	_ =	shalt  }
0x86: {  	_ =	shalt  }
0x87: {  	_ =	shalt  }
.Lfunc_end0:
.L_simem_size_0:
called_computation.1_lowered:
.L_overlay_start_0:
0x88: {  	s2 =	sld [smem:$0x3FD9]  }
0x89: {  	s3 =	sld [smem:$0x3FFE];
	_ =	sdelay $0x1  }
0x8a: {  	s1 =	srdreg.scid  }
0x8b: {  	s0 =	sand.u32 $0x1, s1  }
0x8c: {  	s17 =	sshll.u32 s0, $0xA;
	s2 =	sadd.s32 s3, s2  }
0x8d: {  	s2 =	sadd.s32 s2, s17  }
0x8e: {  	[smem:$0x3FC2] =	sst s2  }
0x8f: {  	_ = 	snop  }
0x90: {  	(tm) =	ssettm $0x1  }
0x91: {  	s18 =	sld [smem:$0x3FFB];
	_ =	sdelay $0x3  }
0x92: {  	_ =	strace s18  }
0x93: {  	s2 =	sld [smem:$0x3FFC];
	_ =	sdelay $0x3  }
0x94: {  	_ =	strace s2  }
0x95: {  	s2 =	sld [smem:$0x3FFD];
	_ =	sdelay $0x3  }
0x96: {  	_ =	strace s2  }
0x97: {  	_ =	strace $0x8FFFFFFF  }
0x98: {  	s19 =	sld [smem:$0x3FDB];
	_ =	sdelay $0x1  }
0x99: {  	s20 =	simm.s32 $_scs_section_size  }
0x9a: {  	s4 =	simm.s32 $_size__tile_overlayer_lowered;
	s5 =	simm.s32 $_tile_overlayer_lowered  }
0x9b: {  	s6 =	simm.s32 $0x1BFF;
	s21 =	sshll.u32 s5, $0x1;
	s3 =	sadd.s32 s20, s19  }
0x9c: {  	s22 =	simm.s32 $0x0;
	s4 =	sshll.u32 s4, $0x1;
	s5 =	sadd.s32 s21, s3  }
0x9d: {  	[timem:s22], [sflag:s6] =	dma.local [hbm:s5], s4  }
0x9e: {  	_ =	swait.ge [sflag:s6], s4  }
0x9f: {  	s4 =	ssub.s32 $0x0, s4;
	[sflag:s6] =	ssyncset.done $0x0  }
0xa0: {  	[sflag:s6] =	ssyncadd.s32 s4;
	_ =	sdelay $0x1  }
0xa1: {  	s23 =	simm.s32 $0x1B8B  }
0xa2: {  	_ =	swait.ge [sflag:s23], $0x1  }
0xa3: {  	[sflag:s23] =	ssyncset.done $0x0  }
0xa4: {  	[sflag:s23] =	ssyncadd.s32 $0xFFFFFFFF  }
0xa5: {  	s4 =	sld [smem:$0x0]  }
0xa6: {  	s5 =	sand.u32 $0xFFFFFFFE, s1  }
0xa7: {  	p0 =	sne.s32 s1, s5  }
0xa8: {  	s5 =	sshll.u32 @p0 s5, $0xE  }
0xa9: {  	s5 =	sadd.s32 @p0 $0x11B8D, s5;
	s6 =	sshll.u32 @p0 s4, $0x11  }
0xaa: {  	s5 =	sor.u32 @p0 s6, s5  }
0xab: {  	[sflag:s5] =	ssyncadd.remote.s32 @p0 $0x1;
	_ =	sdelay $0x1  }
0xac: {  	s5 =	simm.s32 @p0 $0x1B8D  }
0xad: {  	_ =	swait.eq @p0 [sflag:s5], $0x1  }
0xae: {  	[sflag:s5] =	ssyncadd.s32 @p0 $0xFFFFFFFF  }
0xaf: {  	s6 =	sshll.u32 @!p0 s1, $0xE  }
0xb0: {  	s6 =	sor.u32 @!p0 $0x4000, s6;
	s5 =	simm.s32 @!p0 $0x1B8D  }
0xb1: {  	s4 =	sshll.u32 @!p0 s4, $0x11;
	s6 =	sadd.s32 @!p0 $0x11B8D, s6;
	_ =	swait.eq @!p0 [sflag:s5], $0x1  }
0xb2: {  	s4 =	sor.u32 @!p0 s4, s6;
	[sflag:s5] =	ssyncadd.s32 @!p0 $0xFFFFFFFF  }
0xb3: {  	s25 =	simm.s32 $0x1B8E;
	s24 =	sld [smem:$0x3FFE];
	[sflag:s4] =	ssyncadd.remote.s32 @!p0 $0x1  }
0xb4: {  	s26 =	simm.s32 $execute0_lowered;
	[smem:$0x3FD2] =	sst s25  }
0xb5: {  	s5 =	sshll.u32 s26, $0x1;
	_ =	strace $0x80000049;
	[dreg:$0x1] =	wrdreg $0xFFFFFFFF  }
0xb6: {  	s28 =	simm.s32 $_size_execute0_lowered;
	s3 =	sadd.s32 s3, s5;
	[dreg:$0x0] =	wrdreg $0x0  }
0xb7: {  	s5 =	sshll.u32 s28, $0x1;
	[dreg:$0x2] =	wrdreg s3  }
0xb8: {  	[dreg:$0x3] =	wrdreg s5  }
0xb9: {  	[dreg:$0x4] =	wrdreg $0xC0  }
0xba: {  	_ =	task [dreg:s22], $0x5FFFF  }
0xbb: {  	[dreg:$0x1] =	wrdreg $0xFFFFFFFF  }
0xbc: {  	[dreg:$0x0] =	wrdreg $0x60  }
0xbd: {  	[dreg:$0x2] =	wrdreg s24  }
0xbe: {  	[dreg:$0x3] =	wrdreg $0x68000  }
0xbf: {  	[dreg:$0x4] =	wrdreg $0x9  }
0xc0: {  	_ =	task.clear_ibuf [dreg:s22], $0x5FFFF;
	_ =	strace $0x90000049  }
0xc1: {  	s29 =	simm.s32 $0x9;
	_ =	strace $0x8000004B  }
0xc2: {  	_ =	swait.ge [sflag:s29], $0x1  }
0xc3: {  	[sflag:s29] =	ssyncadd.s32 $0xFFFFFFFF  }
0xc4: {  	_ =	strace $0x9000004B  }
0xc5: {  	_ =	sfence  }
0xc6: {  	s30 =	sld [smem:$0x0];
	_ =	sdelay $0x2  }
0xc7: {  	s31 =	sshll.u32 s1, $0xD;
	s1 =	sshrl.u32 s1, $0x2  }
0xc8: {  	s4 =	sand.u32 $0x4000, s31;
	s1 =	sadd.s32 s1, s30  }
0xc9: {  	s0 =	sor.u32 s4, s0;
	s1 =	sshll.u32 s1, $0x11  }
0xca: {  	s0 =	sor.u32 s1, s0  }
0xcb: {  	s0 =	sadd.s32 $0x8F2B, s0  }
0xcc: {  	[sflag:s0] =	ssyncadd.remote.s32 $0x1  }
0xcd: {  	_ =	sfence.sel $0xFFFF  }
0xce: {  	[dreg:$0x0] =	wrdreg $0xFFFFFFFF;
	(pc) =	sbr.abs _section_cstart, $3  }
0xcf: {  	[dreg:$0x1] =	wrdreg $0xFFFFFFFF  }
0xd0: {  	_ =	task.clear_ibuf [dreg:s22], $0x2FFFF;
	_ =	strace $0x9FFFFFFF  }
0xd1: {  	(tm) =	ssettm $0x7FFFFFFF  }
tec
execute0_lowered:
.L_overlay_start_1:
0x0: {  	(tag) =	ssettag $0x1  }
0x1: {  	s1 =	srdreg.scid;
	s7 =	rddreg [dreg:$0x0]  }
0x2: {  	s0 =	stileid.u32;
	s2 =	rddreg [dreg:$0x1]  }
0x3: {  	s3 =	simm.s32 $0x0;
	s13 =	simm.s32 $0x80;
	s14 =	simm.s32 $0x1  }
0x4: {  	s15 =	simm.s32 $0x0;
	s6 =	sand.u32 $0x1, s1;
	s8 =	smul.u32 $0x14000, s0  }
0x5: {  	s30 =	sshll.u32 s0, $0x1;
	[smem:$0x7FF] =	sst s3;
	s10 =	smul.u32 $0x50000, s0  }
0x6: {  	s11 =	sshll.u32 s0, $0x6;
	s1 =	sor.u32 s6, s30;
	s5 =	smul.u32 $0x140000, s6  }
0x7: {  	s6 =	ssub.s32 $0x2, s6;
	s4 =	smul.u32 $0x500, s1;
	s1 =	rddreg [dreg:$0x2]  }
0x8: {  	_ =	strace $0x8000004A;
	s31 =	sshrl.u32 s6, $0x1;
	s10 =	sshrl.u32 s10, $0x2  }
0x9: {  	s5 =	sadd.s32 s8, s5;
	s12 =	ssub.s32 s6, s31;
	s10 =	sadd.s32 s10, s2  }
0xa: {  	s6 =	sor.u32 $0x1C02, s11;
	s11 =	simm.s32 $0x2;
	s9 =	sadd.s32 s4, s7  }
0xb: {  	s4 =	sadd.s32 $0x17600, s7;
	s8 =	sshrl.u32 s5, $0x3;
	s5 =	sadd.s32 $0x16E00, s7  }
0xc: {  	s10 =	sshrl.u32 s10, $0x3;
	s8 =	sadd.s32 s8, s7;
	s7 =	sadd.s32 $0x69E00, s9  }
0xd: {  	s9 =	smax.u32 s12, $0x1;
	s12 =	simm.s32 $0x2800;
	s8 =	sadd.s32 $0x73E00, s8  }
.LBB2_1:
0xe: {  	[spmem:s10], [sflag:s6] =	dma.local [hbm:s4], $0x2800  }
0xf: {  	_ =	swait.ge [sflag:s11], $0x2800  }
0x10: {  	[sflag:s11] =	ssyncset.done $0x0  }
0x11: {  	[sflag:s11] =	ssyncadd.s32 $0xFFFFD800  }
0x12: {  	[tilespmem:s12], [sflag:$0x2] =	stream.linear.gather [hbm4b:s5+s3], $0x4000, $0x38;
	[tilespmem:$0x1A800] =	vst v63  }
0x13: {  	_ =	swait.ge [sflag:s11], $0x4000  }
0x14: {  	[sflag:s11] =	ssyncset.done $0x0  }
0x15: {  	[sflag:s11] =	ssyncadd.s32 $0xFFFFC000  }
0x16: {  	[tilespmem:s3], [sflag:$0x2] =	stream.linear.gather [hbm4b:s7+s3], $0x2800, $0x38;
	[tilespmem:$0x1A800] =	vst v63  }
0x17: {  	_ =	swait.ge [sflag:s11], $0x2800  }
0x18: {  	[sflag:s11] =	ssyncset.done $0x0  }
0x19: {  	[sflag:s11] =	ssyncadd.s32 $0xFFFFD800  }
0x1a: {  	s16 =	simm.s32 $0x0;
	[bflag:$0x0] =	sbarrier.arrive $0xFFFF  }
0x1b: {  	[spmem:s2] =	stream.indirect.scatter.add.f32 [tilespmem:s12], [sflag:$0x1], $0x80, s16, s13, $0xb8;
	[tilespmem:$0x1A800] =	vst v63  }
0x1c: {  	s24 =	simm.s32 $0x80  }
0x1d: {  	[spmem:s2] =	stream.indirect.scatter.add.f32 [tilespmem:s12], [sflag:$0x1], $0x80, s24, s13, $0xb8;
	[tilespmem:$0x1A800] =	vst v63  }
0x1e: {  	s25 =	simm.s32 $0x100  }
0x1f: {  	[spmem:s2] =	stream.indirect.scatter.add.f32 [tilespmem:s12], [sflag:$0x1], $0x80, s25, s13, $0xb8;
	[tilespmem:$0x1A800] =	vst v63  }
0x20: {  	s26 =	simm.s32 $0x180  }
0x21: {  	[spmem:s2] =	stream.indirect.scatter.add.f32 [tilespmem:s12], [sflag:$0x1], $0x80, s26, s13, $0xb8;
	[tilespmem:$0x1A800] =	vst v63  }
0x22: {  	s28 =	simm.s32 $0x200  }
0x23: {  	[spmem:s2] =	stream.indirect.scatter.add.f32 [tilespmem:s12], [sflag:$0x1], $0x80, s28, s13, $0xb8;
	[tilespmem:$0x1A800] =	vst v63  }
0x24: {  	s29 =	simm.s32 $0x280  }
0x25: {  	[spmem:s2] =	stream.indirect.scatter.add.f32 [tilespmem:s12], [sflag:$0x1], $0x80, s29, s13, $0xb8;
	[tilespmem:$0x1A800] =	vst v63  }
0x26: {  	s30 =	simm.s32 $0x300  }
0x27: {  	[spmem:s2] =	stream.indirect.scatter.add.f32 [tilespmem:s12], [sflag:$0x1], $0x80, s30, s13, $0xb8;
	[tilespmem:$0x1A800] =	vst v63  }
0x28: {  	s31 =	simm.s32 $0x380  }
0x29: {  	[spmem:s2] =	stream.indirect.scatter.add.f32 [tilespmem:s12], [sflag:$0x1], $0x80, s31, s13, $0xb8;
	[tilespmem:$0x1A800] =	vst v63  }
0x2a: {  	_ =	swait.ge [sflag:s14], $0x4000  }
0x2b: {  	[sflag:s14] =	ssyncset.done $0x0  }
0x2c: {  	[sflag:s14] =	ssyncadd.s32 $0xFFFFC000  }
0x2d: {  	_ =	swait.ge [sflag:s14], $0x4000  }
0x2e: {  	[sflag:s14] =	ssyncset.done $0x0  }
0x2f: {  	[sflag:s14] =	ssyncadd.s32 $0xFFFFC000  }
0x30: {  	_ =	swait.ge [sflag:s14], $0x4000  }
0x31: {  	[sflag:s14] =	ssyncset.done $0x0  }
0x32: {  	[sflag:s14] =	ssyncadd.s32 $0xFFFFC000  }
0x33: {  	_ =	swait.ge [sflag:s14], $0x4000  }
0x34: {  	[sflag:s14] =	ssyncset.done $0x0  }
0x35: {  	[sflag:s14] =	ssyncadd.s32 $0xFFFFC000  }
0x36: {  	_ =	swait.ge [sflag:s14], $0x4000  }
0x37: {  	[sflag:s14] =	ssyncset.done $0x0  }
0x38: {  	[sflag:s14] =	ssyncadd.s32 $0xFFFFC000  }
0x39: {  	_ =	swait.ge [sflag:s14], $0x4000  }
0x3a: {  	[sflag:s14] =	ssyncset.done $0x0  }
0x3b: {  	[sflag:s14] =	ssyncadd.s32 $0xFFFFC000  }
0x3c: {  	_ =	swait.ge [sflag:s14], $0x4000  }
0x3d: {  	[sflag:s14] =	ssyncset.done $0x0  }
0x3e: {  	[sflag:s14] =	ssyncadd.s32 $0xFFFFC000  }
0x3f: {  	_ =	swait.ge [sflag:s14], $0x4000  }
0x40: {  	s18 =	simm.s32 $0x2000;
	s16 =	simm.s32 $0x1000;
	[sflag:s14] =	ssyncset.done $0x0  }
.LBB2_2:
0x41: {  	s19 =	sshra.s32 s16, $0x2  }
0x42: {  	[sflag:s14] =	ssyncadd.s32 $0xFFFFC000;
	s16 =	smov.u32 s18;
	s17 =	sadd.s32 $0x1000, s18  }
0x43: {  	[spmem:s2] =	stream.indirect.scatter.add.f32 [tilespmem:s12], [sflag:$0x1], $0x80, s19, s13, $0xb8;
	[tilespmem:$0x1A800] =	vst v63  }
0x44: {  	p0 =	sne.s32 s18, $0x9000;
	s18 =	sadd.s32 $0x80, s19  }
0x45: {  	[spmem:s2] =	stream.indirect.scatter.add.f32 [tilespmem:s12], [sflag:$0x1], $0x80, s18, s13, $0xb8;
	[tilespmem:$0x1A800] =	vst v63  }
0x46: {  	s18 =	sadd.s32 $0x100, s19  }
0x47: {  	[spmem:s2] =	stream.indirect.scatter.add.f32 [tilespmem:s12], [sflag:$0x1], $0x80, s18, s13, $0xb8;
	[tilespmem:$0x1A800] =	vst v63  }
0x48: {  	s18 =	sadd.s32 $0x180, s19  }
0x49: {  	[spmem:s2] =	stream.indirect.scatter.add.f32 [tilespmem:s12], [sflag:$0x1], $0x80, s18, s13, $0xb8;
	[tilespmem:$0x1A800] =	vst v63  }
0x4a: {  	s18 =	sadd.s32 $0x200, s19  }
0x4b: {  	[spmem:s2] =	stream.indirect.scatter.add.f32 [tilespmem:s12], [sflag:$0x1], $0x80, s18, s13, $0xb8;
	[tilespmem:$0x1A800] =	vst v63  }
0x4c: {  	s18 =	sadd.s32 $0x280, s19  }
0x4d: {  	[spmem:s2] =	stream.indirect.scatter.add.f32 [tilespmem:s12], [sflag:$0x1], $0x80, s18, s13, $0xb8;
	[tilespmem:$0x1A800] =	vst v63  }
0x4e: {  	s18 =	sadd.s32 $0x300, s19  }
0x4f: {  	[spmem:s2] =	stream.indirect.scatter.add.f32 [tilespmem:s12], [sflag:$0x1], $0x80, s18, s13, $0xb8;
	[tilespmem:$0x1A800] =	vst v63  }
0x50: {  	s18 =	sadd.s32 $0x380, s19  }
0x51: {  	[spmem:s2] =	stream.indirect.scatter.add.f32 [tilespmem:s12], [sflag:$0x1], $0x80, s18, s13, $0xb8;
	[tilespmem:$0x1A800] =	vst v63  }
0x52: {  	_ =	swait.ge [sflag:s14], $0x4000  }
0x53: {  	[sflag:s14] =	ssyncset.done $0x0  }
0x54: {  	[sflag:s14] =	ssyncadd.s32 $0xFFFFC000  }
0x55: {  	_ =	swait.ge [sflag:s14], $0x4000  }
0x56: {  	[sflag:s14] =	ssyncset.done $0x0  }
0x57: {  	[sflag:s14] =	ssyncadd.s32 $0xFFFFC000  }
0x58: {  	_ =	swait.ge [sflag:s14], $0x4000  }
0x59: {  	[sflag:s14] =	ssyncset.done $0x0  }
0x5a: {  	[sflag:s14] =	ssyncadd.s32 $0xFFFFC000  }
0x5b: {  	_ =	swait.ge [sflag:s14], $0x4000  }
0x5c: {  	[sflag:s14] =	ssyncset.done $0x0  }
0x5d: {  	[sflag:s14] =	ssyncadd.s32 $0xFFFFC000  }
0x5e: {  	_ =	swait.ge [sflag:s14], $0x4000  }
0x5f: {  	[sflag:s14] =	ssyncset.done $0x0  }
0x60: {  	[sflag:s14] =	ssyncadd.s32 $0xFFFFC000  }
0x61: {  	_ =	swait.ge [sflag:s14], $0x4000  }
0x62: {  	[sflag:s14] =	ssyncset.done $0x0  }
0x63: {  	[sflag:s14] =	ssyncadd.s32 $0xFFFFC000  }
.Ltmp0:
0x64: {  	_ =	swait.ge [sflag:s14], $0x4000;
	(pc) =	sbr.rel @p0 .LBB2_2-.Ltmp0, $4  }
0x65: {  	[sflag:s14] =	ssyncset.done $0x0  }
0x66: {  	[sflag:s14] =	ssyncadd.s32 $0xFFFFC000  }
0x67: {  	_ =	swait.ge [sflag:s14], $0x4000  }
0x68: {  	s18 =	smov.u32 s17;
	[sflag:s14] =	ssyncset.done $0x0  }
0x69: {  	s16 =	sshra.s32 s16, $0x2;
	[sflag:s14] =	ssyncadd.s32 $0xFFFFC000  }
0x6a: {  	[spmem:s2] =	stream.indirect.scatter.add.f32 [tilespmem:s12], [sflag:$0x1], $0x80, s16, s13, $0xb8;
	[tilespmem:$0x1A800] =	vst v63  }
0x6b: {  	s17 =	sadd.s32 $0x80, s16  }
0x6c: {  	[spmem:s2] =	stream.indirect.scatter.add.f32 [tilespmem:s12], [sflag:$0x1], $0x80, s17, s13, $0xb8;
	[tilespmem:$0x1A800] =	vst v63  }
0x6d: {  	s26 =	sadd.s32 $0x100, s16  }
0x6e: {  	[spmem:s2] =	stream.indirect.scatter.add.f32 [tilespmem:s12], [sflag:$0x1], $0x80, s26, s13, $0xb8;
	[tilespmem:$0x1A800] =	vst v63  }
0x6f: {  	s28 =	sadd.s32 $0x180, s16  }
0x70: {  	[spmem:s2] =	stream.indirect.scatter.add.f32 [tilespmem:s12], [sflag:$0x1], $0x80, s28, s13, $0xb8;
	[tilespmem:$0x1A800] =	vst v63  }
0x71: {  	s29 =	sadd.s32 $0x200, s16  }
0x72: {  	[spmem:s2] =	stream.indirect.scatter.add.f32 [tilespmem:s12], [sflag:$0x1], $0x80, s29, s13, $0xb8;
	[tilespmem:$0x1A800] =	vst v63  }
0x73: {  	s30 =	sadd.s32 $0x280, s16  }
0x74: {  	[spmem:s2] =	stream.indirect.scatter.add.f32 [tilespmem:s12], [sflag:$0x1], $0x80, s30, s13, $0xb8;
	[tilespmem:$0x1A800] =	vst v63  }
0x75: {  	s31 =	sadd.s32 $0x300, s16  }
0x76: {  	[spmem:s2] =	stream.indirect.scatter.add.f32 [tilespmem:s12], [sflag:$0x1], $0x80, s31, s13, $0xb8;
	[tilespmem:$0x1A800] =	vst v63  }
0x77: {  	s16 =	sadd.s32 $0x380, s16  }
0x78: {  	[spmem:s2] =	stream.indirect.scatter.add.f32 [tilespmem:s12], [sflag:$0x1], $0x80, s16, s13, $0xb8;
	[tilespmem:$0x1A800] =	vst v63  }
0x79: {  	_ =	swait.ge [sflag:s14], $0x4000  }
0x7a: {  	[sflag:s14] =	ssyncset.done $0x0  }
0x7b: {  	[sflag:s14] =	ssyncadd.s32 $0xFFFFC000  }
0x7c: {  	_ =	swait.ge [sflag:s14], $0x4000  }
0x7d: {  	[sflag:s14] =	ssyncset.done $0x0  }
0x7e: {  	[sflag:s14] =	ssyncadd.s32 $0xFFFFC000  }
0x7f: {  	_ =	swait.ge [sflag:s14], $0x4000  }
0x80: {  	[sflag:s14] =	ssyncset.done $0x0  }
0x81: {  	[sflag:s14] =	ssyncadd.s32 $0xFFFFC000  }
0x82: {  	_ =	swait.ge [sflag:s14], $0x4000  }
0x83: {  	[sflag:s14] =	ssyncset.done $0x0  }
0x84: {  	[sflag:s14] =	ssyncadd.s32 $0xFFFFC000  }
0x85: {  	_ =	swait.ge [sflag:s14], $0x4000  }
0x86: {  	[sflag:s14] =	ssyncset.done $0x0  }
0x87: {  	[sflag:s14] =	ssyncadd.s32 $0xFFFFC000  }
0x88: {  	_ =	swait.ge [sflag:s14], $0x4000  }
0x89: {  	[sflag:s14] =	ssyncset.done $0x0  }
0x8a: {  	[sflag:s14] =	ssyncadd.s32 $0xFFFFC000  }
0x8b: {  	_ =	swait.ge [sflag:s14], $0x4000  }
0x8c: {  	[sflag:s14] =	ssyncset.done $0x0  }
0x8d: {  	[sflag:s14] =	ssyncadd.s32 $0xFFFFC000  }
0x8e: {  	_ =	swait.ge [sflag:s14], $0x4000  }
0x8f: {  	s15 =	sadd.s32 $0x1, s15;
	[sflag:s14] =	ssyncset.done $0x0  }
0x90: {  	p0 =	sne.s32 s15, s9;
	[sflag:s14] =	ssyncadd.s32 $0xFFFFC000  }
.Ltmp1:
0x91: {  	[bflag:$0x0] =	sbarrier.arrive $0xFFFF;
	(pc) =	sbr.rel @p0 .LBB2_1-.Ltmp1, $4  }
0x92: {  	[hbm:s8], [sflag:s6] =	dma.local [spmem:s10], $0x2800  }
0x93: {  	_ =	swait.ge [sflag:s11], $0x2800  }
0x94: {  	[sflag:s11] =	ssyncset.done $0x0  }
0x95: {  	[sflag:s11] =	ssyncadd.s32 $0xFFFFD800  }
0x96: {  	_ =	sfence.sel $0x180000  }
0x97: {  	[bflag:$0x0] =	sbarrier.arrive $0xFFFF  }
0x98: {  	p0 =	sne.s32 s0, $0x0;
	_ =	strace $0x9000004A  }
0x99: {  	s0 =	sadd.s32 @!p0 $0x100000, s1;
	[bflag:$0x2] =	sbarrier.arrive $0xFFFF  }
0x9a: {  	[sflag:s0] =	ssyncadd.tile.s32 @!p0 $0x1;
	_ =	shalt  }
.Lfunc_end2:
_tile_overlayer_lowered:
.L_overlay_start_2:
0x9b: {  	(tag) =	ssettag $0x2  }
0x9c: {  	s0 =	rddreg [dreg:$0x0];
	s2 =	stileid.u32  }
0x9d: {  	s1 =	rddreg [dreg:$0x1];
	p0 =	sne.s32 s2, $0x0  }
0x9e: {  	s3 =	rddreg [dreg:$0x2];
	[bflag:$0x3] =	sbarrier.arrive $0xFFFF;
	s2 =	simm.s32 @!p0 $0x1C02  }
0x9f: {  	[timem:s3], [sflag:s2] =	dma.local @!p0 [hbm:s0], s1  }
0xa0: {  	s0 =	simm.s32 @!p0 $0x2  }
0xa1: {  	_ =	swait.ge @!p0 [sflag:s0], s1  }
0xa2: {  	s1 =	ssub.s32 @!p0 $0x0, s1;
	[sflag:s0] =	ssyncset.done @!p0 $0x0  }
0xa3: {  	[sflag:s0] =	ssyncadd.s32 @!p0 s1  }
0xa4: {  	[bflag:$0x3] =	sbarrier.arrive $0xFFFF  }
0xa5: {  	_ =	shalt  }

// kernel: kernel.15.cloned.1.call-start
scs
__scs_entry_jumppad:
0x0: {  	(pc) =	sbr.rel $0x88, $3  }
0x1: {  	(tag) =	ssettag $0x0;
	lr =	simm.s32 $0x1  }
0x2: {  	[smem:$0x3F9B] =	sst lr;
	_ =	strace $0xD0000000  }
0x3: {  	_ = 	snop  }
0x4: {  	_ = 	snop  }
0x5: {  	_ = 	snop  }
0x6: {  	_ = 	snop  }
0x7: {  	_ = 	snop  }
__scs_overlays_trampoline_lowered:
0x8: {  	[smem:$0x3FAA] =	sst s0  }
0x9: {  	[smem:$0x3FAB] =	sst s1  }
0xa: {  	[smem:$0x3FAC] =	sst s2  }
0xb: {  	[smem:$0x3FAD] =	sst s3  }
0xc: {  	[smem:$0x3FAE] =	sst s4  }
0xd: {  	[smem:$0x3FAF] =	sst s5  }
0xe: {  	[smem:$0x3FB0] =	sst s6  }
0xf: {  	[smem:$0x3FB1] =	sst s7  }
0x10: {  	[smem:$0x3FB2] =	sst s8  }
0x11: {  	[smem:$0x3FB3] =	sst s9;
	s0 =	simm.s32 @!p0 $0x0  }
0x12: {  	s1 =	sld [smem:$0x3F99];
	s0 =	simm.s32 @p0 $0x1  }
0x13: {  	[smem:$0x3FB4] =	sst s0;
	s0 =	simm.s32 @!p1 $0x0  }
0x14: {  	s2 =	sld [smem:$0x3F98];
	s0 =	simm.s32 @p1 $0x1  }
0x15: {  	[smem:$0x3FB5] =	sst s0;
	s0 =	simm.s32 @!p2 $0x0  }
0x16: {  	s3 =	sld [smem:$0x3FDB];
	s0 =	simm.s32 @p2 $0x1  }
0x17: {  	s4 =	simm.s32 $0x1BF5;
	[smem:$0x3FB7] =	sst s0  }
0x18: {  	s0 =	sld [smem:$0x3F9A];
	_ =	swait.ge [sflag:s4], $0x0  }
0x19: {  	s7 =	sld [smem:$0x3F9B]  }
0x1a: {  	s8 =	sadd.s32 $0xFFFFE003, lr  }
0x1b: {  	s9 =	sadd.s32 $0xFFFFFEF7, lr;
	s5 =	simm.s32 $0xFFFFFFFF;
	p2 =	slt.u32 s8, $0xFFFFF086  }
0x1c: {  	p1 =	slt.u32 s9, $0xF7A;
	s5 =	simm.s32 @!p2 $0x0  }
0x1d: {  	s5 =	simm.s32 @p1 $0x1;
	p0 =	seq.s32 s7, s2  }
0x1e: {  	s7 =	smul.u32 @!p0 $0xF7A, s2;
	p2 =	seq.s32 @!p0 s5, $0x0  }
0x1f: {  	s9 =	smul.u32 $0xF7A, s1;
	s8 =	simm.s32 @!p0 $0x1BF5;
	p2 =	por !p2, p0  }
0x20: {  	[sflag:s8] =	ssyncset.s32 @!p0 $0xFFFFF086;
	s6 =	sadd.s32 @!p0 s3, s7;
	s7 =	simm.s32 @!p0 $0x108  }
0x21: {  	s3 =	sadd.s32 s3, s9;
	s6 =	sadd.s32 @!p0 $0x88, s6;
	s7 =	simm.s32 @p2 $0x1082  }
0x22: {  	[simem:s7], [sflag:s8] =	dma.local @!p0 [hbm:s6], $0xF7A  }
0x23: {  	s9 =	sor.u32 $0xD0000000, s2;
	s6 =	simm.s32 $0x108;
	_ =	swait.ge @!p0 [sflag:s8], $0x0  }
0x24: {  	s3 =	sadd.s32 $0x88, s3;
	s6 =	simm.s32 @!p1 $0x1082;
	[sflag:s4] =	ssyncset.s32 $0xFFFFF086  }
0x25: {  	[simem:s6], [sflag:s4] =	dma.local [hbm:s3], $0xF7A  }
0x26: {  	[smem:$0x3F9B] =	sst s1;
	(tag) =	ssettag s2;
	_ =	strace s9  }
0x27: {  	s1 =	sld [smem:$0x3FAB]  }
0x28: {  	s2 =	sld [smem:$0x3FAC]  }
0x29: {  	s4 =	sld [smem:$0x3FAE]  }
0x2a: {  	p0 =	seq.s32 s5, $0x0;
	s5 =	sld [smem:$0x3FAF]  }
0x2b: {  	s6 =	sld [smem:$0x3FB0]  }
0x2c: {  	s7 =	sld [smem:$0x3FB1]  }
0x2d: {  	s3 =	simm.s32 $0x108;
	s8 =	sld [smem:$0x3FB2]  }
0x2e: {  	s3 =	simm.s32 @!p0 $0x1082;
	s9 =	sld [smem:$0x3FB3]  }
0x2f: {  	lr =	sadd.s32 s0, s3;
	s0 =	sld [smem:$0x3FAA]  }
0x30: {  	s3 =	sld [smem:$0x3FAD]  }
0x31: {  	[smem:$0x3FB6] =	sst s10  }
0x32: {  	s10 =	sld [smem:$0x3FB4];
	_ =	sdelay $0x3  }
0x33: {  	p0 =	seq.s32 s10, $0x1;
	s10 =	sld [smem:$0x3FB6];
	_ =	sdelay $0x3  }
0x34: {  	[smem:$0x3FB6] =	sst s10  }
0x35: {  	s10 =	sld [smem:$0x3FB5];
	_ =	sdelay $0x3  }
0x36: {  	p1 =	seq.s32 s10, $0x1;
	s10 =	sld [smem:$0x3FB6];
	_ =	sdelay $0x3  }
0x37: {  	[smem:$0x3FB6] =	sst s10  }
0x38: {  	s10 =	sld [smem:$0x3FB7]  }
0x39: {  	_ = 	snop;
	(pc) =	sbr.ind lr, $3  }
0x3a: {  	_ = 	snop  }
0x3b: {  	_ = 	snop  }
0x3c: {  	p2 =	seq.s32 s10, $0x1;
	s10 =	sld [smem:$0x3FB6]  }
0x3d: {  	_ =	shalt  }
0x3e: {  	_ =	shalt  }
0x3f: {  	_ =	shalt  }
0x40: {  	_ =	shalt  }
0x41: {  	_ =	shalt  }
0x42: {  	_ =	shalt  }
0x43: {  	_ =	shalt  }
0x44: {  	_ =	shalt  }
0x45: {  	_ =	shalt  }
0x46: {  	_ =	shalt  }
0x47: {  	_ =	shalt  }
0x48: {  	_ =	shalt  }
0x49: {  	_ =	shalt  }
0x4a: {  	_ =	shalt  }
0x4b: {  	_ =	shalt  }
0x4c: {  	_ =	shalt  }
0x4d: {  	_ =	shalt  }
0x4e: {  	_ =	shalt  }
0x4f: {  	_ =	shalt  }
0x50: {  	_ =	shalt  }
0x51: {  	_ =	shalt  }
0x52: {  	_ =	shalt  }
0x53: {  	_ =	shalt  }
0x54: {  	_ =	shalt  }
0x55: {  	_ =	shalt  }
0x56: {  	_ =	shalt  }
0x57: {  	_ =	shalt  }
0x58: {  	_ =	shalt  }
0x59: {  	_ =	shalt  }
0x5a: {  	_ =	shalt  }
0x5b: {  	_ =	shalt  }
0x5c: {  	_ =	shalt  }
0x5d: {  	_ =	shalt  }
0x5e: {  	_ =	shalt  }
0x5f: {  	_ =	shalt  }
0x60: {  	_ =	shalt  }
0x61: {  	_ =	shalt  }
0x62: {  	_ =	shalt  }
0x63: {  	_ =	shalt  }
0x64: {  	_ =	shalt  }
0x65: {  	_ =	shalt  }
0x66: {  	_ =	shalt  }
0x67: {  	_ =	shalt  }
0x68: {  	_ =	shalt  }
0x69: {  	_ =	shalt  }
0x6a: {  	_ =	shalt  }
0x6b: {  	_ =	shalt  }
0x6c: {  	_ =	shalt  }
0x6d: {  	_ =	shalt  }
0x6e: {  	_ =	shalt  }
0x6f: {  	_ =	shalt  }
0x70: {  	_ =	shalt  }
0x71: {  	_ =	shalt  }
0x72: {  	_ =	shalt  }
0x73: {  	_ =	shalt  }
0x74: {  	_ =	shalt  }
0x75: {  	_ =	shalt  }
0x76: {  	_ =	shalt  }
0x77: {  	_ =	shalt  }
0x78: {  	_ =	shalt  }
0x79: {  	_ =	shalt  }
0x7a: {  	_ =	shalt  }
0x7b: {  	_ =	shalt  }
0x7c: {  	_ =	shalt  }
0x7d: {  	_ =	shalt  }
0x7e: {  	_ =	shalt  }
0x7f: {  	_ =	shalt  }
0x80: {  	_ =	shalt  }
0x81: {  	_ =	shalt  }
0x82: {  	_ =	shalt  }
0x83: {  	_ =	shalt  }
0x84: {  	_ =	shalt  }
0x85: {  	_ =	shalt  }
0x86: {  	_ =	shalt  }
0x87: {  	_ =	shalt  }
.Lfunc_end0:
.L_simem_size_0:
called_computation.2_lowered:
.L_overlay_start_0:
0x88: {  	s2 =	sld [smem:$0x3FD9]  }
0x89: {  	s3 =	sld [smem:$0x3FFE];
	_ =	sdelay $0x1  }
0x8a: {  	s1 =	srdreg.scid  }
0x8b: {  	s0 =	sand.u32 $0x1, s1  }
0x8c: {  	s17 =	sshll.u32 s0, $0xA;
	s2 =	sadd.s32 s3, s2  }
0x8d: {  	s2 =	sadd.s32 s2, s17  }
0x8e: {  	[smem:$0x3FC2] =	sst s2  }
0x8f: {  	_ = 	snop  }
0x90: {  	(tm) =	ssettm $0x1  }
0x91: {  	s18 =	sld [smem:$0x3FFB];
	_ =	sdelay $0x3  }
0x92: {  	_ =	strace s18  }
0x93: {  	s2 =	sld [smem:$0x3FFC];
	_ =	sdelay $0x3  }
0x94: {  	_ =	strace s2  }
0x95: {  	s2 =	sld [smem:$0x3FFD];
	_ =	sdelay $0x3  }
0x96: {  	_ =	strace s2  }
0x97: {  	_ =	strace $0x8FFFFFFF  }
0x98: {  	s19 =	sld [smem:$0x3FDB];
	_ =	sdelay $0x1  }
0x99: {  	s20 =	simm.s32 $_scs_section_size  }
0x9a: {  	s4 =	simm.s32 $_size__tile_overlayer_lowered;
	s5 =	simm.s32 $_tile_overlayer_lowered  }
0x9b: {  	s6 =	simm.s32 $0x1BFF;
	s21 =	sshll.u32 s5, $0x1;
	s3 =	sadd.s32 s20, s19  }
0x9c: {  	s22 =	simm.s32 $0x0;
	s4 =	sshll.u32 s4, $0x1;
	s5 =	sadd.s32 s21, s3  }
0x9d: {  	[timem:s22], [sflag:s6] =	dma.local [hbm:s5], s4  }
0x9e: {  	_ =	swait.ge [sflag:s6], s4  }
0x9f: {  	s4 =	ssub.s32 $0x0, s4;
	[sflag:s6] =	ssyncset.done $0x0  }
0xa0: {  	[sflag:s6] =	ssyncadd.s32 s4;
	_ =	sdelay $0x1  }
0xa1: {  	s23 =	simm.s32 $0x1B8B  }
0xa2: {  	_ =	swait.ge [sflag:s23], $0x1  }
0xa3: {  	[sflag:s23] =	ssyncset.done $0x0  }
0xa4: {  	[sflag:s23] =	ssyncadd.s32 $0xFFFFFFFF  }
0xa5: {  	s4 =	sld [smem:$0x0]  }
0xa6: {  	s5 =	sand.u32 $0xFFFFFFFE, s1  }
0xa7: {  	p0 =	sne.s32 s1, s5  }
0xa8: {  	s5 =	sshll.u32 @p0 s5, $0xE  }
0xa9: {  	s5 =	sadd.s32 @p0 $0x11B8D, s5;
	s6 =	sshll.u32 @p0 s4, $0x11  }
0xaa: {  	s5 =	sor.u32 @p0 s6, s5  }
0xab: {  	[sflag:s5] =	ssyncadd.remote.s32 @p0 $0x1;
	_ =	sdelay $0x1  }
0xac: {  	s5 =	simm.s32 @p0 $0x1B8D  }
0xad: {  	_ =	swait.eq @p0 [sflag:s5], $0x1  }
0xae: {  	[sflag:s5] =	ssyncadd.s32 @p0 $0xFFFFFFFF  }
0xaf: {  	s6 =	sshll.u32 @!p0 s1, $0xE  }
0xb0: {  	s6 =	sor.u32 @!p0 $0x4000, s6;
	s5 =	simm.s32 @!p0 $0x1B8D  }
0xb1: {  	s4 =	sshll.u32 @!p0 s4, $0x11;
	s6 =	sadd.s32 @!p0 $0x11B8D, s6;
	_ =	swait.eq @!p0 [sflag:s5], $0x1  }
0xb2: {  	s4 =	sor.u32 @!p0 s4, s6;
	[sflag:s5] =	ssyncadd.s32 @!p0 $0xFFFFFFFF  }
0xb3: {  	s25 =	simm.s32 $0x1B8E;
	s24 =	sld [smem:$0x3FFE];
	[sflag:s4] =	ssyncadd.remote.s32 @!p0 $0x1  }
0xb4: {  	s26 =	simm.s32 $execute0_lowered;
	[smem:$0x3FD2] =	sst s25  }
0xb5: {  	s5 =	sshll.u32 s26, $0x1;
	_ =	strace $0x8000004C;
	[dreg:$0x1] =	wrdreg $0xFFFFFFFF  }
0xb6: {  	s28 =	simm.s32 $_size_execute0_lowered;
	s3 =	sadd.s32 s3, s5;
	[dreg:$0x0] =	wrdreg $0x0  }
0xb7: {  	s5 =	sshll.u32 s28, $0x1;
	[dreg:$0x2] =	wrdreg s3  }
0xb8: {  	[dreg:$0x3] =	wrdreg s5  }
0xb9: {  	[dreg:$0x4] =	wrdreg $0xC0  }
0xba: {  	_ =	task [dreg:s22], $0x5FFFF  }
0xbb: {  	[dreg:$0x1] =	wrdreg $0xFFFFFFFF  }
0xbc: {  	[dreg:$0x0] =	wrdreg $0x60  }
0xbd: {  	[dreg:$0x2] =	wrdreg s24  }
0xbe: {  	[dreg:$0x3] =	wrdreg $0x54000  }
0xbf: {  	[dreg:$0x4] =	wrdreg $0xA  }
0xc0: {  	_ =	task.clear_ibuf [dreg:s22], $0x5FFFF;
	_ =	strace $0x9000004C  }
0xc1: {  	s29 =	simm.s32 $0xA;
	_ =	strace $0x8000004E  }
0xc2: {  	_ =	swait.ge [sflag:s29], $0x1  }
0xc3: {  	[sflag:s29] =	ssyncadd.s32 $0xFFFFFFFF  }
0xc4: {  	_ =	strace $0x9000004E  }
0xc5: {  	_ =	sfence  }
0xc6: {  	s30 =	sld [smem:$0x0];
	_ =	sdelay $0x2  }
0xc7: {  	s31 =	sshll.u32 s1, $0xD;
	s1 =	sshrl.u32 s1, $0x2  }
0xc8: {  	s4 =	sand.u32 $0x4000, s31;
	s1 =	sadd.s32 s1, s30  }
0xc9: {  	s0 =	sor.u32 s4, s0;
	s1 =	sshll.u32 s1, $0x11  }
0xca: {  	s0 =	sor.u32 s1, s0  }
0xcb: {  	s0 =	sadd.s32 $0x8F2B, s0  }
0xcc: {  	[sflag:s0] =	ssyncadd.remote.s32 $0x1  }
0xcd: {  	_ =	sfence.sel $0xFFFF  }
0xce: {  	[dreg:$0x0] =	wrdreg $0xFFFFFFFF;
	(pc) =	sbr.abs _section_cstart, $3  }
0xcf: {  	[dreg:$0x1] =	wrdreg $0xFFFFFFFF  }
0xd0: {  	_ =	task.clear_ibuf [dreg:s22], $0x2FFFF;
	_ =	strace $0x9FFFFFFF  }
0xd1: {  	(tm) =	ssettm $0x7FFFFFFF  }
tec
execute0_lowered:
.L_overlay_start_1:
0x0: {  	(tag) =	ssettag $0x1  }
0x1: {  	s0 =	rddreg [dreg:$0x0]  }
0x2: {  	s1 =	rddreg [dreg:$0x1]  }
0x3: {  	s3 =	simm.s32 $0x0;
	s2 =	srdreg.scid;
	s10 =	stileid.u32  }
0x4: {  	s28 =	simm.s32 $0x1;
	s29 =	simm.s32 $0x5;
	s30 =	simm.s32 $0x50  }
0x5: {  	s31 =	simm.s32 $0x400;
	[smem:$0x7FF] =	sst s3;
	s2 =	sand.u32 $0x1, s2  }
0x6: {  	s4 =	sadd.s32 $0xC3E00, s0;
	s6 =	smul.u32 $0x14000, s10;
	s11 =	sadd.s32 $0x3200, s0  }
0x7: {  	s12 =	sadd.s32 $0xD000, s0;
	s7 =	sshll.u32 s10, $0x1;
	s26 =	smul.u32 $0x50000, s10  }
0x8: {  	s8 =	sadd.s32 $0x17600, s0;
	s13 =	smul.u32 $0x4E20, s10;
	s18 =	sshll.u32 s10, $0x6  }
0x9: {  	s10 =	simm.s32 $0x180;
	s5 =	smul.u32 $0x140000, s2;
	_ =	strace $0x8000004D  }
0xa: {  	[dreg:$0x3] =	wrdreg s8;
	s23 =	sor.u32 s2, s7;
	s24 =	ssub.s32 $0x2, s2  }
0xb: {  	s2 =	smul.u32 $0x2710, s2;
	s7 =	simm.s32 $0x2;
	s8 =	simm.s32 $0x6  }
0xc: {  	s25 =	sshrl.u32 s24, $0x1;
	s17 =	sshrl.u32 s26, $0x2;
	s5 =	sadd.s32 s6, s5  }
0xd: {  	s6 =	smul.u32 $0x2710, s23;
	s2 =	sadd.s32 s2, s13;
	s13 =	simm.s32 $0x8  }
0xe: {  	s5 =	sshrl.u32 s5, $0x3;
	s19 =	sadd.s32 $0x190, s2;
	s23 =	sadd.s32 $0xF0, s2  }
0xf: {  	s0 =	sadd.s32 s5, s0;
	s5 =	ssub.s32 s24, s25;
	s6 =	sshrl.u32 s6, $0x3  }
0x10: {  	s21 =	sshrl.u32 s19, $0x3;
	s24 =	sadd.s32 $0x140, s2;
	s2 =	sadd.s32 $0xA0, s2  }
0x11: {  	s9 =	sadd.s32 s11, s6;
	s14 =	sadd.s32 $0xA, s6;
	[dreg:$0xe] =	wrdreg s24  }
0x12: {  	s6 =	sadd.s32 s12, s6;
	s0 =	sadd.s32 $0xEBE00, s0;
	[dreg:$0x4] =	wrdreg s9  }
0x13: {  	s20 =	smax.u32 s5, $0x1;
	s22 =	sadd.s32 s21, s12;
	[dreg:$0x5] =	wrdreg s6  }
0x14: {  	s26 =	sshrl.u32 s2, $0x3;
	s24 =	simm.s32 $0x80;
	[dreg:$0xa] =	wrdreg s0  }
0x15: {  	s5 =	simm.s32 $0xA;
	s15 =	sadd.s32 s11, s14;
	[dreg:$0xb] =	wrdreg s20  }
0x16: {  	s16 =	sadd.s32 s12, s14;
	s6 =	sadd.s32 s17, s1;
	[dreg:$0xc] =	wrdreg s22  }
0x17: {  	s0 =	sadd.s32 s21, s11;
	s21 =	smov.u32 s12;
	s2 =	sadd.s32 s26, s12  }
0x18: {  	s20 =	smov.u32 s11;
	s22 =	sadd.s32 s26, s11;
	[dreg:$0x6] =	wrdreg s15  }
0x19: {  	s26 =	simm.s32 $0xB;
	s9 =	simm.s32 $0x2C00;
	[dreg:$0x7] =	wrdreg s16  }
0x1a: {  	s14 =	simm.s32 $0x7;
	s17 =	simm.s32 $0x0;
	[dreg:$0x8] =	wrdreg s6  }
0x1b: {  	s16 =	sor.u32 $0x1C0B, s18;
	[dreg:$0xd] =	wrdreg s0;
	s0 =	sshrl.u32 s23, $0x3  }
.Ltmp0:
0x1c: {  	[dreg:$0x11] =	wrdreg s2;
	s23 =	simm.s32 $0x200;
	(pc) =	sbr.rel .LBB2_1-.Ltmp0, $4  }
0x1d: {  	s2 =	simm.s32 $0x300;
	s15 =	simm.s32 $0x9;
	s18 =	simm.s32 $0x4  }
0x1e: {  	s25 =	sadd.s32 s0, s12;
	s0 =	sadd.s32 s0, s11;
	[dreg:$0x9] =	wrdreg s16  }
0x1f: {  	s11 =	simm.s32 $0x380;
	s12 =	simm.s32 $0x3;
	[dreg:$0xf] =	wrdreg s25  }
0x20: {  	[dreg:$0x10] =	wrdreg s0;
	s25 =	simm.s32 $0x280;
	s0 =	simm.s32 $0x100  }
.LBB2_4:
0x21: {  	_ =	swait.ge [sflag:s28], $0x50  }
0x22: {  	[sflag:s28] =	ssyncset.done $0x0  }
0x23: {  	[sflag:s28] =	ssyncadd.s32 $0xFFFFFFB0  }
0x24: {  	_ =	swait.ge [sflag:s29], $0x50  }
0x25: {  	[sflag:s29] =	ssyncset.done $0x0  }
0x26: {  	[sflag:s29] =	ssyncadd.s32 $0xFFFFFFB0  }
0x27: {  	_ =	swait.ge [sflag:s15], $0x2800  }
0x28: {  	[sflag:s15] =	ssyncset.done $0x0  }
0x29: {  	[sflag:s15] =	ssyncadd.s32 $0xFFFFD800  }
0x2a: {  	[tilespmem:s31], [sflag:$0xB] =	stream.indirect.gather [hbm4b:s4+s30], $0x80, s3, s30, $0xb8;
	[tilespmem:$0x19400] =	vst v63  }
0x2b: {  	_ =	swait.ge [sflag:s26], $0x2800  }
0x2c: {  	[sflag:s26] =	ssyncset.done $0x0  }
0x2d: {  	[sflag:s26] =	ssyncadd.s32 $0xFFFFD800  }
0x2e: {  	[spmem:s1] =	stream.indirect.scatter.add.f32 [tilespmem:s31], [sflag:$0xB], $0x80, s23, s30, $0xb8;
	[tilespmem:$0x19400] =	vst v63  }
0x2f: {  	_ =	swait.ge [sflag:s26], $0x2800  }
0x30: {  	[sflag:s26] =	ssyncset.done $0x0  }
0x31: {  	[sflag:s26] =	ssyncadd.s32 $0xFFFFD800  }
0x32: {  	_ =	swait.ge [sflag:s5], $0x2800  }
0x33: {  	[sflag:s5] =	ssyncset.done $0x0  }
0x34: {  	[sflag:s5] =	ssyncadd.s32 $0xFFFFD800  }
0x35: {  	[bflag:$0x0] =	sbarrier.arrive $0xFFFF  }
0x36: {  	s16 =	rddreg [dreg:$0x9]  }
0x37: {  	s6 =	rddreg [dreg:$0xa]  }
0x38: {  	s17 =	rddreg [dreg:$0x13]  }
0x39: {  	[hbm:s6], [sflag:s16] =	dma.local [spmem:s17], $0x2800  }
0x3a: {  	_ =	swait.ge [sflag:s26], $0x2800  }
0x3b: {  	s6 =	rddreg [dreg:$0x12]  }
0x3c: {  	s19 =	rddreg [dreg:$0xb];
	s17 =	sadd.s32 $0x1, s6  }
0x3d: {  	p0 =	sne.s32 s17, s19  }
.Ltmp1:
0x3e: {  	_ = 	snop;
	(pc) =	sbr.rel @!p0 .LBB2_5-.Ltmp1, $3  }
0x3f: {  	_ =	sdelay $0x1  }
0x40: {  	[sflag:s26] =	ssyncset.done $0x0  }
0x41: {  	[sflag:s26] =	ssyncadd.s32 $0xFFFFD800  }
.LBB2_1:
0x42: {  	[dreg:$0x12] =	wrdreg s17  }
0x43: {  	s6 =	rddreg [dreg:$0x4]  }
0x44: {  	s17 =	rddreg [dreg:$0x5]  }
0x45: {  	[tilespmem:s3], [sflag:$0x1] =	stream.linear.gather [hbm4b:s6+s3], $0x50, $0x38;
	[tilespmem:$0x19400] =	vst v63  }
0x46: {  	s19 =	rddreg [dreg:$0x6]  }
0x47: {  	[tilespmem:s23], [sflag:$0x5] =	stream.linear.gather [hbm4b:s17+s3], $0x50, $0x38;
	[tilespmem:$0x19400] =	vst v63  }
0x48: {  	s17 =	rddreg [dreg:$0x7]  }
0x49: {  	[tilespmem:s24], [sflag:$0x2] =	stream.linear.gather [hbm4b:s19+s3], $0x50, $0x38;
	[tilespmem:$0x19400] =	vst v63  }
0x4a: {  	s19 =	rddreg [dreg:$0x8]  }
0x4b: {  	s6 =	sshrl.u32 s19, $0x3;
	s19 =	rddreg [dreg:$0x3]  }
0x4c: {  	[tilespmem:s25], [sflag:$0x6] =	stream.linear.gather [hbm4b:s17+s3], $0x50, $0x38;
	[tilespmem:$0x19400] =	vst v63  }
0x4d: {  	[dreg:$0x13] =	wrdreg s6  }
0x4e: {  	[spmem:s6], [sflag:s16] =	dma.local [hbm:s19], $0x2800  }
0x4f: {  	_ =	swait.ge [sflag:s26], $0x2800  }
0x50: {  	[sflag:s26] =	ssyncset.done $0x0  }
0x51: {  	[sflag:s26] =	ssyncadd.s32 $0xFFFFD800  }
0x52: {  	[bflag:$0x0] =	sbarrier.arrive $0xFFFF  }
0x53: {  	s16 =	simm.s32 $0x0;
	s6 =	rddreg [dreg:$0xe]  }
.LBB2_2:
0x54: {  	_ =	swait.ge [sflag:s28], $0x50  }
0x55: {  	[sflag:s28] =	ssyncset.done $0x0  }
0x56: {  	[sflag:s28] =	ssyncadd.s32 $0xFFFFFFB0  }
0x57: {  	_ =	swait.ge [sflag:s29], $0x50  }
0x58: {  	p0 =	seq.s32 s16, $0x0;
	[sflag:s29] =	ssyncset.done $0x0  }
0x59: {  	s17 =	simm.s32 @!p0 $0x9;
	[sflag:s29] =	ssyncadd.s32 $0xFFFFFFB0  }
0x5a: {  	_ =	swait.ge @!p0 [sflag:s17], $0x2800  }
0x5b: {  	[sflag:s17] =	ssyncset.done @!p0 $0x0  }
0x5c: {  	[sflag:s17] =	ssyncadd.s32 @!p0 $0xFFFFD800  }
0x5d: {  	[tilespmem:s31], [sflag:$0xB] =	stream.indirect.gather [hbm4b:s4+s30], $0x80, s3, s30, $0xb8;
	[tilespmem:$0x19400] =	vst v63  }
0x5e: {  	_ =	swait.ge [sflag:s26], $0x2800  }
0x5f: {  	[sflag:s26] =	ssyncset.done $0x0  }
0x60: {  	[sflag:s26] =	ssyncadd.s32 $0xFFFFD800  }
0x61: {  	[spmem:s1] =	stream.indirect.scatter.add.f32 [tilespmem:s31], [sflag:$0x9], $0x80, s23, s30, $0xb8;
	[tilespmem:$0x19400] =	vst v63  }
0x62: {  	s19 =	sadd.s32 s16, s22  }
0x63: {  	[tilespmem:s0], [sflag:$0x3] =	stream.linear.gather [hbm4b:s19+s3], $0x50, $0x38;
	[tilespmem:$0x19400] =	vst v63  }
0x64: {  	s19 =	rddreg [dreg:$0x11]  }
0x65: {  	s17 =	sadd.s32 s16, s19  }
0x66: {  	[tilespmem:s2], [sflag:$0x7] =	stream.linear.gather [hbm4b:s17+s3], $0x50, $0x38;
	[tilespmem:$0x19400] =	vst v63  }
0x67: {  	_ =	swait.ge [sflag:s7], $0x50  }
0x68: {  	[sflag:s7] =	ssyncset.done $0x0  }
0x69: {  	[sflag:s7] =	ssyncadd.s32 $0xFFFFFFB0  }
0x6a: {  	_ =	swait.ge [sflag:s8], $0x50  }
0x6b: {  	[sflag:s8] =	ssyncset.done $0x0  }
0x6c: {  	s17 =	simm.s32 @!p0 $0xA;
	[sflag:s8] =	ssyncadd.s32 $0xFFFFFFB0  }
0x6d: {  	_ =	swait.ge @!p0 [sflag:s17], $0x2800  }
0x6e: {  	[sflag:s17] =	ssyncset.done @!p0 $0x0  }
0x6f: {  	[sflag:s17] =	ssyncadd.s32 @!p0 $0xFFFFD800  }
0x70: {  	[tilespmem:s9], [sflag:$0xB] =	stream.indirect.gather [hbm4b:s4+s30], $0x80, s24, s30, $0xb8;
	[tilespmem:$0x19400] =	vst v63  }
0x71: {  	_ =	swait.ge [sflag:s26], $0x2800  }
0x72: {  	[sflag:s26] =	ssyncset.done $0x0  }
0x73: {  	s19 =	rddreg [dreg:$0x10];
	[sflag:s26] =	ssyncadd.s32 $0xFFFFD800  }
0x74: {  	[spmem:s1] =	stream.indirect.scatter.add.f32 [tilespmem:s9], [sflag:$0xA], $0x80, s25, s30, $0xb8;
	[tilespmem:$0x19400] =	vst v63  }
0x75: {  	s17 =	sadd.s32 s16, s19;
	s19 =	rddreg [dreg:$0xf]  }
0x76: {  	[tilespmem:s10], [sflag:$0x4] =	stream.linear.gather [hbm4b:s17+s3], $0x50, $0x38;
	[tilespmem:$0x19400] =	vst v63  }
0x77: {  	s17 =	sadd.s32 s16, s19  }
0x78: {  	[tilespmem:s11], [sflag:$0x8] =	stream.linear.gather [hbm4b:s17+s3], $0x50, $0x38;
	[tilespmem:$0x19400] =	vst v63  }
0x79: {  	_ =	swait.ge [sflag:s12], $0x50  }
0x7a: {  	[sflag:s12] =	ssyncset.done $0x0  }
0x7b: {  	[sflag:s12] =	ssyncadd.s32 $0xFFFFFFB0  }
0x7c: {  	_ =	swait.ge [sflag:s14], $0x50  }
0x7d: {  	[sflag:s14] =	ssyncset.done $0x0  }
0x7e: {  	[sflag:s14] =	ssyncadd.s32 $0xFFFFFFB0  }
0x7f: {  	_ =	swait.ge [sflag:s15], $0x2800  }
0x80: {  	[sflag:s15] =	ssyncset.done $0x0  }
0x81: {  	[sflag:s15] =	ssyncadd.s32 $0xFFFFD800  }
0x82: {  	[tilespmem:s31], [sflag:$0xB] =	stream.indirect.gather [hbm4b:s4+s30], $0x80, s0, s30, $0xb8;
	[tilespmem:$0x19400] =	vst v63  }
0x83: {  	_ =	swait.ge [sflag:s26], $0x2800  }
0x84: {  	[sflag:s26] =	ssyncset.done $0x0  }
0x85: {  	s17 =	sshrl.u32 s6, $0x3;
	[sflag:s26] =	ssyncadd.s32 $0xFFFFD800  }
0x86: {  	[spmem:s1] =	stream.indirect.scatter.add.f32 [tilespmem:s31], [sflag:$0x9], $0x80, s2, s30, $0xb8;
	[tilespmem:$0x19400] =	vst v63  }
0x87: {  	s19 =	sadd.s32 s20, s17  }
0x88: {  	[tilespmem:s3], [sflag:$0x1] =	stream.linear.gather [hbm4b:s19+s3], $0x50, $0x38;
	[tilespmem:$0x19400] =	vst v63  }
0x89: {  	s17 =	sadd.s32 s21, s17  }
0x8a: {  	[tilespmem:s23], [sflag:$0x5] =	stream.linear.gather [hbm4b:s17+s3], $0x50, $0x38;
	[tilespmem:$0x19400] =	vst v63  }
0x8b: {  	_ =	swait.ge [sflag:s18], $0x50  }
0x8c: {  	[sflag:s18] =	ssyncset.done $0x0  }
0x8d: {  	[sflag:s18] =	ssyncadd.s32 $0xFFFFFFB0  }
0x8e: {  	_ =	swait.ge [sflag:s13], $0x50  }
0x8f: {  	[sflag:s13] =	ssyncset.done $0x0  }
0x90: {  	[sflag:s13] =	ssyncadd.s32 $0xFFFFFFB0  }
0x91: {  	_ =	swait.ge [sflag:s5], $0x2800  }
0x92: {  	[sflag:s5] =	ssyncset.done $0x0  }
0x93: {  	p0 =	seq.s32 s16, $0x4B0;
	[sflag:s5] =	ssyncadd.s32 $0xFFFFD800  }
0x94: {  	[tilespmem:s9], [sflag:$0xB] =	stream.indirect.gather [hbm4b:s4+s30], $0x80, s10, s30, $0xb8;
	[tilespmem:$0x19400] =	vst v63  }
.Ltmp2:
0x95: {  	_ = 	snop;
	(pc) =	sbr.rel @p0 .LBB2_4-.Ltmp2, $4  }
0x96: {  	_ =	swait.ge [sflag:s26], $0x2800  }
0x97: {  	[sflag:s26] =	ssyncset.done $0x0  }
0x98: {  	[sflag:s26] =	ssyncadd.s32 $0xFFFFD800  }
0x99: {  	[spmem:s1] =	stream.indirect.scatter.add.f32 [tilespmem:s9], [sflag:$0xA], $0x80, s11, s30, $0xb8;
	[tilespmem:$0x19400] =	vst v63  }
.Ltmp3:
0x9a: {  	s17 =	rddreg [dreg:$0xd];
	(pc) =	sbr.rel .LBB2_2-.Ltmp3, $4  }
0x9b: {  	s19 =	rddreg [dreg:$0xc];
	s17 =	sadd.s32 s16, s17  }
0x9c: {  	[tilespmem:s24], [sflag:$0x2] =	stream.linear.gather [hbm4b:s17+s3], $0x50, $0x38;
	[tilespmem:$0x19400] =	vst v63  }
0x9d: {  	s6 =	sadd.s32 $0x140, s6;
	s17 =	sadd.s32 s16, s19;
	s16 =	sadd.s32 $0x28, s16  }
0x9e: {  	[tilespmem:s25], [sflag:$0x6] =	stream.linear.gather [hbm4b:s17+s3], $0x50, $0x38;
	[tilespmem:$0x19400] =	vst v63  }
.LBB2_5:
0x9f: {  	_ =	sfence.sel $0x180000  }
0xa0: {  	[bflag:$0x0] =	sbarrier.arrive $0xFFFF  }
0xa1: {  	_ =	strace $0x9000004D  }
0xa2: {  	s0 =	stileid.u32;
	[bflag:$0x2] =	sbarrier.arrive $0xFFFF  }
0xa3: {  	p0 =	sne.s32 s0, $0x0;
	s0 =	rddreg [dreg:$0x2]  }
0xa4: {  	s0 =	sadd.s32 @!p0 $0x100000, s0  }
0xa5: {  	[sflag:s0] =	ssyncadd.tile.s32 @!p0 $0x1;
	_ =	shalt  }
.Lfunc_end2:
_tile_overlayer_lowered:
.L_overlay_start_2:
0xa6: {  	(tag) =	ssettag $0x2  }
0xa7: {  	s0 =	rddreg [dreg:$0x0];
	s2 =	stileid.u32  }
0xa8: {  	s1 =	rddreg [dreg:$0x1];
	p0 =	sne.s32 s2, $0x0  }
0xa9: {  	s3 =	rddreg [dreg:$0x2];
	[bflag:$0x3] =	sbarrier.arrive $0xFFFF;
	s2 =	simm.s32 @!p0 $0x1C0B  }
0xaa: {  	[timem:s3], [sflag:s2] =	dma.local @!p0 [hbm:s0], s1  }
0xab: {  	s0 =	simm.s32 @!p0 $0xB  }
0xac: {  	_ =	swait.ge @!p0 [sflag:s0], s1  }
0xad: {  	s1 =	ssub.s32 @!p0 $0x0, s1;
	[sflag:s0] =	ssyncset.done @!p0 $0x0  }
0xae: {  	[sflag:s0] =	ssyncadd.s32 @!p0 s1  }
0xaf: {  	[bflag:$0x3] =	sbarrier.arrive $0xFFFF  }
0xb0: {  	_ =	shalt  }

// kernel: kernel.18.cloned.1.call-start
scs
__scs_entry_jumppad:
0x0: {  	(pc) =	sbr.rel $0x88, $3  }
0x1: {  	(tag) =	ssettag $0x0;
	lr =	simm.s32 $0x1  }
0x2: {  	[smem:$0x3F9B] =	sst lr;
	_ =	strace $0xD0000000  }
0x3: {  	_ = 	snop  }
0x4: {  	_ = 	snop  }
0x5: {  	_ = 	snop  }
0x6: {  	_ = 	snop  }
0x7: {  	_ = 	snop  }
__scs_overlays_trampoline_lowered:
0x8: {  	[smem:$0x3FAA] =	sst s0  }
0x9: {  	[smem:$0x3FAB] =	sst s1  }
0xa: {  	[smem:$0x3FAC] =	sst s2  }
0xb: {  	[smem:$0x3FAD] =	sst s3  }
0xc: {  	[smem:$0x3FAE] =	sst s4  }
0xd: {  	[smem:$0x3FAF] =	sst s5  }
0xe: {  	[smem:$0x3FB0] =	sst s6  }
0xf: {  	[smem:$0x3FB1] =	sst s7  }
0x10: {  	[smem:$0x3FB2] =	sst s8  }
0x11: {  	[smem:$0x3FB3] =	sst s9;
	s0 =	simm.s32 @!p0 $0x0  }
0x12: {  	s1 =	sld [smem:$0x3F99];
	s0 =	simm.s32 @p0 $0x1  }
0x13: {  	[smem:$0x3FB4] =	sst s0;
	s0 =	simm.s32 @!p1 $0x0  }
0x14: {  	s2 =	sld [smem:$0x3F98];
	s0 =	simm.s32 @p1 $0x1  }
0x15: {  	[smem:$0x3FB5] =	sst s0;
	s0 =	simm.s32 @!p2 $0x0  }
0x16: {  	s3 =	sld [smem:$0x3FDB];
	s0 =	simm.s32 @p2 $0x1  }
0x17: {  	s4 =	simm.s32 $0x1BF5;
	[smem:$0x3FB7] =	sst s0  }
0x18: {  	s0 =	sld [smem:$0x3F9A];
	_ =	swait.ge [sflag:s4], $0x0  }
0x19: {  	s7 =	sld [smem:$0x3F9B]  }
0x1a: {  	s8 =	sadd.s32 $0xFFFFE003, lr  }
0x1b: {  	s9 =	sadd.s32 $0xFFFFFEF7, lr;
	s5 =	simm.s32 $0xFFFFFFFF;
	p2 =	slt.u32 s8, $0xFFFFF086  }
0x1c: {  	p1 =	slt.u32 s9, $0xF7A;
	s5 =	simm.s32 @!p2 $0x0  }
0x1d: {  	s5 =	simm.s32 @p1 $0x1;
	p0 =	seq.s32 s7, s2  }
0x1e: {  	s7 =	smul.u32 @!p0 $0xF7A, s2;
	p2 =	seq.s32 @!p0 s5, $0x0  }
0x1f: {  	s9 =	smul.u32 $0xF7A, s1;
	s8 =	simm.s32 @!p0 $0x1BF5;
	p2 =	por !p2, p0  }
0x20: {  	[sflag:s8] =	ssyncset.s32 @!p0 $0xFFFFF086;
	s6 =	sadd.s32 @!p0 s3, s7;
	s7 =	simm.s32 @!p0 $0x108  }
0x21: {  	s3 =	sadd.s32 s3, s9;
	s6 =	sadd.s32 @!p0 $0x88, s6;
	s7 =	simm.s32 @p2 $0x1082  }
0x22: {  	[simem:s7], [sflag:s8] =	dma.local @!p0 [hbm:s6], $0xF7A  }
0x23: {  	s9 =	sor.u32 $0xD0000000, s2;
	s6 =	simm.s32 $0x108;
	_ =	swait.ge @!p0 [sflag:s8], $0x0  }
0x24: {  	s3 =	sadd.s32 $0x88, s3;
	s6 =	simm.s32 @!p1 $0x1082;
	[sflag:s4] =	ssyncset.s32 $0xFFFFF086  }
0x25: {  	[simem:s6], [sflag:s4] =	dma.local [hbm:s3], $0xF7A  }
0x26: {  	[smem:$0x3F9B] =	sst s1;
	(tag) =	ssettag s2;
	_ =	strace s9  }
0x27: {  	s1 =	sld [smem:$0x3FAB]  }
0x28: {  	s2 =	sld [smem:$0x3FAC]  }
0x29: {  	s4 =	sld [smem:$0x3FAE]  }
0x2a: {  	p0 =	seq.s32 s5, $0x0;
	s5 =	sld [smem:$0x3FAF]  }
0x2b: {  	s6 =	sld [smem:$0x3FB0]  }
0x2c: {  	s7 =	sld [smem:$0x3FB1]  }
0x2d: {  	s3 =	simm.s32 $0x108;
	s8 =	sld [smem:$0x3FB2]  }
0x2e: {  	s3 =	simm.s32 @!p0 $0x1082;
	s9 =	sld [smem:$0x3FB3]  }
0x2f: {  	lr =	sadd.s32 s0, s3;
	s0 =	sld [smem:$0x3FAA]  }
0x30: {  	s3 =	sld [smem:$0x3FAD]  }
0x31: {  	[smem:$0x3FB6] =	sst s10  }
0x32: {  	s10 =	sld [smem:$0x3FB4];
	_ =	sdelay $0x3  }
0x33: {  	p0 =	seq.s32 s10, $0x1;
	s10 =	sld [smem:$0x3FB6];
	_ =	sdelay $0x3  }
0x34: {  	[smem:$0x3FB6] =	sst s10  }
0x35: {  	s10 =	sld [smem:$0x3FB5];
	_ =	sdelay $0x3  }
0x36: {  	p1 =	seq.s32 s10, $0x1;
	s10 =	sld [smem:$0x3FB6];
	_ =	sdelay $0x3  }
0x37: {  	[smem:$0x3FB6] =	sst s10  }
0x38: {  	s10 =	sld [smem:$0x3FB7]  }
0x39: {  	_ = 	snop;
	(pc) =	sbr.ind lr, $3  }
0x3a: {  	_ = 	snop  }
0x3b: {  	_ = 	snop  }
0x3c: {  	p2 =	seq.s32 s10, $0x1;
	s10 =	sld [smem:$0x3FB6]  }
0x3d: {  	_ =	shalt  }
0x3e: {  	_ =	shalt  }
0x3f: {  	_ =	shalt  }
0x40: {  	_ =	shalt  }
0x41: {  	_ =	shalt  }
0x42: {  	_ =	shalt  }
0x43: {  	_ =	shalt  }
0x44: {  	_ =	shalt  }
0x45: {  	_ =	shalt  }
0x46: {  	_ =	shalt  }
0x47: {  	_ =	shalt  }
0x48: {  	_ =	shalt  }
0x49: {  	_ =	shalt  }
0x4a: {  	_ =	shalt  }
0x4b: {  	_ =	shalt  }
0x4c: {  	_ =	shalt  }
0x4d: {  	_ =	shalt  }
0x4e: {  	_ =	shalt  }
0x4f: {  	_ =	shalt  }
0x50: {  	_ =	shalt  }
0x51: {  	_ =	shalt  }
0x52: {  	_ =	shalt  }
0x53: {  	_ =	shalt  }
0x54: {  	_ =	shalt  }
0x55: {  	_ =	shalt  }
0x56: {  	_ =	shalt  }
0x57: {  	_ =	shalt  }
0x58: {  	_ =	shalt  }
0x59: {  	_ =	shalt  }
0x5a: {  	_ =	shalt  }
0x5b: {  	_ =	shalt  }
0x5c: {  	_ =	shalt  }
0x5d: {  	_ =	shalt  }
0x5e: {  	_ =	shalt  }
0x5f: {  	_ =	shalt  }
0x60: {  	_ =	shalt  }
0x61: {  	_ =	shalt  }
0x62: {  	_ =	shalt  }
0x63: {  	_ =	shalt  }
0x64: {  	_ =	shalt  }
0x65: {  	_ =	shalt  }
0x66: {  	_ =	shalt  }
0x67: {  	_ =	shalt  }
0x68: {  	_ =	shalt  }
0x69: {  	_ =	shalt  }
0x6a: {  	_ =	shalt  }
0x6b: {  	_ =	shalt  }
0x6c: {  	_ =	shalt  }
0x6d: {  	_ =	shalt  }
0x6e: {  	_ =	shalt  }
0x6f: {  	_ =	shalt  }
0x70: {  	_ =	shalt  }
0x71: {  	_ =	shalt  }
0x72: {  	_ =	shalt  }
0x73: {  	_ =	shalt  }
0x74: {  	_ =	shalt  }
0x75: {  	_ =	shalt  }
0x76: {  	_ =	shalt  }
0x77: {  	_ =	shalt  }
0x78: {  	_ =	shalt  }
0x79: {  	_ =	shalt  }
0x7a: {  	_ =	shalt  }
0x7b: {  	_ =	shalt  }
0x7c: {  	_ =	shalt  }
0x7d: {  	_ =	shalt  }
0x7e: {  	_ =	shalt  }
0x7f: {  	_ =	shalt  }
0x80: {  	_ =	shalt  }
0x81: {  	_ =	shalt  }
0x82: {  	_ =	shalt  }
0x83: {  	_ =	shalt  }
0x84: {  	_ =	shalt  }
0x85: {  	_ =	shalt  }
0x86: {  	_ =	shalt  }
0x87: {  	_ =	shalt  }
.Lfunc_end0:
.L_simem_size_0:
called_computation.3_lowered:
.L_overlay_start_0:
0x88: {  	s2 =	sld [smem:$0x3FD9]  }
0x89: {  	s3 =	sld [smem:$0x3FFE];
	_ =	sdelay $0x1  }
0x8a: {  	s1 =	srdreg.scid  }
0x8b: {  	s0 =	sand.u32 $0x1, s1  }
0x8c: {  	s16 =	sshll.u32 s0, $0xA;
	s2 =	sadd.s32 s3, s2  }
0x8d: {  	s2 =	sadd.s32 s2, s16  }
0x8e: {  	[smem:$0x3FC2] =	sst s2  }
0x8f: {  	_ = 	snop  }
0x90: {  	(tm) =	ssettm $0x1  }
0x91: {  	s17 =	sld [smem:$0x3FFB];
	_ =	sdelay $0x3  }
0x92: {  	_ =	strace s17  }
0x93: {  	s2 =	sld [smem:$0x3FFC];
	_ =	sdelay $0x3  }
0x94: {  	_ =	strace s2  }
0x95: {  	s2 =	sld [smem:$0x3FFD];
	_ =	sdelay $0x3  }
0x96: {  	_ =	strace s2  }
0x97: {  	_ =	strace $0x8FFFFFFF  }
0x98: {  	s18 =	sld [smem:$0x3FDB];
	_ =	sdelay $0x1  }
0x99: {  	s19 =	simm.s32 $_scs_section_size  }
0x9a: {  	s4 =	simm.s32 $_size__tile_overlayer_lowered;
	s5 =	simm.s32 $_tile_overlayer_lowered  }
0x9b: {  	s22 =	simm.s32 $0x1BFF;
	s21 =	sshll.u32 s5, $0x1;
	s2 =	sadd.s32 s19, s18  }
0x9c: {  	s6 =	simm.s32 $0x0;
	s20 =	sshll.u32 s4, $0x1;
	s4 =	sadd.s32 s21, s2  }
0x9d: {  	[timem:s6], [sflag:s22] =	dma.local [hbm:s4], s20  }
0x9e: {  	_ =	swait.ge [sflag:s22], s20  }
0x9f: {  	s3 =	ssub.s32 $0x0, s20;
	[sflag:s22] =	ssyncset.done $0x0  }
0xa0: {  	[sflag:s22] =	ssyncadd.s32 s3;
	_ =	sdelay $0x1  }
0xa1: {  	s23 =	simm.s32 $0x1B8B  }
0xa2: {  	_ =	swait.ge [sflag:s23], $0x1  }
0xa3: {  	[sflag:s23] =	ssyncset.done $0x0  }
0xa4: {  	s25 =	simm.s32 $0x1B8E;
	s24 =	sld [smem:$0x3FFE];
	[sflag:s23] =	ssyncadd.s32 $0xFFFFFFFF  }
0xa5: {  	s26 =	simm.s32 $execute0_lowered;
	[smem:$0x3FD2] =	sst s25  }
0xa6: {  	s4 =	sshll.u32 s26, $0x1;
	_ =	strace $0x8000004F;
	[dreg:$0x1] =	wrdreg $0xFFFFFFFF  }
0xa7: {  	s28 =	simm.s32 $_size_execute0_lowered;
	s2 =	sadd.s32 s2, s4;
	[dreg:$0x0] =	wrdreg $0x0  }
0xa8: {  	s4 =	sshll.u32 s28, $0x1;
	[dreg:$0x2] =	wrdreg s2  }
0xa9: {  	[dreg:$0x3] =	wrdreg s4  }
0xaa: {  	[dreg:$0x4] =	wrdreg $0xC0  }
0xab: {  	_ =	task [dreg:s6], $0x5FFFF  }
0xac: {  	[dreg:$0x1] =	wrdreg $0xFFFFFFFF  }
0xad: {  	[dreg:$0x0] =	wrdreg $0x60  }
0xae: {  	[dreg:$0x2] =	wrdreg s24  }
0xaf: {  	[dreg:$0x3] =	wrdreg $0x54000  }
0xb0: {  	[dreg:$0x4] =	wrdreg $0x9  }
0xb1: {  	_ =	task.clear_ibuf [dreg:s6], $0x5FFFF;
	_ =	strace $0x9000004F  }
0xb2: {  	s29 =	simm.s32 $0x9;
	_ =	strace $0x80000051  }
0xb3: {  	_ =	swait.ge [sflag:s29], $0x1  }
0xb4: {  	[sflag:s29] =	ssyncadd.s32 $0xFFFFFFFF  }
0xb5: {  	_ =	strace $0x90000051  }
0xb6: {  	_ =	sfence  }
0xb7: {  	s30 =	sld [smem:$0x0];
	_ =	sdelay $0x2  }
0xb8: {  	s31 =	sshll.u32 s1, $0xD;
	s1 =	sshrl.u32 s1, $0x2  }
0xb9: {  	s3 =	sand.u32 $0x4000, s31;
	s1 =	sadd.s32 s1, s30  }
0xba: {  	s0 =	sor.u32 s3, s0;
	s1 =	sshll.u32 s1, $0x11  }
0xbb: {  	s0 =	sor.u32 s1, s0  }
0xbc: {  	s0 =	sadd.s32 $0x8F2B, s0  }
0xbd: {  	[sflag:s0] =	ssyncadd.remote.s32 $0x1  }
0xbe: {  	_ =	sfence.sel $0xFFFF  }
0xbf: {  	[dreg:$0x0] =	wrdreg $0xFFFFFFFF;
	(pc) =	sbr.abs _section_cstart, $3  }
0xc0: {  	[dreg:$0x1] =	wrdreg $0xFFFFFFFF  }
0xc1: {  	_ =	task.clear_ibuf [dreg:s6], $0x2FFFF;
	_ =	strace $0x9FFFFFFF  }
0xc2: {  	(tm) =	ssettm $0x7FFFFFFF  }
0xc3: {  	_ =	shalt  }
tec
execute0_lowered:
.L_overlay_start_1:
0x0: {  	(tag) =	ssettag $0x1  }
0x1: {  	s0 =	rddreg [dreg:$0x0]  }
0x2: {  	s1 =	rddreg [dreg:$0x1]  }
0x3: {  	s3 =	simm.s32 $0x0;
	s2 =	srdreg.scid;
	s10 =	stileid.u32  }
0x4: {  	s28 =	simm.s32 $0x1;
	s29 =	simm.s32 $0x5;
	s30 =	simm.s32 $0x50  }
0x5: {  	s31 =	simm.s32 $0x400;
	[smem:$0x7FF] =	sst s3;
	s2 =	sand.u32 $0x1, s2  }
0x6: {  	s4 =	sadd.s32 $0x19E00, s0;
	s6 =	smul.u32 $0x14000, s10;
	s11 =	sadd.s32 $0x3200, s0  }
0x7: {  	s12 =	sadd.s32 $0xD000, s0;
	s7 =	sshll.u32 s10, $0x1;
	s26 =	smul.u32 $0x50000, s10  }
0x8: {  	s8 =	sadd.s32 $0x17600, s0;
	s13 =	smul.u32 $0x4E20, s10;
	s18 =	sshll.u32 s10, $0x6  }
0x9: {  	s10 =	simm.s32 $0x180;
	s5 =	smul.u32 $0x140000, s2;
	_ =	strace $0x80000050  }
0xa: {  	[dreg:$0x3] =	wrdreg s8;
	s23 =	sor.u32 s2, s7;
	s24 =	ssub.s32 $0x2, s2  }
0xb: {  	s2 =	smul.u32 $0x2710, s2;
	s7 =	simm.s32 $0x2;
	s8 =	simm.s32 $0x6  }
0xc: {  	s25 =	sshrl.u32 s24, $0x1;
	s17 =	sshrl.u32 s26, $0x2;
	s5 =	sadd.s32 s6, s5  }
0xd: {  	s6 =	smul.u32 $0x2710, s23;
	s2 =	sadd.s32 s2, s13;
	s13 =	simm.s32 $0x8  }
0xe: {  	s5 =	sshrl.u32 s5, $0x3;
	s19 =	sadd.s32 $0x190, s2;
	s23 =	sadd.s32 $0xF0, s2  }
0xf: {  	s0 =	sadd.s32 s5, s0;
	s5 =	ssub.s32 s24, s25;
	s6 =	sshrl.u32 s6, $0x3  }
0x10: {  	s21 =	sshrl.u32 s19, $0x3;
	s24 =	sadd.s32 $0x140, s2;
	s2 =	sadd.s32 $0xA0, s2  }
0x11: {  	s9 =	sadd.s32 s11, s6;
	s14 =	sadd.s32 $0xA, s6;
	[dreg:$0xe] =	wrdreg s24  }
0x12: {  	s6 =	sadd.s32 s12, s6;
	s0 =	sadd.s32 $0xC3E00, s0;
	[dreg:$0x4] =	wrdreg s9  }
0x13: {  	s20 =	smax.u32 s5, $0x1;
	s22 =	sadd.s32 s21, s12;
	[dreg:$0x5] =	wrdreg s6  }
0x14: {  	s26 =	sshrl.u32 s2, $0x3;
	s24 =	simm.s32 $0x80;
	[dreg:$0xa] =	wrdreg s0  }
0x15: {  	s5 =	simm.s32 $0xA;
	s15 =	sadd.s32 s11, s14;
	[dreg:$0xb] =	wrdreg s20  }
0x16: {  	s16 =	sadd.s32 s12, s14;
	s6 =	sadd.s32 s17, s1;
	[dreg:$0xc] =	wrdreg s22  }
0x17: {  	s0 =	sadd.s32 s21, s11;
	s21 =	smov.u32 s12;
	s2 =	sadd.s32 s26, s12  }
0x18: {  	s20 =	smov.u32 s11;
	s22 =	sadd.s32 s26, s11;
	[dreg:$0x6] =	wrdreg s15  }
0x19: {  	s26 =	simm.s32 $0xB;
	s9 =	simm.s32 $0x2C00;
	[dreg:$0x7] =	wrdreg s16  }
0x1a: {  	s14 =	simm.s32 $0x7;
	s17 =	simm.s32 $0x0;
	[dreg:$0x8] =	wrdreg s6  }
0x1b: {  	s16 =	sor.u32 $0x1C0B, s18;
	[dreg:$0xd] =	wrdreg s0;
	s0 =	sshrl.u32 s23, $0x3  }
.Ltmp0:
0x1c: {  	[dreg:$0x11] =	wrdreg s2;
	s23 =	simm.s32 $0x200;
	(pc) =	sbr.rel .LBB2_1-.Ltmp0, $4  }
0x1d: {  	s2 =	simm.s32 $0x300;
	s15 =	simm.s32 $0x9;
	s18 =	simm.s32 $0x4  }
0x1e: {  	s25 =	sadd.s32 s0, s12;
	s0 =	sadd.s32 s0, s11;
	[dreg:$0x9] =	wrdreg s16  }
0x1f: {  	s11 =	simm.s32 $0x380;
	s12 =	simm.s32 $0x3;
	[dreg:$0xf] =	wrdreg s25  }
0x20: {  	[dreg:$0x10] =	wrdreg s0;
	s25 =	simm.s32 $0x280;
	s0 =	simm.s32 $0x100  }
.LBB2_4:
0x21: {  	_ =	swait.ge [sflag:s28], $0x50  }
0x22: {  	[sflag:s28] =	ssyncset.done $0x0  }
0x23: {  	[sflag:s28] =	ssyncadd.s32 $0xFFFFFFB0  }
0x24: {  	_ =	swait.ge [sflag:s29], $0x50  }
0x25: {  	[sflag:s29] =	ssyncset.done $0x0  }
0x26: {  	[sflag:s29] =	ssyncadd.s32 $0xFFFFFFB0  }
0x27: {  	_ =	swait.ge [sflag:s15], $0x2800  }
0x28: {  	[sflag:s15] =	ssyncset.done $0x0  }
0x29: {  	[sflag:s15] =	ssyncadd.s32 $0xFFFFD800  }
0x2a: {  	[tilespmem:s31], [sflag:$0xB] =	stream.indirect.gather [hbm4b:s4+s30], $0x80, s3, s30, $0xb8;
	[tilespmem:$0x19400] =	vst v63  }
0x2b: {  	_ =	swait.ge [sflag:s26], $0x2800  }
0x2c: {  	[sflag:s26] =	ssyncset.done $0x0  }
0x2d: {  	[sflag:s26] =	ssyncadd.s32 $0xFFFFD800  }
0x2e: {  	[spmem:s1] =	stream.indirect.scatter.add.f32 [tilespmem:s31], [sflag:$0xB], $0x80, s23, s30, $0xb8;
	[tilespmem:$0x19400] =	vst v63  }
0x2f: {  	_ =	swait.ge [sflag:s26], $0x2800  }
0x30: {  	[sflag:s26] =	ssyncset.done $0x0  }
0x31: {  	[sflag:s26] =	ssyncadd.s32 $0xFFFFD800  }
0x32: {  	_ =	swait.ge [sflag:s5], $0x2800  }
0x33: {  	[sflag:s5] =	ssyncset.done $0x0  }
0x34: {  	[sflag:s5] =	ssyncadd.s32 $0xFFFFD800  }
0x35: {  	[bflag:$0x0] =	sbarrier.arrive $0xFFFF  }
0x36: {  	s16 =	rddreg [dreg:$0x9]  }
0x37: {  	s6 =	rddreg [dreg:$0xa]  }
0x38: {  	s17 =	rddreg [dreg:$0x13]  }
0x39: {  	[hbm:s6], [sflag:s16] =	dma.local [spmem:s17], $0x2800  }
0x3a: {  	_ =	swait.ge [sflag:s26], $0x2800  }
0x3b: {  	s6 =	rddreg [dreg:$0x12]  }
0x3c: {  	s19 =	rddreg [dreg:$0xb];
	s17 =	sadd.s32 $0x1, s6  }
0x3d: {  	p0 =	sne.s32 s17, s19  }
.Ltmp1:
0x3e: {  	_ = 	snop;
	(pc) =	sbr.rel @!p0 .LBB2_5-.Ltmp1, $3  }
0x3f: {  	_ =	sdelay $0x1  }
0x40: {  	[sflag:s26] =	ssyncset.done $0x0  }
0x41: {  	[sflag:s26] =	ssyncadd.s32 $0xFFFFD800  }
.LBB2_1:
0x42: {  	[dreg:$0x12] =	wrdreg s17  }
0x43: {  	s6 =	rddreg [dreg:$0x4]  }
0x44: {  	s17 =	rddreg [dreg:$0x5]  }
0x45: {  	[tilespmem:s3], [sflag:$0x1] =	stream.linear.gather [hbm4b:s6+s3], $0x50, $0x38;
	[tilespmem:$0x19400] =	vst v63  }
0x46: {  	s19 =	rddreg [dreg:$0x6]  }
0x47: {  	[tilespmem:s23], [sflag:$0x5] =	stream.linear.gather [hbm4b:s17+s3], $0x50, $0x38;
	[tilespmem:$0x19400] =	vst v63  }
0x48: {  	s17 =	rddreg [dreg:$0x7]  }
0x49: {  	[tilespmem:s24], [sflag:$0x2] =	stream.linear.gather [hbm4b:s19+s3], $0x50, $0x38;
	[tilespmem:$0x19400] =	vst v63  }
0x4a: {  	s19 =	rddreg [dreg:$0x8]  }
0x4b: {  	s6 =	sshrl.u32 s19, $0x3;
	s19 =	rddreg [dreg:$0x3]  }
0x4c: {  	[tilespmem:s25], [sflag:$0x6] =	stream.linear.gather [hbm4b:s17+s3], $0x50, $0x38;
	[tilespmem:$0x19400] =	vst v63  }
0x4d: {  	[dreg:$0x13] =	wrdreg s6  }
0x4e: {  	[spmem:s6], [sflag:s16] =	dma.local [hbm:s19], $0x2800  }
0x4f: {  	_ =	swait.ge [sflag:s26], $0x2800  }
0x50: {  	[sflag:s26] =	ssyncset.done $0x0  }
0x51: {  	[sflag:s26] =	ssyncadd.s32 $0xFFFFD800  }
0x52: {  	[bflag:$0x0] =	sbarrier.arrive $0xFFFF  }
0x53: {  	s16 =	simm.s32 $0x0;
	s6 =	rddreg [dreg:$0xe]  }
.LBB2_2:
0x54: {  	_ =	swait.ge [sflag:s28], $0x50  }
0x55: {  	[sflag:s28] =	ssyncset.done $0x0  }
0x56: {  	[sflag:s28] =	ssyncadd.s32 $0xFFFFFFB0  }
0x57: {  	_ =	swait.ge [sflag:s29], $0x50  }
0x58: {  	p0 =	seq.s32 s16, $0x0;
	[sflag:s29] =	ssyncset.done $0x0  }
0x59: {  	s17 =	simm.s32 @!p0 $0x9;
	[sflag:s29] =	ssyncadd.s32 $0xFFFFFFB0  }
0x5a: {  	_ =	swait.ge @!p0 [sflag:s17], $0x2800  }
0x5b: {  	[sflag:s17] =	ssyncset.done @!p0 $0x0  }
0x5c: {  	[sflag:s17] =	ssyncadd.s32 @!p0 $0xFFFFD800  }
0x5d: {  	[tilespmem:s31], [sflag:$0xB] =	stream.indirect.gather [hbm4b:s4+s30], $0x80, s3, s30, $0xb8;
	[tilespmem:$0x19400] =	vst v63  }
0x5e: {  	_ =	swait.ge [sflag:s26], $0x2800  }
0x5f: {  	[sflag:s26] =	ssyncset.done $0x0  }
0x60: {  	[sflag:s26] =	ssyncadd.s32 $0xFFFFD800  }
0x61: {  	[spmem:s1] =	stream.indirect.scatter.add.f32 [tilespmem:s31], [sflag:$0x9], $0x80, s23, s30, $0xb8;
	[tilespmem:$0x19400] =	vst v63  }
0x62: {  	s19 =	sadd.s32 s16, s22  }
0x63: {  	[tilespmem:s0], [sflag:$0x3] =	stream.linear.gather [hbm4b:s19+s3], $0x50, $0x38;
	[tilespmem:$0x19400] =	vst v63  }
0x64: {  	s19 =	rddreg [dreg:$0x11]  }
0x65: {  	s17 =	sadd.s32 s16, s19  }
0x66: {  	[tilespmem:s2], [sflag:$0x7] =	stream.linear.gather [hbm4b:s17+s3], $0x50, $0x38;
	[tilespmem:$0x19400] =	vst v63  }
0x67: {  	_ =	swait.ge [sflag:s7], $0x50  }
0x68: {  	[sflag:s7] =	ssyncset.done $0x0  }
0x69: {  	[sflag:s7] =	ssyncadd.s32 $0xFFFFFFB0  }
0x6a: {  	_ =	swait.ge [sflag:s8], $0x50  }
0x6b: {  	[sflag:s8] =	ssyncset.done $0x0  }
0x6c: {  	s17 =	simm.s32 @!p0 $0xA;
	[sflag:s8] =	ssyncadd.s32 $0xFFFFFFB0  }
0x6d: {  	_ =	swait.ge @!p0 [sflag:s17], $0x2800  }
0x6e: {  	[sflag:s17] =	ssyncset.done @!p0 $0x0  }
0x6f: {  	[sflag:s17] =	ssyncadd.s32 @!p0 $0xFFFFD800  }
0x70: {  	[tilespmem:s9], [sflag:$0xB] =	stream.indirect.gather [hbm4b:s4+s30], $0x80, s24, s30, $0xb8;
	[tilespmem:$0x19400] =	vst v63  }
0x71: {  	_ =	swait.ge [sflag:s26], $0x2800  }
0x72: {  	[sflag:s26] =	ssyncset.done $0x0  }
0x73: {  	s19 =	rddreg [dreg:$0x10];
	[sflag:s26] =	ssyncadd.s32 $0xFFFFD800  }
0x74: {  	[spmem:s1] =	stream.indirect.scatter.add.f32 [tilespmem:s9], [sflag:$0xA], $0x80, s25, s30, $0xb8;
	[tilespmem:$0x19400] =	vst v63  }
0x75: {  	s17 =	sadd.s32 s16, s19;
	s19 =	rddreg [dreg:$0xf]  }
0x76: {  	[tilespmem:s10], [sflag:$0x4] =	stream.linear.gather [hbm4b:s17+s3], $0x50, $0x38;
	[tilespmem:$0x19400] =	vst v63  }
0x77: {  	s17 =	sadd.s32 s16, s19  }
0x78: {  	[tilespmem:s11], [sflag:$0x8] =	stream.linear.gather [hbm4b:s17+s3], $0x50, $0x38;
	[tilespmem:$0x19400] =	vst v63  }
0x79: {  	_ =	swait.ge [sflag:s12], $0x50  }
0x7a: {  	[sflag:s12] =	ssyncset.done $0x0  }
0x7b: {  	[sflag:s12] =	ssyncadd.s32 $0xFFFFFFB0  }
0x7c: {  	_ =	swait.ge [sflag:s14], $0x50  }
0x7d: {  	[sflag:s14] =	ssyncset.done $0x0  }
0x7e: {  	[sflag:s14] =	ssyncadd.s32 $0xFFFFFFB0  }
0x7f: {  	_ =	swait.ge [sflag:s15], $0x2800  }
0x80: {  	[sflag:s15] =	ssyncset.done $0x0  }
0x81: {  	[sflag:s15] =	ssyncadd.s32 $0xFFFFD800  }
0x82: {  	[tilespmem:s31], [sflag:$0xB] =	stream.indirect.gather [hbm4b:s4+s30], $0x80, s0, s30, $0xb8;
	[tilespmem:$0x19400] =	vst v63  }
0x83: {  	_ =	swait.ge [sflag:s26], $0x2800  }
0x84: {  	[sflag:s26] =	ssyncset.done $0x0  }
0x85: {  	s17 =	sshrl.u32 s6, $0x3;
	[sflag:s26] =	ssyncadd.s32 $0xFFFFD800  }
0x86: {  	[spmem:s1] =	stream.indirect.scatter.add.f32 [tilespmem:s31], [sflag:$0x9], $0x80, s2, s30, $0xb8;
	[tilespmem:$0x19400] =	vst v63  }
0x87: {  	s19 =	sadd.s32 s20, s17  }
0x88: {  	[tilespmem:s3], [sflag:$0x1] =	stream.linear.gather [hbm4b:s19+s3], $0x50, $0x38;
	[tilespmem:$0x19400] =	vst v63  }
0x89: {  	s17 =	sadd.s32 s21, s17  }
0x8a: {  	[tilespmem:s23], [sflag:$0x5] =	stream.linear.gather [hbm4b:s17+s3], $0x50, $0x38;
	[tilespmem:$0x19400] =	vst v63  }
0x8b: {  	_ =	swait.ge [sflag:s18], $0x50  }
0x8c: {  	[sflag:s18] =	ssyncset.done $0x0  }
0x8d: {  	[sflag:s18] =	ssyncadd.s32 $0xFFFFFFB0  }
0x8e: {  	_ =	swait.ge [sflag:s13], $0x50  }
0x8f: {  	[sflag:s13] =	ssyncset.done $0x0  }
0x90: {  	[sflag:s13] =	ssyncadd.s32 $0xFFFFFFB0  }
0x91: {  	_ =	swait.ge [sflag:s5], $0x2800  }
0x92: {  	[sflag:s5] =	ssyncset.done $0x0  }
0x93: {  	p0 =	seq.s32 s16, $0x4B0;
	[sflag:s5] =	ssyncadd.s32 $0xFFFFD800  }
0x94: {  	[tilespmem:s9], [sflag:$0xB] =	stream.indirect.gather [hbm4b:s4+s30], $0x80, s10, s30, $0xb8;
	[tilespmem:$0x19400] =	vst v63  }
.Ltmp2:
0x95: {  	_ = 	snop;
	(pc) =	sbr.rel @p0 .LBB2_4-.Ltmp2, $4  }
0x96: {  	_ =	swait.ge [sflag:s26], $0x2800  }
0x97: {  	[sflag:s26] =	ssyncset.done $0x0  }
0x98: {  	[sflag:s26] =	ssyncadd.s32 $0xFFFFD800  }
0x99: {  	[spmem:s1] =	stream.indirect.scatter.add.f32 [tilespmem:s9], [sflag:$0xA], $0x80, s11, s30, $0xb8;
	[tilespmem:$0x19400] =	vst v63  }
.Ltmp3:
0x9a: {  	s17 =	rddreg [dreg:$0xd];
	(pc) =	sbr.rel .LBB2_2-.Ltmp3, $4  }
0x9b: {  	s19 =	rddreg [dreg:$0xc];
	s17 =	sadd.s32 s16, s17  }
0x9c: {  	[tilespmem:s24], [sflag:$0x2] =	stream.linear.gather [hbm4b:s17+s3], $0x50, $0x38;
	[tilespmem:$0x19400] =	vst v63  }
0x9d: {  	s6 =	sadd.s32 $0x140, s6;
	s17 =	sadd.s32 s16, s19;
	s16 =	sadd.s32 $0x28, s16  }
0x9e: {  	[tilespmem:s25], [sflag:$0x6] =	stream.linear.gather [hbm4b:s17+s3], $0x50, $0x38;
	[tilespmem:$0x19400] =	vst v63  }
.LBB2_5:
0x9f: {  	_ =	sfence.sel $0x180000  }
0xa0: {  	[bflag:$0x0] =	sbarrier.arrive $0xFFFF  }
0xa1: {  	_ =	strace $0x90000050  }
0xa2: {  	s0 =	stileid.u32;
	[bflag:$0x2] =	sbarrier.arrive $0xFFFF  }
0xa3: {  	p0 =	sne.s32 s0, $0x0;
	s0 =	rddreg [dreg:$0x2]  }
0xa4: {  	s0 =	sadd.s32 @!p0 $0x100000, s0  }
0xa5: {  	[sflag:s0] =	ssyncadd.tile.s32 @!p0 $0x1;
	_ =	shalt  }
.Lfunc_end2:
_tile_overlayer_lowered:
.L_overlay_start_2:
0xa6: {  	(tag) =	ssettag $0x2  }
0xa7: {  	s0 =	rddreg [dreg:$0x0];
	s2 =	stileid.u32  }
0xa8: {  	s1 =	rddreg [dreg:$0x1];
	p0 =	sne.s32 s2, $0x0  }
0xa9: {  	s3 =	rddreg [dreg:$0x2];
	[bflag:$0x3] =	sbarrier.arrive $0xFFFF;
	s2 =	simm.s32 @!p0 $0x1C0B  }
0xaa: {  	[timem:s3], [sflag:s2] =	dma.local @!p0 [hbm:s0], s1  }
0xab: {  	s0 =	simm.s32 @!p0 $0xB  }
0xac: {  	_ =	swait.ge @!p0 [sflag:s0], s1  }
0xad: {  	s1 =	ssub.s32 @!p0 $0x0, s1;
	[sflag:s0] =	ssyncset.done @!p0 $0x0  }
0xae: {  	[sflag:s0] =	ssyncadd.s32 @!p0 s1  }
0xaf: {  	[bflag:$0x3] =	sbarrier.arrive $0xFFFF  }
0xb0: {  	_ =	shalt  }

// kernel: kernel.9.cloned.1.call-start
scs
__scs_entry_jumppad:
0x0: {  	(pc) =	sbr.rel $0x88, $3  }
0x1: {  	(tag) =	ssettag $0x0;
	lr =	simm.s32 $0x1  }
0x2: {  	[smem:$0x3F9B] =	sst lr;
	_ =	strace $0xD0000000  }
0x3: {  	_ = 	snop  }
0x4: {  	_ = 	snop  }
0x5: {  	_ = 	snop  }
0x6: {  	_ = 	snop  }
0x7: {  	_ = 	snop  }
__scs_overlays_trampoline_lowered:
0x8: {  	[smem:$0x3FAA] =	sst s0  }
0x9: {  	[smem:$0x3FAB] =	sst s1  }
0xa: {  	[smem:$0x3FAC] =	sst s2  }
0xb: {  	[smem:$0x3FAD] =	sst s3  }
0xc: {  	[smem:$0x3FAE] =	sst s4  }
0xd: {  	[smem:$0x3FAF] =	sst s5  }
0xe: {  	[smem:$0x3FB0] =	sst s6  }
0xf: {  	[smem:$0x3FB1] =	sst s7  }
0x10: {  	[smem:$0x3FB2] =	sst s8  }
0x11: {  	[smem:$0x3FB3] =	sst s9;
	s0 =	simm.s32 @!p0 $0x0  }
0x12: {  	s1 =	sld [smem:$0x3F99];
	s0 =	simm.s32 @p0 $0x1  }
0x13: {  	[smem:$0x3FB4] =	sst s0;
	s0 =	simm.s32 @!p1 $0x0  }
0x14: {  	s2 =	sld [smem:$0x3F98];
	s0 =	simm.s32 @p1 $0x1  }
0x15: {  	[smem:$0x3FB5] =	sst s0;
	s0 =	simm.s32 @!p2 $0x0  }
0x16: {  	s3 =	sld [smem:$0x3FDB];
	s0 =	simm.s32 @p2 $0x1  }
0x17: {  	s4 =	simm.s32 $0x1BF5;
	[smem:$0x3FB7] =	sst s0  }
0x18: {  	s0 =	sld [smem:$0x3F9A];
	_ =	swait.ge [sflag:s4], $0x0  }
0x19: {  	s7 =	sld [smem:$0x3F9B]  }
0x1a: {  	s8 =	sadd.s32 $0xFFFFE003, lr  }
0x1b: {  	s9 =	sadd.s32 $0xFFFFFEF7, lr;
	s5 =	simm.s32 $0xFFFFFFFF;
	p2 =	slt.u32 s8, $0xFFFFF086  }
0x1c: {  	p1 =	slt.u32 s9, $0xF7A;
	s5 =	simm.s32 @!p2 $0x0  }
0x1d: {  	s5 =	simm.s32 @p1 $0x1;
	p0 =	seq.s32 s7, s2  }
0x1e: {  	s7 =	smul.u32 @!p0 $0xF7A, s2;
	p2 =	seq.s32 @!p0 s5, $0x0  }
0x1f: {  	s9 =	smul.u32 $0xF7A, s1;
	s8 =	simm.s32 @!p0 $0x1BF5;
	p2 =	por !p2, p0  }
0x20: {  	[sflag:s8] =	ssyncset.s32 @!p0 $0xFFFFF086;
	s6 =	sadd.s32 @!p0 s3, s7;
	s7 =	simm.s32 @!p0 $0x108  }
0x21: {  	s3 =	sadd.s32 s3, s9;
	s6 =	sadd.s32 @!p0 $0x88, s6;
	s7 =	simm.s32 @p2 $0x1082  }
0x22: {  	[simem:s7], [sflag:s8] =	dma.local @!p0 [hbm:s6], $0xF7A  }
0x23: {  	s9 =	sor.u32 $0xD0000000, s2;
	s6 =	simm.s32 $0x108;
	_ =	swait.ge @!p0 [sflag:s8], $0x0  }
0x24: {  	s3 =	sadd.s32 $0x88, s3;
	s6 =	simm.s32 @!p1 $0x1082;
	[sflag:s4] =	ssyncset.s32 $0xFFFFF086  }
0x25: {  	[simem:s6], [sflag:s4] =	dma.local [hbm:s3], $0xF7A  }
0x26: {  	[smem:$0x3F9B] =	sst s1;
	(tag) =	ssettag s2;
	_ =	strace s9  }
0x27: {  	s1 =	sld [smem:$0x3FAB]  }
0x28: {  	s2 =	sld [smem:$0x3FAC]  }
0x29: {  	s4 =	sld [smem:$0x3FAE]  }
0x2a: {  	p0 =	seq.s32 s5, $0x0;
	s5 =	sld [smem:$0x3FAF]  }
0x2b: {  	s6 =	sld [smem:$0x3FB0]  }
0x2c: {  	s7 =	sld [smem:$0x3FB1]  }
0x2d: {  	s3 =	simm.s32 $0x108;
	s8 =	sld [smem:$0x3FB2]  }
0x2e: {  	s3 =	simm.s32 @!p0 $0x1082;
	s9 =	sld [smem:$0x3FB3]  }
0x2f: {  	lr =	sadd.s32 s0, s3;
	s0 =	sld [smem:$0x3FAA]  }
0x30: {  	s3 =	sld [smem:$0x3FAD]  }
0x31: {  	[smem:$0x3FB6] =	sst s10  }
0x32: {  	s10 =	sld [smem:$0x3FB4];
	_ =	sdelay $0x3  }
0x33: {  	p0 =	seq.s32 s10, $0x1;
	s10 =	sld [smem:$0x3FB6];
	_ =	sdelay $0x3  }
0x34: {  	[smem:$0x3FB6] =	sst s10  }
0x35: {  	s10 =	sld [smem:$0x3FB5];
	_ =	sdelay $0x3  }
0x36: {  	p1 =	seq.s32 s10, $0x1;
	s10 =	sld [smem:$0x3FB6];
	_ =	sdelay $0x3  }
0x37: {  	[smem:$0x3FB6] =	sst s10  }
0x38: {  	s10 =	sld [smem:$0x3FB7]  }
0x39: {  	_ = 	snop;
	(pc) =	sbr.ind lr, $3  }
0x3a: {  	_ = 	snop  }
0x3b: {  	_ = 	snop  }
0x3c: {  	p2 =	seq.s32 s10, $0x1;
	s10 =	sld [smem:$0x3FB6]  }
0x3d: {  	_ =	shalt  }
0x3e: {  	_ =	shalt  }
0x3f: {  	_ =	shalt  }
0x40: {  	_ =	shalt  }
0x41: {  	_ =	shalt  }
0x42: {  	_ =	shalt  }
0x43: {  	_ =	shalt  }
0x44: {  	_ =	shalt  }
0x45: {  	_ =	shalt  }
0x46: {  	_ =	shalt  }
0x47: {  	_ =	shalt  }
0x48: {  	_ =	shalt  }
0x49: {  	_ =	shalt  }
0x4a: {  	_ =	shalt  }
0x4b: {  	_ =	shalt  }
0x4c: {  	_ =	shalt  }
0x4d: {  	_ =	shalt  }
0x4e: {  	_ =	shalt  }
0x4f: {  	_ =	shalt  }
0x50: {  	_ =	shalt  }
0x51: {  	_ =	shalt  }
0x52: {  	_ =	shalt  }
0x53: {  	_ =	shalt  }
0x54: {  	_ =	shalt  }
0x55: {  	_ =	shalt  }
0x56: {  	_ =	shalt  }
0x57: {  	_ =	shalt  }
0x58: {  	_ =	shalt  }
0x59: {  	_ =	shalt  }
0x5a: {  	_ =	shalt  }
0x5b: {  	_ =	shalt  }
0x5c: {  	_ =	shalt  }
0x5d: {  	_ =	shalt  }
0x5e: {  	_ =	shalt  }
0x5f: {  	_ =	shalt  }
0x60: {  	_ =	shalt  }
0x61: {  	_ =	shalt  }
0x62: {  	_ =	shalt  }
0x63: {  	_ =	shalt  }
0x64: {  	_ =	shalt  }
0x65: {  	_ =	shalt  }
0x66: {  	_ =	shalt  }
0x67: {  	_ =	shalt  }
0x68: {  	_ =	shalt  }
0x69: {  	_ =	shalt  }
0x6a: {  	_ =	shalt  }
0x6b: {  	_ =	shalt  }
0x6c: {  	_ =	shalt  }
0x6d: {  	_ =	shalt  }
0x6e: {  	_ =	shalt  }
0x6f: {  	_ =	shalt  }
0x70: {  	_ =	shalt  }
0x71: {  	_ =	shalt  }
0x72: {  	_ =	shalt  }
0x73: {  	_ =	shalt  }
0x74: {  	_ =	shalt  }
0x75: {  	_ =	shalt  }
0x76: {  	_ =	shalt  }
0x77: {  	_ =	shalt  }
0x78: {  	_ =	shalt  }
0x79: {  	_ =	shalt  }
0x7a: {  	_ =	shalt  }
0x7b: {  	_ =	shalt  }
0x7c: {  	_ =	shalt  }
0x7d: {  	_ =	shalt  }
0x7e: {  	_ =	shalt  }
0x7f: {  	_ =	shalt  }
0x80: {  	_ =	shalt  }
0x81: {  	_ =	shalt  }
0x82: {  	_ =	shalt  }
0x83: {  	_ =	shalt  }
0x84: {  	_ =	shalt  }
0x85: {  	_ =	shalt  }
0x86: {  	_ =	shalt  }
0x87: {  	_ =	shalt  }
.Lfunc_end0:
.L_simem_size_0:
called_computation_lowered:
.L_overlay_start_0:
0x88: {  	s2 =	sld [smem:$0x3FD9]  }
0x89: {  	s3 =	sld [smem:$0x3FFE];
	_ =	sdelay $0x1  }
0x8a: {  	s1 =	srdreg.scid  }
0x8b: {  	s0 =	sand.u32 $0x1, s1  }
0x8c: {  	s17 =	sshll.u32 s0, $0xA;
	s2 =	sadd.s32 s3, s2  }
0x8d: {  	s2 =	sadd.s32 s2, s17  }
0x8e: {  	[smem:$0x3FC2] =	sst s2  }
0x8f: {  	_ = 	snop  }
0x90: {  	s2 =	sld [smem:$0x3FD0];
	(tm) =	ssettm $0x1  }
0x91: {  	s18 =	sld [smem:$0x3FFB];
	_ =	sdelay $0x3  }
0x92: {  	_ =	strace s18  }
0x93: {  	s3 =	sld [smem:$0x3FFC];
	_ =	sdelay $0x3  }
0x94: {  	_ =	strace s3  }
0x95: {  	s3 =	sld [smem:$0x3FFD];
	_ =	sdelay $0x3  }
0x96: {  	_ =	strace s3  }
0x97: {  	_ =	strace $0x8FFFFFFF  }
0x98: {  	s19 =	sld [smem:$0x3FDB];
	_ =	sdelay $0x1  }
0x99: {  	s4 =	simm.s32 $_scs_section_size  }
0x9a: {  	s5 =	simm.s32 $_size__tile_overlayer_lowered;
	s6 =	simm.s32 $_tile_overlayer_lowered  }
0x9b: {  	s22 =	simm.s32 $0x1BFF;
	s21 =	sshll.u32 s6, $0x1;
	s3 =	sadd.s32 s4, s19  }
0x9c: {  	s7 =	simm.s32 $0x0;
	s20 =	sshll.u32 s5, $0x1;
	s5 =	sadd.s32 s21, s3  }
0x9d: {  	[timem:s7], [sflag:s22] =	dma.local [hbm:s5], s20  }
0x9e: {  	_ =	swait.ge [sflag:s22], s20  }
0x9f: {  	s4 =	ssub.s32 $0x0, s20;
	[sflag:s22] =	ssyncset.done $0x0  }
0xa0: {  	[sflag:s22] =	ssyncadd.s32 s4;
	_ =	sdelay $0x1  }
0xa1: {  	s23 =	simm.s32 $0x1B8B  }
0xa2: {  	_ =	swait.ge [sflag:s23], $0x1  }
0xa3: {  	[sflag:s23] =	ssyncset.done $0x0  }
0xa4: {  	s25 =	simm.s32 $0x1B8E;
	s24 =	sld [smem:$0x3FFE];
	[sflag:s23] =	ssyncadd.s32 $0xFFFFFFFF  }
0xa5: {  	s26 =	simm.s32 $execute0_lowered;
	[smem:$0x3FD2] =	sst s25  }
0xa6: {  	s5 =	sshll.u32 s26, $0x1;
	_ =	strace $0x80000046;
	[dreg:$0x1] =	wrdreg $0xFFFFFFFF  }
0xa7: {  	s28 =	simm.s32 $_size_execute0_lowered;
	s3 =	sadd.s32 s3, s5;
	[dreg:$0x0] =	wrdreg $0x0  }
0xa8: {  	s5 =	sshll.u32 s28, $0x1;
	[dreg:$0x2] =	wrdreg s3  }
0xa9: {  	[dreg:$0x3] =	wrdreg s5  }
0xaa: {  	[dreg:$0x4] =	wrdreg $0xC0  }
0xab: {  	_ =	task [dreg:s7], $0x5FFFF  }
0xac: {  	[dreg:$0x1] =	wrdreg $0xFFFFFFFF  }
0xad: {  	[dreg:$0x0] =	wrdreg $0x60  }
0xae: {  	[dreg:$0x2] =	wrdreg s2  }
0xaf: {  	[dreg:$0x3] =	wrdreg s24  }
0xb0: {  	[dreg:$0x4] =	wrdreg $0x68000  }
0xb1: {  	[dreg:$0x5] =	wrdreg $0xA  }
0xb2: {  	_ =	task.clear_ibuf [dreg:s7], $0x6FFFF;
	_ =	strace $0x90000046  }
0xb3: {  	s29 =	simm.s32 $0xA;
	_ =	strace $0x80000048  }
0xb4: {  	_ =	swait.ge [sflag:s29], $0x1  }
0xb5: {  	[sflag:s29] =	ssyncadd.s32 $0xFFFFFFFF  }
0xb6: {  	_ =	strace $0x90000048  }
0xb7: {  	_ =	sfence  }
0xb8: {  	s30 =	sld [smem:$0x0];
	_ =	sdelay $0x2  }
0xb9: {  	s31 =	sshll.u32 s1, $0xD;
	s1 =	sshrl.u32 s1, $0x2  }
0xba: {  	s3 =	sand.u32 $0x4000, s31;
	s1 =	sadd.s32 s1, s30  }
0xbb: {  	s0 =	sor.u32 s3, s0;
	s1 =	sshll.u32 s1, $0x11  }
0xbc: {  	s0 =	sor.u32 s1, s0  }
0xbd: {  	s0 =	sadd.s32 $0x8F2B, s0  }
0xbe: {  	[sflag:s0] =	ssyncadd.remote.s32 $0x1  }
0xbf: {  	_ =	sfence.sel $0xFFFF  }
0xc0: {  	[dreg:$0x0] =	wrdreg $0xFFFFFFFF;
	(pc) =	sbr.abs _section_cstart, $3  }
0xc1: {  	[dreg:$0x1] =	wrdreg $0xFFFFFFFF  }
0xc2: {  	_ =	task.clear_ibuf [dreg:s7], $0x2FFFF;
	_ =	strace $0x9FFFFFFF  }
0xc3: {  	(tm) =	ssettm $0x7FFFFFFF  }
tec
execute0_lowered:
.L_overlay_start_1:
0x0: {  	(tag) =	ssettag $0x1  }
0x1: {  	s7 =	rddreg [dreg:$0x0]  }
0x2: {  	s6 =	rddreg [dreg:$0x1]  }
0x3: {  	s0 =	srdreg.scid;
	s2 =	rddreg [dreg:$0x2]  }
0x4: {  	s1 =	stileid.u32;
	s3 =	simm.s32 $0x0;
	s13 =	simm.s32 $0x80  }
0x5: {  	s14 =	simm.s32 $0x1;
	s8 =	sand.u32 $0x1, s0;
	s0 =	rddreg [dreg:$0x3]  }
0x6: {  	s15 =	simm.s32 $0x0;
	s5 =	smul.u32 $0x14000, s1;
	[smem:$0x7FF] =	sst s3  }
0x7: {  	s11 =	smul.u32 $0x50000, s1;
	s12 =	sshll.u32 s1, $0x1;
	s31 =	sshll.u32 s1, $0x6  }
0x8: {  	s4 =	smul.u32 $0x140000, s8;
	_ =	strace $0x80000047;
	s10 =	ssub.s32 $0x2, s8  }
0x9: {  	s8 =	sor.u32 s8, s12;
	s12 =	simm.s32 $0x2800;
	s30 =	sshrl.u32 s10, $0x1  }
0xa: {  	s11 =	sshrl.u32 s11, $0x2;
	s8 =	smul.u32 $0x500, s8;
	s9 =	sadd.s32 s5, s4  }
0xb: {  	s4 =	sadd.s32 $0x17600, s6;
	s5 =	sadd.s32 $0x16E00, s6;
	s9 =	sshrl.u32 s9, $0x3  }
0xc: {  	s10 =	ssub.s32 s10, s30;
	s11 =	sadd.s32 s11, s2;
	s9 =	sadd.s32 s9, s6  }
0xd: {  	s7 =	sadd.s32 s7, s8;
	s6 =	sor.u32 $0x1C02, s31;
	s8 =	sadd.s32 $0x19E00, s9  }
0xe: {  	s9 =	smax.u32 s10, $0x1;
	s10 =	sshrl.u32 s11, $0x3;
	s11 =	simm.s32 $0x2  }
.LBB2_1:
0xf: {  	[spmem:s10], [sflag:s6] =	dma.local [hbm:s4], $0x2800  }
0x10: {  	_ =	swait.ge [sflag:s11], $0x2800  }
0x11: {  	[sflag:s11] =	ssyncset.done $0x0  }
0x12: {  	[sflag:s11] =	ssyncadd.s32 $0xFFFFD800  }
0x13: {  	[tilespmem:s12], [sflag:$0x2] =	stream.linear.gather [hbm4b:s5+s3], $0x4000, $0x38;
	[tilespmem:$0x1A800] =	vst v63  }
0x14: {  	_ =	swait.ge [sflag:s11], $0x4000  }
0x15: {  	[sflag:s11] =	ssyncset.done $0x0  }
0x16: {  	[sflag:s11] =	ssyncadd.s32 $0xFFFFC000  }
0x17: {  	[tilespmem:s3], [sflag:$0x2] =	stream.linear.gather [hbm4b:s7+s3], $0x2800, $0x38;
	[tilespmem:$0x1A800] =	vst v63  }
0x18: {  	_ =	swait.ge [sflag:s11], $0x2800  }
0x19: {  	[sflag:s11] =	ssyncset.done $0x0  }
0x1a: {  	[sflag:s11] =	ssyncadd.s32 $0xFFFFD800  }
0x1b: {  	s16 =	simm.s32 $0x0;
	[bflag:$0x0] =	sbarrier.arrive $0xFFFF  }
0x1c: {  	[spmem:s2] =	stream.indirect.scatter.add.f32 [tilespmem:s12], [sflag:$0x1], $0x80, s16, s13, $0xb8;
	[tilespmem:$0x1A800] =	vst v63  }
0x1d: {  	s24 =	simm.s32 $0x80  }
0x1e: {  	[spmem:s2] =	stream.indirect.scatter.add.f32 [tilespmem:s12], [sflag:$0x1], $0x80, s24, s13, $0xb8;
	[tilespmem:$0x1A800] =	vst v63  }
0x1f: {  	s25 =	simm.s32 $0x100  }
0x20: {  	[spmem:s2] =	stream.indirect.scatter.add.f32 [tilespmem:s12], [sflag:$0x1], $0x80, s25, s13, $0xb8;
	[tilespmem:$0x1A800] =	vst v63  }
0x21: {  	s26 =	simm.s32 $0x180  }
0x22: {  	[spmem:s2] =	stream.indirect.scatter.add.f32 [tilespmem:s12], [sflag:$0x1], $0x80, s26, s13, $0xb8;
	[tilespmem:$0x1A800] =	vst v63  }
0x23: {  	s28 =	simm.s32 $0x200  }
0x24: {  	[spmem:s2] =	stream.indirect.scatter.add.f32 [tilespmem:s12], [sflag:$0x1], $0x80, s28, s13, $0xb8;
	[tilespmem:$0x1A800] =	vst v63  }
0x25: {  	s29 =	simm.s32 $0x280  }
0x26: {  	[spmem:s2] =	stream.indirect.scatter.add.f32 [tilespmem:s12], [sflag:$0x1], $0x80, s29, s13, $0xb8;
	[tilespmem:$0x1A800] =	vst v63  }
0x27: {  	s30 =	simm.s32 $0x300  }
0x28: {  	[spmem:s2] =	stream.indirect.scatter.add.f32 [tilespmem:s12], [sflag:$0x1], $0x80, s30, s13, $0xb8;
	[tilespmem:$0x1A800] =	vst v63  }
0x29: {  	s31 =	simm.s32 $0x380  }
0x2a: {  	[spmem:s2] =	stream.indirect.scatter.add.f32 [tilespmem:s12], [sflag:$0x1], $0x80, s31, s13, $0xb8;
	[tilespmem:$0x1A800] =	vst v63  }
0x2b: {  	_ =	swait.ge [sflag:s14], $0x4000  }
0x2c: {  	[sflag:s14] =	ssyncset.done $0x0  }
0x2d: {  	[sflag:s14] =	ssyncadd.s32 $0xFFFFC000  }
0x2e: {  	_ =	swait.ge [sflag:s14], $0x4000  }
0x2f: {  	[sflag:s14] =	ssyncset.done $0x0  }
0x30: {  	[sflag:s14] =	ssyncadd.s32 $0xFFFFC000  }
0x31: {  	_ =	swait.ge [sflag:s14], $0x4000  }
0x32: {  	[sflag:s14] =	ssyncset.done $0x0  }
0x33: {  	[sflag:s14] =	ssyncadd.s32 $0xFFFFC000  }
0x34: {  	_ =	swait.ge [sflag:s14], $0x4000  }
0x35: {  	[sflag:s14] =	ssyncset.done $0x0  }
0x36: {  	[sflag:s14] =	ssyncadd.s32 $0xFFFFC000  }
0x37: {  	_ =	swait.ge [sflag:s14], $0x4000  }
0x38: {  	[sflag:s14] =	ssyncset.done $0x0  }
0x39: {  	[sflag:s14] =	ssyncadd.s32 $0xFFFFC000  }
0x3a: {  	_ =	swait.ge [sflag:s14], $0x4000  }
0x3b: {  	[sflag:s14] =	ssyncset.done $0x0  }
0x3c: {  	[sflag:s14] =	ssyncadd.s32 $0xFFFFC000  }
0x3d: {  	_ =	swait.ge [sflag:s14], $0x4000  }
0x3e: {  	[sflag:s14] =	ssyncset.done $0x0  }
0x3f: {  	[sflag:s14] =	ssyncadd.s32 $0xFFFFC000  }
0x40: {  	_ =	swait.ge [sflag:s14], $0x4000  }
0x41: {  	s18 =	simm.s32 $0x2000;
	s16 =	simm.s32 $0x1000;
	[sflag:s14] =	ssyncset.done $0x0  }
.LBB2_2:
0x42: {  	s19 =	sshra.s32 s16, $0x2  }
0x43: {  	[sflag:s14] =	ssyncadd.s32 $0xFFFFC000;
	s16 =	smov.u32 s18;
	s17 =	sadd.s32 $0x1000, s18  }
0x44: {  	[spmem:s2] =	stream.indirect.scatter.add.f32 [tilespmem:s12], [sflag:$0x1], $0x80, s19, s13, $0xb8;
	[tilespmem:$0x1A800] =	vst v63  }
0x45: {  	p0 =	sne.s32 s18, $0x9000;
	s18 =	sadd.s32 $0x80, s19  }
0x46: {  	[spmem:s2] =	stream.indirect.scatter.add.f32 [tilespmem:s12], [sflag:$0x1], $0x80, s18, s13, $0xb8;
	[tilespmem:$0x1A800] =	vst v63  }
0x47: {  	s18 =	sadd.s32 $0x100, s19  }
0x48: {  	[spmem:s2] =	stream.indirect.scatter.add.f32 [tilespmem:s12], [sflag:$0x1], $0x80, s18, s13, $0xb8;
	[tilespmem:$0x1A800] =	vst v63  }
0x49: {  	s18 =	sadd.s32 $0x180, s19  }
0x4a: {  	[spmem:s2] =	stream.indirect.scatter.add.f32 [tilespmem:s12], [sflag:$0x1], $0x80, s18, s13, $0xb8;
	[tilespmem:$0x1A800] =	vst v63  }
0x4b: {  	s18 =	sadd.s32 $0x200, s19  }
0x4c: {  	[spmem:s2] =	stream.indirect.scatter.add.f32 [tilespmem:s12], [sflag:$0x1], $0x80, s18, s13, $0xb8;
	[tilespmem:$0x1A800] =	vst v63  }
0x4d: {  	s18 =	sadd.s32 $0x280, s19  }
0x4e: {  	[spmem:s2] =	stream.indirect.scatter.add.f32 [tilespmem:s12], [sflag:$0x1], $0x80, s18, s13, $0xb8;
	[tilespmem:$0x1A800] =	vst v63  }
0x4f: {  	s18 =	sadd.s32 $0x300, s19  }
0x50: {  	[spmem:s2] =	stream.indirect.scatter.add.f32 [tilespmem:s12], [sflag:$0x1], $0x80, s18, s13, $0xb8;
	[tilespmem:$0x1A800] =	vst v63  }
0x51: {  	s18 =	sadd.s32 $0x380, s19  }
0x52: {  	[spmem:s2] =	stream.indirect.scatter.add.f32 [tilespmem:s12], [sflag:$0x1], $0x80, s18, s13, $0xb8;
	[tilespmem:$0x1A800] =	vst v63  }
0x53: {  	_ =	swait.ge [sflag:s14], $0x4000  }
0x54: {  	[sflag:s14] =	ssyncset.done $0x0  }
0x55: {  	[sflag:s14] =	ssyncadd.s32 $0xFFFFC000  }
0x56: {  	_ =	swait.ge [sflag:s14], $0x4000  }
0x57: {  	[sflag:s14] =	ssyncset.done $0x0  }
0x58: {  	[sflag:s14] =	ssyncadd.s32 $0xFFFFC000  }
0x59: {  	_ =	swait.ge [sflag:s14], $0x4000  }
0x5a: {  	[sflag:s14] =	ssyncset.done $0x0  }
0x5b: {  	[sflag:s14] =	ssyncadd.s32 $0xFFFFC000  }
0x5c: {  	_ =	swait.ge [sflag:s14], $0x4000  }
0x5d: {  	[sflag:s14] =	ssyncset.done $0x0  }
0x5e: {  	[sflag:s14] =	ssyncadd.s32 $0xFFFFC000  }
0x5f: {  	_ =	swait.ge [sflag:s14], $0x4000  }
0x60: {  	[sflag:s14] =	ssyncset.done $0x0  }
0x61: {  	[sflag:s14] =	ssyncadd.s32 $0xFFFFC000  }
0x62: {  	_ =	swait.ge [sflag:s14], $0x4000  }
0x63: {  	[sflag:s14] =	ssyncset.done $0x0  }
0x64: {  	[sflag:s14] =	ssyncadd.s32 $0xFFFFC000  }
.Ltmp0:
0x65: {  	_ =	swait.ge [sflag:s14], $0x4000;
	(pc) =	sbr.rel @p0 .LBB2_2-.Ltmp0, $4  }
0x66: {  	[sflag:s14] =	ssyncset.done $0x0  }
0x67: {  	[sflag:s14] =	ssyncadd.s32 $0xFFFFC000  }
0x68: {  	_ =	swait.ge [sflag:s14], $0x4000  }
0x69: {  	s18 =	smov.u32 s17;
	[sflag:s14] =	ssyncset.done $0x0  }
0x6a: {  	s16 =	sshra.s32 s16, $0x2;
	[sflag:s14] =	ssyncadd.s32 $0xFFFFC000  }
0x6b: {  	[spmem:s2] =	stream.indirect.scatter.add.f32 [tilespmem:s12], [sflag:$0x1], $0x80, s16, s13, $0xb8;
	[tilespmem:$0x1A800] =	vst v63  }
0x6c: {  	s17 =	sadd.s32 $0x80, s16  }
0x6d: {  	[spmem:s2] =	stream.indirect.scatter.add.f32 [tilespmem:s12], [sflag:$0x1], $0x80, s17, s13, $0xb8;
	[tilespmem:$0x1A800] =	vst v63  }
0x6e: {  	s26 =	sadd.s32 $0x100, s16  }
0x6f: {  	[spmem:s2] =	stream.indirect.scatter.add.f32 [tilespmem:s12], [sflag:$0x1], $0x80, s26, s13, $0xb8;
	[tilespmem:$0x1A800] =	vst v63  }
0x70: {  	s28 =	sadd.s32 $0x180, s16  }
0x71: {  	[spmem:s2] =	stream.indirect.scatter.add.f32 [tilespmem:s12], [sflag:$0x1], $0x80, s28, s13, $0xb8;
	[tilespmem:$0x1A800] =	vst v63  }
0x72: {  	s29 =	sadd.s32 $0x200, s16  }
0x73: {  	[spmem:s2] =	stream.indirect.scatter.add.f32 [tilespmem:s12], [sflag:$0x1], $0x80, s29, s13, $0xb8;
	[tilespmem:$0x1A800] =	vst v63  }
0x74: {  	s30 =	sadd.s32 $0x280, s16  }
0x75: {  	[spmem:s2] =	stream.indirect.scatter.add.f32 [tilespmem:s12], [sflag:$0x1], $0x80, s30, s13, $0xb8;
	[tilespmem:$0x1A800] =	vst v63  }
0x76: {  	s31 =	sadd.s32 $0x300, s16  }
0x77: {  	[spmem:s2] =	stream.indirect.scatter.add.f32 [tilespmem:s12], [sflag:$0x1], $0x80, s31, s13, $0xb8;
	[tilespmem:$0x1A800] =	vst v63  }
0x78: {  	s16 =	sadd.s32 $0x380, s16  }
0x79: {  	[spmem:s2] =	stream.indirect.scatter.add.f32 [tilespmem:s12], [sflag:$0x1], $0x80, s16, s13, $0xb8;
	[tilespmem:$0x1A800] =	vst v63  }
0x7a: {  	_ =	swait.ge [sflag:s14], $0x4000  }
0x7b: {  	[sflag:s14] =	ssyncset.done $0x0  }
0x7c: {  	[sflag:s14] =	ssyncadd.s32 $0xFFFFC000  }
0x7d: {  	_ =	swait.ge [sflag:s14], $0x4000  }
0x7e: {  	[sflag:s14] =	ssyncset.done $0x0  }
0x7f: {  	[sflag:s14] =	ssyncadd.s32 $0xFFFFC000  }
0x80: {  	_ =	swait.ge [sflag:s14], $0x4000  }
0x81: {  	[sflag:s14] =	ssyncset.done $0x0  }
0x82: {  	[sflag:s14] =	ssyncadd.s32 $0xFFFFC000  }
0x83: {  	_ =	swait.ge [sflag:s14], $0x4000  }
0x84: {  	[sflag:s14] =	ssyncset.done $0x0  }
0x85: {  	[sflag:s14] =	ssyncadd.s32 $0xFFFFC000  }
0x86: {  	_ =	swait.ge [sflag:s14], $0x4000  }
0x87: {  	[sflag:s14] =	ssyncset.done $0x0  }
0x88: {  	[sflag:s14] =	ssyncadd.s32 $0xFFFFC000  }
0x89: {  	_ =	swait.ge [sflag:s14], $0x4000  }
0x8a: {  	[sflag:s14] =	ssyncset.done $0x0  }
0x8b: {  	[sflag:s14] =	ssyncadd.s32 $0xFFFFC000  }
0x8c: {  	_ =	swait.ge [sflag:s14], $0x4000  }
0x8d: {  	[sflag:s14] =	ssyncset.done $0x0  }
0x8e: {  	[sflag:s14] =	ssyncadd.s32 $0xFFFFC000  }
0x8f: {  	_ =	swait.ge [sflag:s14], $0x4000  }
0x90: {  	s15 =	sadd.s32 $0x1, s15;
	[sflag:s14] =	ssyncset.done $0x0  }
0x91: {  	p0 =	sne.s32 s15, s9;
	[sflag:s14] =	ssyncadd.s32 $0xFFFFC000  }
.Ltmp1:
0x92: {  	[bflag:$0x0] =	sbarrier.arrive $0xFFFF;
	(pc) =	sbr.rel @p0 .LBB2_1-.Ltmp1, $4  }
0x93: {  	[hbm:s8], [sflag:s6] =	dma.local [spmem:s10], $0x2800  }
0x94: {  	_ =	swait.ge [sflag:s11], $0x2800  }
0x95: {  	[sflag:s11] =	ssyncset.done $0x0  }
0x96: {  	[sflag:s11] =	ssyncadd.s32 $0xFFFFD800  }
0x97: {  	_ =	sfence.sel $0x180000  }
0x98: {  	[bflag:$0x0] =	sbarrier.arrive $0xFFFF  }
0x99: {  	p0 =	sne.s32 s1, $0x0;
	_ =	strace $0x90000047  }
0x9a: {  	s0 =	sadd.s32 @!p0 $0x100000, s0;
	[bflag:$0x2] =	sbarrier.arrive $0xFFFF  }
0x9b: {  	[sflag:s0] =	ssyncadd.tile.s32 @!p0 $0x1;
	_ =	shalt  }
.Lfunc_end2:
_tile_overlayer_lowered:
.L_overlay_start_2:
0x9c: {  	(tag) =	ssettag $0x2  }
0x9d: {  	s0 =	rddreg [dreg:$0x0];
	s2 =	stileid.u32  }
0x9e: {  	s1 =	rddreg [dreg:$0x1];
	p0 =	sne.s32 s2, $0x0  }
0x9f: {  	s3 =	rddreg [dreg:$0x2];
	[bflag:$0x3] =	sbarrier.arrive $0xFFFF;
	s2 =	simm.s32 @!p0 $0x1C02  }
0xa0: {  	[timem:s3], [sflag:s2] =	dma.local @!p0 [hbm:s0], s1  }
0xa1: {  	s0 =	simm.s32 @!p0 $0x2  }
0xa2: {  	_ =	swait.ge @!p0 [sflag:s0], s1  }
0xa3: {  	s1 =	ssub.s32 @!p0 $0x0, s1;
	[sflag:s0] =	ssyncset.done @!p0 $0x0  }
0xa4: {  	[sflag:s0] =	ssyncadd.s32 @!p0 s1  }
0xa5: {  	[bflag:$0x3] =	sbarrier.arrive $0xFFFF  }
0xa6: {  	_ =	shalt  }

</sc_bundles>
